<compile_context>
chip_gen: v7x
topology: tpu7x:2x2x1
jax: 0.10.2.dev20260603
libtpu: 0.0.44.dev20260713+nightly
codegen_flags: <defaults>
</compile_context>

<pallas_src>
import functools

import jax
import jax.numpy as jnp
from jax import lax
from jax.experimental import pallas as pl
from jax.experimental.pallas import tpu as pltpu
from jax.experimental.pallas import tpu_sc as plsc

_L = 16
_NW = 32
_S = 10
_C = 80
_U = 2 * _C


@functools.lru_cache(maxsize=None)
def _make_sc_agg(B: int, D: int):
    assert B % _U == 0
    units = B // _U
    pa = -(-units // _NW)
    pb = pa - 1
    na = units - _NW * pb
    assert 0 < na <= _NW
    win = _S * _U * pa
    mesh = plsc.VectorSubcoreMesh(core_axis_name="c", subcore_axis_name="s")

    @functools.partial(
        pl.kernel,
        mesh=mesh,
        out_type=jax.ShapeDtypeStruct((B, D), jnp.float32),
        scratch_types=[
            pltpu.VMEM((win,), jnp.int32),
            pltpu.VMEM((2, _C, D), jnp.float32),
            pltpu.SemaphoreType.DMA,
            pltpu.SemaphoreType.DMA,
        ],
    )
    def k(features_hbm, idx_hbm, out_hbm, idx_v, acc_v, sem0, sem1):
        cid = lax.axis_index("c")
        sid = lax.axis_index("s")
        wid = sid * 2 + cid
        isa = wid < na
        n_pairs = jnp.where(isa, pa, pb)
        pair_base = jnp.where(isa, wid * pa, na * pa + (wid - na) * pb)
        w_node_base = pair_base * _U
        bpw = n_pairs * _U
        sems = (sem0, sem1)

        pltpu.sync_copy(idx_hbm.at[pl.ds(w_node_base * _S, win)], idx_v)

        def zero(buf):
            def zbody(n, c2):
                for d in range(D // _L):
                    acc_v[buf, n, pl.ds(d * _L, _L)] = jnp.zeros((_L,), jnp.float32)
                return c2

            lax.fori_loop(0, _C, zbody, 0)

        def fire(ci, buf):
            for s in range(_S):
                pltpu.async_copy(
                    features_hbm.at[idx_v.at[pl.ds(s * bpw + ci * _C, _C)]],
                    acc_v.at[buf],
                    sems[buf],
                    add=True,
                )

        def drain(buf):
            for _ in range(_S):
                pltpu.make_async_copy(
                    features_hbm.at[pl.ds(0, _C)], acc_v.at[buf], sems[buf]
                ).wait()

        def scale_store(ci, buf):
            def sbody(n, c2):
                for d in range(D // _L):
                    acc_v[buf, n, pl.ds(d * _L, _L)] = acc_v[
                        buf, n, pl.ds(d * _L, _L)
                    ] * (1.0 / _S)
                return c2

            lax.fori_loop(0, _C, sbody, 0)
            nbase = w_node_base + ci * _C
            pltpu.sync_copy(acc_v.at[buf], out_hbm.at[pl.ds(nbase, _C)])

        zero(0)
        fire(0, 0)

        def pair_body(g, carry):
            c0 = 2 * g
            zero(1)
            fire(c0 + 1, 1)
            drain(0)
            scale_store(c0, 0)

            @pl.when(g < n_pairs - 1)
            def _():
                zero(0)
                fire(c0 + 2, 0)

            drain(1)
            scale_store(c0 + 1, 1)
            return carry

        lax.fori_loop(0, n_pairs, pair_body, 0)

    return k, na, pa, pb


def kernel(nodes, neigh_idx, features):
    B, S = neigh_idx.shape
    D = features.shape[1]
    assert S == _S
    k, na, pa, pb = _make_sc_agg(B, D)
    nb = _NW - na
    idx = neigh_idx.astype(jnp.int32)
    split = na * pa * _U
    part_a = idx[:split].reshape(na, pa * _U, S).transpose(0, 2, 1).reshape(-1)
    part_b = idx[split:].reshape(nb, pb * _U, S).transpose(0, 2, 1).reshape(-1)
    idx_t = jnp.concatenate([part_a, part_b])
    idx_t = jnp.pad(idx_t, (0, _S * _U * (pa - pb)))
    return k(features, idx_t)

# --- scband reference (transcript-rebuilt; emitter-appended) ---
"""Pipeline reference for scband-mean-aggregator-42502996361303 (READ-ONLY COPY).

The authoritative reference and input builder live on the scoring server;
editing this copy changes nothing except your own understanding.
"""

import jax, jax.numpy as jnp
import numpy as np

N_NODES = 100000
D_FEAT = 128
NUM_SAMPLE = 10

def setup_inputs(seed: int = 0) -> dict:
    key = jax.random.key(seed)
    k1, k2 = jax.random.split(key)
    nodes = jnp.arange(N_NODES, dtype=jnp.int64 if jax.config.jax_enable_x64 else jnp.int32)
    neigh_idx = jax.random.randint(k1, (N_NODES, NUM_SAMPLE), 0, N_NODES)
    features = jax.random.normal(k2, (N_NODES, D_FEAT), dtype=jnp.float32)
    return {"nodes": nodes, "neigh_idx": neigh_idx, "features": features}

def reference(nodes, neigh_idx, features):
    # Tensorized MeanAggregator: every node has a fixed sample of NUM_SAMPLE
    # neighbors (pre-sampled into neigh_idx, replacing random.sample from the
    # torch reference's adj_lists dict). Gather neighbor features and mean.
    neighbor_feats = jnp.take(features, neigh_idx, axis=0)  # [B, num_sample, d]
    agg_feats = jnp.mean(neighbor_feats, axis=1)            # [B, d]
    return agg_feats

if __name__ == "__main__":
    import jax
    _d = setup_inputs()
    print(jax.jit(kernel)(*tuple(_d.values())))

</pallas_src>

<mosaic_0001>
#map = affine_map<(d0, d1) -> (0, 0)>
#map1 = affine_map<(d0, d1) -> (0)>
module attributes {stable_mosaic.version = 14 : i64} {
  func.func @k(%arg0: i32, %arg1: i32, %arg2: memref<100000x128xf32, #tpu.memory_space<hbm>>, %arg3: memref<1001600xi32, #tpu.memory_space<hbm>>, %arg4: memref<100000x128xf32, #tpu.memory_space<hbm>>, %arg5: memref<32000xi32, #tpu.memory_space<vmem>>, %arg6: memref<2x80x128xf32, #tpu.memory_space<vmem>>, %arg7: memref<!tpu.dma_semaphore, #tpu.memory_space<semaphore_mem>>, %arg8: memref<!tpu.dma_semaphore, #tpu.memory_space<semaphore_mem>>) attributes {dimension_semantics = [#tpu.dimension_semantics<core_parallel>, #tpu.dimension_semantics<subcore_parallel>], iteration_bounds = array<i64: 2, 16>, scalar_prefetch = 0 : i64, scratch_operands = 4 : i64, tpu.core_type = #tpu.core_type<sc_vector_subcore>, window_params = [{transform_indices = #map}, {transform_indices = #map1}, {transform_indices = #map}]} {
    %mul3A = arith.constant 2 : i32
    %mul3A_0 = arith.muli %arg1, %mul3A : i32
    %add3A = arith.addi %mul3A_0, %arg0 : i32
    %lt3A = arith.constant 17 : i32
    %lt3A_1 = arith.cmpi slt, %add3A, %lt3A : i32
    %jit3A = arith.constant 20 : i32
    %jit3A_2 = arith.constant 19 : i32
    %select_n3A = arith.select %lt3A_1, %jit3A, %jit3A_2 : i32
    %mul3A_3 = arith.constant 20 : i32
    %mul3A_4 = arith.muli %add3A, %mul3A_3 : i32
    %sub3A = arith.constant 17 : i32
    %sub3A_5 = arith.subi %add3A, %sub3A : i32
    %mul3A_6 = arith.constant 19 : i32
    %mul3A_7 = arith.muli %sub3A_5, %mul3A_6 : i32
    %add3A_8 = arith.constant 340 : i32
    %add3A_9 = arith.addi %add3A_8, %mul3A_7 : i32
    %select_n3A_10 = arith.select %lt3A_1, %mul3A_4, %add3A_9 : i32
    %mul3A_11 = arith.constant 160 : i32
    %mul3A_12 = arith.muli %select_n3A_10, %mul3A_11 : i32
    %mul3A_13 = arith.constant 160 : i32
    %mul3A_14 = arith.muli %select_n3A, %mul3A_13 : i32
    %mul3A_15 = arith.constant 10 : i32
    %mul3A_16 = arith.muli %mul3A_12, %mul3A_15 : i32
    "tpu.region"() ({
      %run_scoped3A = tpu.sem_alloc : memref<!tpu.dma_semaphore, #tpu.memory_space<semaphore_mem>>
      %dma_start3A_160 = tpu.memref_slice %arg3[%mul3A_16] : memref<1001600xi32, #tpu.memory_space<hbm>> -> memref<32000xi32, #tpu.memory_space<hbm>>
      %dma_start3A_161 = tpu.memref_slice %arg3[%mul3A_16] : memref<1001600xi32, #tpu.memory_space<hbm>> -> memref<32000xi32, #tpu.memory_space<hbm>>
      tpu.enqueue_dma source(%dma_start3A_161 : memref<32000xi32, #tpu.memory_space<hbm>>) target(%arg5 : memref<32000xi32, #tpu.memory_space<vmem>>) target_semaphore(%run_scoped3A : memref<!tpu.dma_semaphore, #tpu.memory_space<semaphore_mem>>)
      %dma_wait3A = tpu.memref_slice %arg3[%mul3A_16] : memref<1001600xi32, #tpu.memory_space<hbm>> -> memref<32000xi32, #tpu.memory_space<hbm>>
      %dma_wait3A_162 = tpu.memref_slice %arg3[%mul3A_16] : memref<1001600xi32, #tpu.memory_space<hbm>> -> memref<32000xi32, #tpu.memory_space<hbm>>
      tpu.wait_dma2 semaphore(%run_scoped3A : memref<!tpu.dma_semaphore, #tpu.memory_space<semaphore_mem>>) src(%dma_wait3A_162 : memref<32000xi32, #tpu.memory_space<hbm>>) dst(%arg5 : memref<32000xi32, #tpu.memory_space<vmem>>)
      tpu.yield
    }) : () -> ()
    %scan3A = arith.constant 0 : i32
    %scan3A_17 = arith.constant 0 : i32
    %scan3A_18 = arith.constant 80 : i32
    %scan3A_19 = arith.addi %scan3A_17, %scan3A_18 : i32
    %scan3A_20 = arith.constant 1 : i32
    scf.for %scan3A_160 = %scan3A_17 to %scan3A_19 step %scan3A_20  : i32 {
      %broadcast_in_dim3A = arith.constant 0.000000e+00 : f32
      %broadcast_in_dim3A_161 = vector.broadcast %broadcast_in_dim3A : f32 to vector<16xf32>
      %swap3A = arith.constant 0 : i32
      %swap3A_162 = arith.index_cast %swap3A : i32 to index
      %swap3A_163 = arith.index_cast %scan3A_160 : i32 to index
      %swap3A_164 = arith.constant 0 : index
      %swap3A_165 = tpu.vector_load %arg6[%swap3A_162, %swap3A_163, %swap3A_164] {strides = array<i32>} : memref<2x80x128xf32, #tpu.memory_space<vmem>>, vector<1x1x16xf32>,
      %swap3A_166 = vector.shape_cast %swap3A_165 : vector<1x1x16xf32> to vector<16xf32>
      %swap3A_167 = vector.shape_cast %broadcast_in_dim3A_161 : vector<16xf32> to vector<1x1x16xf32>
      tpu.vector_store %arg6[%swap3A_162, %swap3A_163, %swap3A_164], %swap3A_167 {strides = array<i32>} : memref<2x80x128xf32, #tpu.memory_space<vmem>>, vector<1x1x16xf32>,
      %broadcast_in_dim3A_168 = arith.constant 0.000000e+00 : f32
      %broadcast_in_dim3A_169 = vector.broadcast %broadcast_in_dim3A_168 : f32 to vector<16xf32>
      %swap3A_170 = arith.constant 0 : i32
      %swap3A_171 = arith.index_cast %swap3A_170 : i32 to index
      %swap3A_172 = arith.index_cast %scan3A_160 : i32 to index
      %swap3A_173 = arith.constant 16 : index
      %swap3A_174 = tpu.vector_load %arg6[%swap3A_171, %swap3A_172, %swap3A_173] {strides = array<i32>} : memref<2x80x128xf32, #tpu.memory_space<vmem>>, vector<1x1x16xf32>,
      %swap3A_175 = vector.shape_cast %swap3A_174 : vector<1x1x16xf32> to vector<16xf32>
      %swap3A_176 = vector.shape_cast %broadcast_in_dim3A_169 : vector<16xf32> to vector<1x1x16xf32>
      tpu.vector_store %arg6[%swap3A_171, %swap3A_172, %swap3A_173], %swap3A_176 {strides = array<i32>} : memref<2x80x128xf32, #tpu.memory_space<vmem>>, vector<1x1x16xf32>,
      %broadcast_in_dim3A_177 = arith.constant 0.000000e+00 : f32
      %broadcast_in_dim3A_178 = vector.broadcast %broadcast_in_dim3A_177 : f32 to vector<16xf32>
      %swap3A_179 = arith.constant 0 : i32
      %swap3A_180 = arith.index_cast %swap3A_179 : i32 to index
      %swap3A_181 = arith.index_cast %scan3A_160 : i32 to index
      %swap3A_182 = arith.constant 32 : index
      %swap3A_183 = tpu.vector_load %arg6[%swap3A_180, %swap3A_181, %swap3A_182] {strides = array<i32>} : memref<2x80x128xf32, #tpu.memory_space<vmem>>, vector<1x1x16xf32>,
      %swap3A_184 = vector.shape_cast %swap3A_183 : vector<1x1x16xf32> to vector<16xf32>
      %swap3A_185 = vector.shape_cast %broadcast_in_dim3A_178 : vector<16xf32> to vector<1x1x16xf32>
      tpu.vector_store %arg6[%swap3A_180, %swap3A_181, %swap3A_182], %swap3A_185 {strides = array<i32>} : memref<2x80x128xf32, #tpu.memory_space<vmem>>, vector<1x1x16xf32>,
      %broadcast_in_dim3A_186 = arith.constant 0.000000e+00 : f32
      %broadcast_in_dim3A_187 = vector.broadcast %broadcast_in_dim3A_186 : f32 to vector<16xf32>
      %swap3A_188 = arith.constant 0 : i32
      %swap3A_189 = arith.index_cast %swap3A_188 : i32 to index
      %swap3A_190 = arith.index_cast %scan3A_160 : i32 to index
      %swap3A_191 = arith.constant 48 : index
      %swap3A_192 = tpu.vector_load %arg6[%swap3A_189, %swap3A_190, %swap3A_191] {strides = array<i32>} : memref<2x80x128xf32, #tpu.memory_space<vmem>>, vector<1x1x16xf32>,
      %swap3A_193 = vector.shape_cast %swap3A_192 : vector<1x1x16xf32> to vector<16xf32>
      %swap3A_194 = vector.shape_cast %broadcast_in_dim3A_187 : vector<16xf32> to vector<1x1x16xf32>
      tpu.vector_store %arg6[%swap3A_189, %swap3A_190, %swap3A_191], %swap3A_194 {strides = array<i32>} : memref<2x80x128xf32, #tpu.memory_space<vmem>>, vector<1x1x16xf32>,
      %broadcast_in_dim3A_195 = arith.constant 0.000000e+00 : f32
      %broadcast_in_dim3A_196 = vector.broadcast %broadcast_in_dim3A_195 : f32 to vector<16xf32>
      %swap3A_197 = arith.constant 0 : i32
      %swap3A_198 = arith.index_cast %swap3A_197 : i32 to index
      %swap3A_199 = arith.index_cast %scan3A_160 : i32 to index
      %swap3A_200 = arith.constant 64 : index
      %swap3A_201 = tpu.vector_load %arg6[%swap3A_198, %swap3A_199, %swap3A_200] {strides = array<i32>} : memref<2x80x128xf32, #tpu.memory_space<vmem>>, vector<1x1x16xf32>,
      %swap3A_202 = vector.shape_cast %swap3A_201 : vector<1x1x16xf32> to vector<16xf32>
      %swap3A_203 = vector.shape_cast %broadcast_in_dim3A_196 : vector<16xf32> to vector<1x1x16xf32>
      tpu.vector_store %arg6[%swap3A_198, %swap3A_199, %swap3A_200], %swap3A_203 {strides = array<i32>} : memref<2x80x128xf32, #tpu.memory_space<vmem>>, vector<1x1x16xf32>,
      %broadcast_in_dim3A_204 = arith.constant 0.000000e+00 : f32
      %broadcast_in_dim3A_205 = vector.broadcast %broadcast_in_dim3A_204 : f32 to vector<16xf32>
      %swap3A_206 = arith.constant 0 : i32
      %swap3A_207 = arith.index_cast %swap3A_206 : i32 to index
      %swap3A_208 = arith.index_cast %scan3A_160 : i32 to index
      %swap3A_209 = arith.constant 80 : index
      %swap3A_210 = tpu.vector_load %arg6[%swap3A_207, %swap3A_208, %swap3A_209] {strides = array<i32>} : memref<2x80x128xf32, #tpu.memory_space<vmem>>, vector<1x1x16xf32>,
      %swap3A_211 = vector.shape_cast %swap3A_210 : vector<1x1x16xf32> to vector<16xf32>
      %swap3A_212 = vector.shape_cast %broadcast_in_dim3A_205 : vector<16xf32> to vector<1x1x16xf32>
      tpu.vector_store %arg6[%swap3A_207, %swap3A_208, %swap3A_209], %swap3A_212 {strides = array<i32>} : memref<2x80x128xf32, #tpu.memory_space<vmem>>, vector<1x1x16xf32>,
      %broadcast_in_dim3A_213 = arith.constant 0.000000e+00 : f32
      %broadcast_in_dim3A_214 = vector.broadcast %broadcast_in_dim3A_213 : f32 to vector<16xf32>
      %swap3A_215 = arith.constant 0 : i32
      %swap3A_216 = arith.index_cast %swap3A_215 : i32 to index
      %swap3A_217 = arith.index_cast %scan3A_160 : i32 to index
      %swap3A_218 = arith.constant 96 : index
      %swap3A_219 = tpu.vector_load %arg6[%swap3A_216, %swap3A_217, %swap3A_218] {strides = array<i32>} : memref<2x80x128xf32, #tpu.memory_space<vmem>>, vector<1x1x16xf32>,
      %swap3A_220 = vector.shape_cast %swap3A_219 : vector<1x1x16xf32> to vector<16xf32>
      %swap3A_221 = vector.shape_cast %broadcast_in_dim3A_214 : vector<16xf32> to vector<1x1x16xf32>
      tpu.vector_store %arg6[%swap3A_216, %swap3A_217, %swap3A_218], %swap3A_221 {strides = array<i32>} : memref<2x80x128xf32, #tpu.memory_space<vmem>>, vector<1x1x16xf32>,
      %broadcast_in_dim3A_222 = arith.constant 0.000000e+00 : f32
      %broadcast_in_dim3A_223 = vector.broadcast %broadcast_in_dim3A_222 : f32 to vector<16xf32>
      %swap3A_224 = arith.constant 0 : i32
      %swap3A_225 = arith.index_cast %swap3A_224 : i32 to index
      %swap3A_226 = arith.index_cast %scan3A_160 : i32 to index
      %swap3A_227 = arith.constant 112 : index
      %swap3A_228 = tpu.vector_load %arg6[%swap3A_225, %swap3A_226, %swap3A_227] {strides = array<i32>} : memref<2x80x128xf32, #tpu.memory_space<vmem>>, vector<1x1x16xf32>,
      %swap3A_229 = vector.shape_cast %swap3A_228 : vector<1x1x16xf32> to vector<16xf32>
      %swap3A_230 = vector.shape_cast %broadcast_in_dim3A_223 : vector<16xf32> to vector<1x1x16xf32>
      tpu.vector_store %arg6[%swap3A_225, %swap3A_226, %swap3A_227], %swap3A_230 {strides = array<i32>} : memref<2x80x128xf32, #tpu.memory_space<vmem>>, vector<1x1x16xf32>,
    }
    %scan3A_21 = arith.constant 80 : i32
    %mul3A_22 = arith.constant 0 : i32
    %mul3A_23 = arith.muli %mul3A_22, %mul3A_14 : i32
    %add3A_24 = arith.constant 0 : i32
    %add3A_25 = arith.addi %mul3A_23, %add3A_24 : i32
    %dma_start3A = arith.constant 0 : i32
    %dma_start3A_26 = arith.constant 0 : i32
    %dma_start3A_27 = arith.constant 0 : i32
    %dma_start3A_28 = tpu.memref_slice %arg6[%dma_start3A, %dma_start3A_26, %dma_start3A_27] : memref<2x80x128xf32, #tpu.memory_space<vmem>> -> memref<1x80x128xf32, #tpu.memory_space<vmem>>
    %dma_start3A_29 = tpu.memref_squeeze %dma_start3A_28 : memref<1x80x128xf32, #tpu.memory_space<vmem>> -> memref<80x128xf32, #tpu.memory_space<vmem>>
    %dma_start3A_30 = tpu.memref_slice %arg5[%add3A_25] : memref<32000xi32, #tpu.memory_space<vmem>> -> memref<80xi32, #tpu.memory_space<vmem>>
    %dma_start3A_31 = arith.constant 0 : i32
    %dma_start3A_32 = arith.constant 0 : i32
    %dma_start3A_33 = tpu.memref_slice %arg2[%dma_start3A_31, %dma_start3A_32] : memref<100000x128xf32, #tpu.memory_space<hbm>> -> memref<100000x128xf32, #tpu.memory_space<hbm>>
    tpu.enqueue_indirect_dma source(%dma_start3A_33 : memref<100000x128xf32, #tpu.memory_space<hbm>>) target(%dma_start3A_29 : memref<80x128xf32, #tpu.memory_space<vmem>>) offsets(%dma_start3A_30 : memref<80xi32, #tpu.memory_space<vmem>>) semaphore(%arg7 : memref<!tpu.dma_semaphore, #tpu.memory_space<semaphore_mem>>) {add = true}
    %mul3A_34 = arith.constant 1 : i32
    %mul3A_35 = arith.muli %mul3A_34, %mul3A_14 : i32
    %add3A_36 = arith.constant 0 : i32
    %add3A_37 = arith.addi %mul3A_35, %add3A_36 : i32
    %dma_start3A_38 = arith.constant 0 : i32
    %dma_start3A_39 = arith.constant 0 : i32
    %dma_start3A_40 = arith.constant 0 : i32
    %dma_start3A_41 = tpu.memref_slice %arg6[%dma_start3A_38, %dma_start3A_39, %dma_start3A_40] : memref<2x80x128xf32, #tpu.memory_space<vmem>> -> memref<1x80x128xf32, #tpu.memory_space<vmem>>
    %dma_start3A_42 = tpu.memref_squeeze %dma_start3A_41 : memref<1x80x128xf32, #tpu.memory_space<vmem>> -> memref<80x128xf32, #tpu.memory_space<vmem>>
    %dma_start3A_43 = tpu.memref_slice %arg5[%add3A_37] : memref<32000xi32, #tpu.memory_space<vmem>> -> memref<80xi32, #tpu.memory_space<vmem>>
    %dma_start3A_44 = arith.constant 0 : i32
    %dma_start3A_45 = arith.constant 0 : i32
    %dma_start3A_46 = tpu.memref_slice %arg2[%dma_start3A_44, %dma_start3A_45] : memref<100000x128xf32, #tpu.memory_space<hbm>> -> memref<100000x128xf32, #tpu.memory_space<hbm>>
    tpu.enqueue_indirect_dma source(%dma_start3A_46 : memref<100000x128xf32, #tpu.memory_space<hbm>>) target(%dma_start3A_42 : memref<80x128xf32, #tpu.memory_space<vmem>>) offsets(%dma_start3A_43 : memref<80xi32, #tpu.memory_space<vmem>>) semaphore(%arg7 : memref<!tpu.dma_semaphore, #tpu.memory_space<semaphore_mem>>) {add = true}
    %mul3A_47 = arith.constant 2 : i32
    %mul3A_48 = arith.muli %mul3A_47, %mul3A_14 : i32
    %add3A_49 = arith.constant 0 : i32
    %add3A_50 = arith.addi %mul3A_48, %add3A_49 : i32
    %dma_start3A_51 = arith.constant 0 : i32
    %dma_start3A_52 = arith.constant 0 : i32
    %dma_start3A_53 = arith.constant 0 : i32
    %dma_start3A_54 = tpu.memref_slice %arg6[%dma_start3A_51, %dma_start3A_52, %dma_start3A_53] : memref<2x80x128xf32, #tpu.memory_space<vmem>> -> memref<1x80x128xf32, #tpu.memory_space<vmem>>
    %dma_start3A_55 = tpu.memref_squeeze %dma_start3A_54 : memref<1x80x128xf32, #tpu.memory_space<vmem>> -> memref<80x128xf32, #tpu.memory_space<vmem>>
    %dma_start3A_56 = tpu.memref_slice %arg5[%add3A_50] : memref<32000xi32, #tpu.memory_space<vmem>> -> memref<80xi32, #tpu.memory_space<vmem>>
    %dma_start3A_57 = arith.constant 0 : i32
    %dma_start3A_58 = arith.constant 0 : i32
    %dma_start3A_59 = tpu.memref_slice %arg2[%dma_start3A_57, %dma_start3A_58] : memref<100000x128xf32, #tpu.memory_space<hbm>> -> memref<100000x128xf32, #tpu.memory_space<hbm>>
    tpu.enqueue_indirect_dma source(%dma_start3A_59 : memref<100000x128xf32, #tpu.memory_space<hbm>>) target(%dma_start3A_55 : memref<80x128xf32, #tpu.memory_space<vmem>>) offsets(%dma_start3A_56 : memref<80xi32, #tpu.memory_space<vmem>>) semaphore(%arg7 : memref<!tpu.dma_semaphore, #tpu.memory_space<semaphore_mem>>) {add = true}
    %mul3A_60 = arith.constant 3 : i32
    %mul3A_61 = arith.muli %mul3A_60, %mul3A_14 : i32
    %add3A_62 = arith.constant 0 : i32
    %add3A_63 = arith.addi %mul3A_61, %add3A_62 : i32
    %dma_start3A_64 = arith.constant 0 : i32
    %dma_start3A_65 = arith.constant 0 : i32
    %dma_start3A_66 = arith.constant 0 : i32
    %dma_start3A_67 = tpu.memref_slice %arg6[%dma_start3A_64, %dma_start3A_65, %dma_start3A_66] : memref<2x80x128xf32, #tpu.memory_space<vmem>> -> memref<1x80x128xf32, #tpu.memory_space<vmem>>
    %dma_start3A_68 = tpu.memref_squeeze %dma_start3A_67 : memref<1x80x128xf32, #tpu.memory_space<vmem>> -> memref<80x128xf32, #tpu.memory_space<vmem>>
    %dma_start3A_69 = tpu.memref_slice %arg5[%add3A_63] : memref<32000xi32, #tpu.memory_space<vmem>> -> memref<80xi32, #tpu.memory_space<vmem>>
    %dma_start3A_70 = arith.constant 0 : i32
    %dma_start3A_71 = arith.constant 0 : i32
    %dma_start3A_72 = tpu.memref_slice %arg2[%dma_start3A_70, %dma_start3A_71] : memref<100000x128xf32, #tpu.memory_space<hbm>> -> memref<100000x128xf32, #tpu.memory_space<hbm>>
    tpu.enqueue_indirect_dma source(%dma_start3A_72 : memref<100000x128xf32, #tpu.memory_space<hbm>>) target(%dma_start3A_68 : memref<80x128xf32, #tpu.memory_space<vmem>>) offsets(%dma_start3A_69 : memref<80xi32, #tpu.memory_space<vmem>>) semaphore(%arg7 : memref<!tpu.dma_semaphore, #tpu.memory_space<semaphore_mem>>) {add = true}
    %mul3A_73 = arith.constant 4 : i32
    %mul3A_74 = arith.muli %mul3A_73, %mul3A_14 : i32
    %add3A_75 = arith.constant 0 : i32
    %add3A_76 = arith.addi %mul3A_74, %add3A_75 : i32
    %dma_start3A_77 = arith.constant 0 : i32
    %dma_start3A_78 = arith.constant 0 : i32
    %dma_start3A_79 = arith.constant 0 : i32
    %dma_start3A_80 = tpu.memref_slice %arg6[%dma_start3A_77, %dma_start3A_78, %dma_start3A_79] : memref<2x80x128xf32, #tpu.memory_space<vmem>> -> memref<1x80x128xf32, #tpu.memory_space<vmem>>
    %dma_start3A_81 = tpu.memref_squeeze %dma_start3A_80 : memref<1x80x128xf32, #tpu.memory_space<vmem>> -> memref<80x128xf32, #tpu.memory_space<vmem>>
    %dma_start3A_82 = tpu.memref_slice %arg5[%add3A_76] : memref<32000xi32, #tpu.memory_space<vmem>> -> memref<80xi32, #tpu.memory_space<vmem>>
    %dma_start3A_83 = arith.constant 0 : i32
    %dma_start3A_84 = arith.constant 0 : i32
    %dma_start3A_85 = tpu.memref_slice %arg2[%dma_start3A_83, %dma_start3A_84] : memref<100000x128xf32, #tpu.memory_space<hbm>> -> memref<100000x128xf32, #tpu.memory_space<hbm>>
    tpu.enqueue_indirect_dma source(%dma_start3A_85 : memref<100000x128xf32, #tpu.memory_space<hbm>>) target(%dma_start3A_81 : memref<80x128xf32, #tpu.memory_space<vmem>>) offsets(%dma_start3A_82 : memref<80xi32, #tpu.memory_space<vmem>>) semaphore(%arg7 : memref<!tpu.dma_semaphore, #tpu.memory_space<semaphore_mem>>) {add = true}
    %mul3A_86 = arith.constant 5 : i32
    %mul3A_87 = arith.muli %mul3A_86, %mul3A_14 : i32
    %add3A_88 = arith.constant 0 : i32
    %add3A_89 = arith.addi %mul3A_87, %add3A_88 : i32
    %dma_start3A_90 = arith.constant 0 : i32
    %dma_start3A_91 = arith.constant 0 : i32
    %dma_start3A_92 = arith.constant 0 : i32
    %dma_start3A_93 = tpu.memref_slice %arg6[%dma_start3A_90, %dma_start3A_91, %dma_start3A_92] : memref<2x80x128xf32, #tpu.memory_space<vmem>> -> memref<1x80x128xf32, #tpu.memory_space<vmem>>
    %dma_start3A_94 = tpu.memref_squeeze %dma_start3A_93 : memref<1x80x128xf32, #tpu.memory_space<vmem>> -> memref<80x128xf32, #tpu.memory_space<vmem>>
    %dma_start3A_95 = tpu.memref_slice %arg5[%add3A_89] : memref<32000xi32, #tpu.memory_space<vmem>> -> memref<80xi32, #tpu.memory_space<vmem>>
    %dma_start3A_96 = arith.constant 0 : i32
    %dma_start3A_97 = arith.constant 0 : i32
    %dma_start3A_98 = tpu.memref_slice %arg2[%dma_start3A_96, %dma_start3A_97] : memref<100000x128xf32, #tpu.memory_space<hbm>> -> memref<100000x128xf32, #tpu.memory_space<hbm>>
    tpu.enqueue_indirect_dma source(%dma_start3A_98 : memref<100000x128xf32, #tpu.memory_space<hbm>>) target(%dma_start3A_94 : memref<80x128xf32, #tpu.memory_space<vmem>>) offsets(%dma_start3A_95 : memref<80xi32, #tpu.memory_space<vmem>>) semaphore(%arg7 : memref<!tpu.dma_semaphore, #tpu.memory_space<semaphore_mem>>) {add = true}
    %mul3A_99 = arith.constant 6 : i32
    %mul3A_100 = arith.muli %mul3A_99, %mul3A_14 : i32
    %add3A_101 = arith.constant 0 : i32
    %add3A_102 = arith.addi %mul3A_100, %add3A_101 : i32
    %dma_start3A_103 = arith.constant 0 : i32
    %dma_start3A_104 = arith.constant 0 : i32
    %dma_start3A_105 = arith.constant 0 : i32
    %dma_start3A_106 = tpu.memref_slice %arg6[%dma_start3A_103, %dma_start3A_104, %dma_start3A_105] : memref<2x80x128xf32, #tpu.memory_space<vmem>> -> memref<1x80x128xf32, #tpu.memory_space<vmem>>
    %dma_start3A_107 = tpu.memref_squeeze %dma_start3A_106 : memref<1x80x128xf32, #tpu.memory_space<vmem>> -> memref<80x128xf32, #tpu.memory_space<vmem>>
    %dma_start3A_108 = tpu.memref_slice %arg5[%add3A_102] : memref<32000xi32, #tpu.memory_space<vmem>> -> memref<80xi32, #tpu.memory_space<vmem>>
    %dma_start3A_109 = arith.constant 0 : i32
    %dma_start3A_110 = arith.constant 0 : i32
    %dma_start3A_111 = tpu.memref_slice %arg2[%dma_start3A_109, %dma_start3A_110] : memref<100000x128xf32, #tpu.memory_space<hbm>> -> memref<100000x128xf32, #tpu.memory_space<hbm>>
    tpu.enqueue_indirect_dma source(%dma_start3A_111 : memref<100000x128xf32, #tpu.memory_space<hbm>>) target(%dma_start3A_107 : memref<80x128xf32, #tpu.memory_space<vmem>>) offsets(%dma_start3A_108 : memref<80xi32, #tpu.memory_space<vmem>>) semaphore(%arg7 : memref<!tpu.dma_semaphore, #tpu.memory_space<semaphore_mem>>) {add = true}
    %mul3A_112 = arith.constant 7 : i32
    %mul3A_113 = arith.muli %mul3A_112, %mul3A_14 : i32
    %add3A_114 = arith.constant 0 : i32
    %add3A_115 = arith.addi %mul3A_113, %add3A_114 : i32
    %dma_start3A_116 = arith.constant 0 : i32
    %dma_start3A_117 = arith.constant 0 : i32
    %dma_start3A_118 = arith.constant 0 : i32
    %dma_start3A_119 = tpu.memref_slice %arg6[%dma_start3A_116, %dma_start3A_117, %dma_start3A_118] : memref<2x80x128xf32, #tpu.memory_space<vmem>> -> memref<1x80x128xf32, #tpu.memory_space<vmem>>
    %dma_start3A_120 = tpu.memref_squeeze %dma_start3A_119 : memref<1x80x128xf32, #tpu.memory_space<vmem>> -> memref<80x128xf32, #tpu.memory_space<vmem>>
    %dma_start3A_121 = tpu.memref_slice %arg5[%add3A_115] : memref<32000xi32, #tpu.memory_space<vmem>> -> memref<80xi32, #tpu.memory_space<vmem>>
    %dma_start3A_122 = arith.constant 0 : i32
    %dma_start3A_123 = arith.constant 0 : i32
    %dma_start3A_124 = tpu.memref_slice %arg2[%dma_start3A_122, %dma_start3A_123] : memref<100000x128xf32, #tpu.memory_space<hbm>> -> memref<100000x128xf32, #tpu.memory_space<hbm>>
    tpu.enqueue_indirect_dma source(%dma_start3A_124 : memref<100000x128xf32, #tpu.memory_space<hbm>>) target(%dma_start3A_120 : memref<80x128xf32, #tpu.memory_space<vmem>>) offsets(%dma_start3A_121 : memref<80xi32, #tpu.memory_space<vmem>>) semaphore(%arg7 : memref<!tpu.dma_semaphore, #tpu.memory_space<semaphore_mem>>) {add = true}
    %mul3A_125 = arith.constant 8 : i32
    %mul3A_126 = arith.muli %mul3A_125, %mul3A_14 : i32
    %add3A_127 = arith.constant 0 : i32
    %add3A_128 = arith.addi %mul3A_126, %add3A_127 : i32
    %dma_start3A_129 = arith.constant 0 : i32
    %dma_start3A_130 = arith.constant 0 : i32
    %dma_start3A_131 = arith.constant 0 : i32
    %dma_start3A_132 = tpu.memref_slice %arg6[%dma_start3A_129, %dma_start3A_130, %dma_start3A_131] : memref<2x80x128xf32, #tpu.memory_space<vmem>> -> memref<1x80x128xf32, #tpu.memory_space<vmem>>
    %dma_start3A_133 = tpu.memref_squeeze %dma_start3A_132 : memref<1x80x128xf32, #tpu.memory_space<vmem>> -> memref<80x128xf32, #tpu.memory_space<vmem>>
    %dma_start3A_134 = tpu.memref_slice %arg5[%add3A_128] : memref<32000xi32, #tpu.memory_space<vmem>> -> memref<80xi32, #tpu.memory_space<vmem>>
    %dma_start3A_135 = arith.constant 0 : i32
    %dma_start3A_136 = arith.constant 0 : i32
    %dma_start3A_137 = tpu.memref_slice %arg2[%dma_start3A_135, %dma_start3A_136] : memref<100000x128xf32, #tpu.memory_space<hbm>> -> memref<100000x128xf32, #tpu.memory_space<hbm>>
    tpu.enqueue_indirect_dma source(%dma_start3A_137 : memref<100000x128xf32, #tpu.memory_space<hbm>>) target(%dma_start3A_133 : memref<80x128xf32, #tpu.memory_space<vmem>>) offsets(%dma_start3A_134 : memref<80xi32, #tpu.memory_space<vmem>>) semaphore(%arg7 : memref<!tpu.dma_semaphore, #tpu.memory_space<semaphore_mem>>) {add = true}
    %mul3A_138 = arith.constant 9 : i32
    %mul3A_139 = arith.muli %mul3A_138, %mul3A_14 : i32
    %add3A_140 = arith.constant 0 : i32
    %add3A_141 = arith.addi %mul3A_139, %add3A_140 : i32
    %dma_start3A_142 = arith.constant 0 : i32
    %dma_start3A_143 = arith.constant 0 : i32
    %dma_start3A_144 = arith.constant 0 : i32
    %dma_start3A_145 = tpu.memref_slice %arg6[%dma_start3A_142, %dma_start3A_143, %dma_start3A_144] : memref<2x80x128xf32, #tpu.memory_space<vmem>> -> memref<1x80x128xf32, #tpu.memory_space<vmem>>
    %dma_start3A_146 = tpu.memref_squeeze %dma_start3A_145 : memref<1x80x128xf32, #tpu.memory_space<vmem>> -> memref<80x128xf32, #tpu.memory_space<vmem>>
    %dma_start3A_147 = tpu.memref_slice %arg5[%add3A_141] : memref<32000xi32, #tpu.memory_space<vmem>> -> memref<80xi32, #tpu.memory_space<vmem>>
    %dma_start3A_148 = arith.constant 0 : i32
    %dma_start3A_149 = arith.constant 0 : i32
    %dma_start3A_150 = tpu.memref_slice %arg2[%dma_start3A_148, %dma_start3A_149] : memref<100000x128xf32, #tpu.memory_space<hbm>> -> memref<100000x128xf32, #tpu.memory_space<hbm>>
    tpu.enqueue_indirect_dma source(%dma_start3A_150 : memref<100000x128xf32, #tpu.memory_space<hbm>>) target(%dma_start3A_146 : memref<80x128xf32, #tpu.memory_space<vmem>>) offsets(%dma_start3A_147 : memref<80xi32, #tpu.memory_space<vmem>>) semaphore(%arg7 : memref<!tpu.dma_semaphore, #tpu.memory_space<semaphore_mem>>) {add = true}
    %while3A = arith.constant 0 : i32
    %while3A_151 = arith.constant 0 : i32
    %while3A_152 = arith.subi %select_n3A, %while3A_151 : i32
    %while3A_153 = arith.addi %while3A_151, %while3A_152 : i32
    %while3A_154 = arith.constant 1 : i32
    %while3A_155 = arith.divsi %while3A_152, %while3A_154 : i32
    %while3A_156 = arith.muli %while3A_155, %while3A_154 : i32
    %while3A_157 = arith.addi %while3A_151, %while3A_156 : i32
    %while3A_158 = arith.constant 1 : i32
    scf.for %while3A_160 = %while3A_151 to %while3A_157 step %while3A_158  : i32 {
      %mul3A_161 = arith.constant 2 : i32
      %mul3A_162 = arith.muli %mul3A_161, %while3A_160 : i32
      %scan3A_163 = arith.constant 0 : i32
      %scan3A_164 = arith.constant 0 : i32
      %scan3A_165 = arith.constant 80 : i32
      %scan3A_166 = arith.addi %scan3A_164, %scan3A_165 : i32
      %scan3A_167 = arith.constant 1 : i32
      scf.for %scan3A_635 = %scan3A_164 to %scan3A_166 step %scan3A_167  : i32 {
        %broadcast_in_dim3A = arith.constant 0.000000e+00 : f32
        %broadcast_in_dim3A_636 = vector.broadcast %broadcast_in_dim3A : f32 to vector<16xf32>
        %swap3A = arith.constant 1 : i32
        %swap3A_637 = arith.index_cast %swap3A : i32 to index
        %swap3A_638 = arith.index_cast %scan3A_635 : i32 to index
        %swap3A_639 = arith.constant 0 : index
        %swap3A_640 = tpu.vector_load %arg6[%swap3A_637, %swap3A_638, %swap3A_639] {strides = array<i32>} : memref<2x80x128xf32, #tpu.memory_space<vmem>>, vector<1x1x16xf32>,
        %swap3A_641 = vector.shape_cast %swap3A_640 : vector<1x1x16xf32> to vector<16xf32>
        %swap3A_642 = vector.shape_cast %broadcast_in_dim3A_636 : vector<16xf32> to vector<1x1x16xf32>
        tpu.vector_store %arg6[%swap3A_637, %swap3A_638, %swap3A_639], %swap3A_642 {strides = array<i32>} : memref<2x80x128xf32, #tpu.memory_space<vmem>>, vector<1x1x16xf32>,
        %broadcast_in_dim3A_643 = arith.constant 0.000000e+00 : f32
        %broadcast_in_dim3A_644 = vector.broadcast %broadcast_in_dim3A_643 : f32 to vector<16xf32>
        %swap3A_645 = arith.constant 1 : i32
        %swap3A_646 = arith.index_cast %swap3A_645 : i32 to index
        %swap3A_647 = arith.index_cast %scan3A_635 : i32 to index
        %swap3A_648 = arith.constant 16 : index
        %swap3A_649 = tpu.vector_load %arg6[%swap3A_646, %swap3A_647, %swap3A_648] {strides = array<i32>} : memref<2x80x128xf32, #tpu.memory_space<vmem>>, vector<1x1x16xf32>,
        %swap3A_650 = vector.shape_cast %swap3A_649 : vector<1x1x16xf32> to vector<16xf32>
        %swap3A_651 = vector.shape_cast %broadcast_in_dim3A_644 : vector<16xf32> to vector<1x1x16xf32>
        tpu.vector_store %arg6[%swap3A_646, %swap3A_647, %swap3A_648], %swap3A_651 {strides = array<i32>} : memref<2x80x128xf32, #tpu.memory_space<vmem>>, vector<1x1x16xf32>,
        %broadcast_in_dim3A_652 = arith.constant 0.000000e+00 : f32
        %broadcast_in_dim3A_653 = vector.broadcast %broadcast_in_dim3A_652 : f32 to vector<16xf32>
        %swap3A_654 = arith.constant 1 : i32
        %swap3A_655 = arith.index_cast %swap3A_654 : i32 to index
        %swap3A_656 = arith.index_cast %scan3A_635 : i32 to index
        %swap3A_657 = arith.constant 32 : index
        %swap3A_658 = tpu.vector_load %arg6[%swap3A_655, %swap3A_656, %swap3A_657] {strides = array<i32>} : memref<2x80x128xf32, #tpu.memory_space<vmem>>, vector<1x1x16xf32>,
        %swap3A_659 = vector.shape_cast %swap3A_658 : vector<1x1x16xf32> to vector<16xf32>
        %swap3A_660 = vector.shape_cast %broadcast_in_dim3A_653 : vector<16xf32> to vector<1x1x16xf32>
        tpu.vector_store %arg6[%swap3A_655, %swap3A_656, %swap3A_657], %swap3A_660 {strides = array<i32>} : memref<2x80x128xf32, #tpu.memory_space<vmem>>, vector<1x1x16xf32>,
        %broadcast_in_dim3A_661 = arith.constant 0.000000e+00 : f32
        %broadcast_in_dim3A_662 = vector.broadcast %broadcast_in_dim3A_661 : f32 to vector<16xf32>
        %swap3A_663 = arith.constant 1 : i32
        %swap3A_664 = arith.index_cast %swap3A_663 : i32 to index
        %swap3A_665 = arith.index_cast %scan3A_635 : i32 to index
        %swap3A_666 = arith.constant 48 : index
        %swap3A_667 = tpu.vector_load %arg6[%swap3A_664, %swap3A_665, %swap3A_666] {strides = array<i32>} : memref<2x80x128xf32, #tpu.memory_space<vmem>>, vector<1x1x16xf32>,
        %swap3A_668 = vector.shape_cast %swap3A_667 : vector<1x1x16xf32> to vector<16xf32>
        %swap3A_669 = vector.shape_cast %broadcast_in_dim3A_662 : vector<16xf32> to vector<1x1x16xf32>
        tpu.vector_store %arg6[%swap3A_664, %swap3A_665, %swap3A_666], %swap3A_669 {strides = array<i32>} : memref<2x80x128xf32, #tpu.memory_space<vmem>>, vector<1x1x16xf32>,
        %broadcast_in_dim3A_670 = arith.constant 0.000000e+00 : f32
        %broadcast_in_dim3A_671 = vector.broadcast %broadcast_in_dim3A_670 : f32 to vector<16xf32>
        %swap3A_672 = arith.constant 1 : i32
        %swap3A_673 = arith.index_cast %swap3A_672 : i32 to index
        %swap3A_674 = arith.index_cast %scan3A_635 : i32 to index
        %swap3A_675 = arith.constant 64 : index
        %swap3A_676 = tpu.vector_load %arg6[%swap3A_673, %swap3A_674, %swap3A_675] {strides = array<i32>} : memref<2x80x128xf32, #tpu.memory_space<vmem>>, vector<1x1x16xf32>,
        %swap3A_677 = vector.shape_cast %swap3A_676 : vector<1x1x16xf32> to vector<16xf32>
        %swap3A_678 = vector.shape_cast %broadcast_in_dim3A_671 : vector<16xf32> to vector<1x1x16xf32>
        tpu.vector_store %arg6[%swap3A_673, %swap3A_674, %swap3A_675], %swap3A_678 {strides = array<i32>} : memref<2x80x128xf32, #tpu.memory_space<vmem>>, vector<1x1x16xf32>,
        %broadcast_in_dim3A_679 = arith.constant 0.000000e+00 : f32
        %broadcast_in_dim3A_680 = vector.broadcast %broadcast_in_dim3A_679 : f32 to vector<16xf32>
        %swap3A_681 = arith.constant 1 : i32
        %swap3A_682 = arith.index_cast %swap3A_681 : i32 to index
        %swap3A_683 = arith.index_cast %scan3A_635 : i32 to index
        %swap3A_684 = arith.constant 80 : index
        %swap3A_685 = tpu.vector_load %arg6[%swap3A_682, %swap3A_683, %swap3A_684] {strides = array<i32>} : memref<2x80x128xf32, #tpu.memory_space<vmem>>, vector<1x1x16xf32>,
        %swap3A_686 = vector.shape_cast %swap3A_685 : vector<1x1x16xf32> to vector<16xf32>
        %swap3A_687 = vector.shape_cast %broadcast_in_dim3A_680 : vector<16xf32> to vector<1x1x16xf32>
        tpu.vector_store %arg6[%swap3A_682, %swap3A_683, %swap3A_684], %swap3A_687 {strides = array<i32>} : memref<2x80x128xf32, #tpu.memory_space<vmem>>, vector<1x1x16xf32>,
        %broadcast_in_dim3A_688 = arith.constant 0.000000e+00 : f32
        %broadcast_in_dim3A_689 = vector.broadcast %broadcast_in_dim3A_688 : f32 to vector<16xf32>
        %swap3A_690 = arith.constant 1 : i32
        %swap3A_691 = arith.index_cast %swap3A_690 : i32 to index
        %swap3A_692 = arith.index_cast %scan3A_635 : i32 to index
        %swap3A_693 = arith.constant 96 : index
        %swap3A_694 = tpu.vector_load %arg6[%swap3A_691, %swap3A_692, %swap3A_693] {strides = array<i32>} : memref<2x80x128xf32, #tpu.memory_space<vmem>>, vector<1x1x16xf32>,
        %swap3A_695 = vector.shape_cast %swap3A_694 : vector<1x1x16xf32> to vector<16xf32>
        %swap3A_696 = vector.shape_cast %broadcast_in_dim3A_689 : vector<16xf32> to vector<1x1x16xf32>
        tpu.vector_store %arg6[%swap3A_691, %swap3A_692, %swap3A_693], %swap3A_696 {strides = array<i32>} : memref<2x80x128xf32, #tpu.memory_space<vmem>>, vector<1x1x16xf32>,
        %broadcast_in_dim3A_697 = arith.constant 0.000000e+00 : f32
        %broadcast_in_dim3A_698 = vector.broadcast %broadcast_in_dim3A_697 : f32 to vector<16xf32>
        %swap3A_699 = arith.constant 1 : i32
        %swap3A_700 = arith.index_cast %swap3A_699 : i32 to index
        %swap3A_701 = arith.index_cast %scan3A_635 : i32 to index
        %swap3A_702 = arith.constant 112 : index
        %swap3A_703 = tpu.vector_load %arg6[%swap3A_700, %swap3A_701, %swap3A_702] {strides = array<i32>} : memref<2x80x128xf32, #tpu.memory_space<vmem>>, vector<1x1x16xf32>,
        %swap3A_704 = vector.shape_cast %swap3A_703 : vector<1x1x16xf32> to vector<16xf32>
        %swap3A_705 = vector.shape_cast %broadcast_in_dim3A_698 : vector<16xf32> to vector<1x1x16xf32>
        tpu.vector_store %arg6[%swap3A_700, %swap3A_701, %swap3A_702], %swap3A_705 {strides = array<i32>} : memref<2x80x128xf32, #tpu.memory_space<vmem>>, vector<1x1x16xf32>,
      }
      %scan3A_168 = arith.constant 80 : i32
      %add3A_169 = arith.constant 1 : i32
      %add3A_170 = arith.addi %mul3A_162, %add3A_169 : i32
      %mul3A_171 = arith.constant 0 : i32
      %mul3A_172 = arith.muli %mul3A_171, %mul3A_14 : i32
      %mul3A_173 = arith.constant 80 : i32
      %mul3A_174 = arith.muli %add3A_170, %mul3A_173 : i32
      %add3A_175 = arith.addi %mul3A_172, %mul3A_174 : i32
      %dma_start3A_176 = arith.constant 1 : i32
      %dma_start3A_177 = arith.constant 0 : i32
      %dma_start3A_178 = arith.constant 0 : i32
      %dma_start3A_179 = tpu.memref_slice %arg6[%dma_start3A_176, %dma_start3A_177, %dma_start3A_178] : memref<2x80x128xf32, #tpu.memory_space<vmem>> -> memref<1x80x128xf32, #tpu.memory_space<vmem>>
      %dma_start3A_180 = tpu.memref_squeeze %dma_start3A_179 : memref<1x80x128xf32, #tpu.memory_space<vmem>> -> memref<80x128xf32, #tpu.memory_space<vmem>>
      %dma_start3A_181 = tpu.memref_slice %arg5[%add3A_175] : memref<32000xi32, #tpu.memory_space<vmem>> -> memref<80xi32, #tpu.memory_space<vmem>>
      %dma_start3A_182 = arith.constant 0 : i32
      %dma_start3A_183 = arith.constant 0 : i32
      %dma_start3A_184 = tpu.memref_slice %arg2[%dma_start3A_182, %dma_start3A_183] : memref<100000x128xf32, #tpu.memory_space<hbm>> -> memref<100000x128xf32, #tpu.memory_space<hbm>>
      tpu.enqueue_indirect_dma source(%dma_start3A_184 : memref<100000x128xf32, #tpu.memory_space<hbm>>) target(%dma_start3A_180 : memref<80x128xf32, #tpu.memory_space<vmem>>) offsets(%dma_start3A_181 : memref<80xi32, #tpu.memory_space<vmem>>) semaphore(%arg8 : memref<!tpu.dma_semaphore, #tpu.memory_space<semaphore_mem>>) {add = true}
      %mul3A_185 = arith.constant 1 : i32
      %mul3A_186 = arith.muli %mul3A_185, %mul3A_14 : i32
      %mul3A_187 = arith.constant 80 : i32
      %mul3A_188 = arith.muli %add3A_170, %mul3A_187 : i32
      %add3A_189 = arith.addi %mul3A_186, %mul3A_188 : i32
      %dma_start3A_190 = arith.constant 1 : i32
      %dma_start3A_191 = arith.constant 0 : i32
      %dma_start3A_192 = arith.constant 0 : i32
      %dma_start3A_193 = tpu.memref_slice %arg6[%dma_start3A_190, %dma_start3A_191, %dma_start3A_192] : memref<2x80x128xf32, #tpu.memory_space<vmem>> -> memref<1x80x128xf32, #tpu.memory_space<vmem>>
      %dma_start3A_194 = tpu.memref_squeeze %dma_start3A_193 : memref<1x80x128xf32, #tpu.memory_space<vmem>> -> memref<80x128xf32, #tpu.memory_space<vmem>>
      %dma_start3A_195 = tpu.memref_slice %arg5[%add3A_189] : memref<32000xi32, #tpu.memory_space<vmem>> -> memref<80xi32, #tpu.memory_space<vmem>>
      %dma_start3A_196 = arith.constant 0 : i32
      %dma_start3A_197 = arith.constant 0 : i32
      %dma_start3A_198 = tpu.memref_slice %arg2[%dma_start3A_196, %dma_start3A_197] : memref<100000x128xf32, #tpu.memory_space<hbm>> -> memref<100000x128xf32, #tpu.memory_space<hbm>>
      tpu.enqueue_indirect_dma source(%dma_start3A_198 : memref<100000x128xf32, #tpu.memory_space<hbm>>) target(%dma_start3A_194 : memref<80x128xf32, #tpu.memory_space<vmem>>) offsets(%dma_start3A_195 : memref<80xi32, #tpu.memory_space<vmem>>) semaphore(%arg8 : memref<!tpu.dma_semaphore, #tpu.memory_space<semaphore_mem>>) {add = true}
      %mul3A_199 = arith.constant 2 : i32
      %mul3A_200 = arith.muli %mul3A_199, %mul3A_14 : i32
      %mul3A_201 = arith.constant 80 : i32
      %mul3A_202 = arith.muli %add3A_170, %mul3A_201 : i32
      %add3A_203 = arith.addi %mul3A_200, %mul3A_202 : i32
      %dma_start3A_204 = arith.constant 1 : i32
      %dma_start3A_205 = arith.constant 0 : i32
      %dma_start3A_206 = arith.constant 0 : i32
      %dma_start3A_207 = tpu.memref_slice %arg6[%dma_start3A_204, %dma_start3A_205, %dma_start3A_206] : memref<2x80x128xf32, #tpu.memory_space<vmem>> -> memref<1x80x128xf32, #tpu.memory_space<vmem>>
      %dma_start3A_208 = tpu.memref_squeeze %dma_start3A_207 : memref<1x80x128xf32, #tpu.memory_space<vmem>> -> memref<80x128xf32, #tpu.memory_space<vmem>>
      %dma_start3A_209 = tpu.memref_slice %arg5[%add3A_203] : memref<32000xi32, #tpu.memory_space<vmem>> -> memref<80xi32, #tpu.memory_space<vmem>>
      %dma_start3A_210 = arith.constant 0 : i32
      %dma_start3A_211 = arith.constant 0 : i32
      %dma_start3A_212 = tpu.memref_slice %arg2[%dma_start3A_210, %dma_start3A_211] : memref<100000x128xf32, #tpu.memory_space<hbm>> -> memref<100000x128xf32, #tpu.memory_space<hbm>>
      tpu.enqueue_indirect_dma source(%dma_start3A_212 : memref<100000x128xf32, #tpu.memory_space<hbm>>) target(%dma_start3A_208 : memref<80x128xf32, #tpu.memory_space<vmem>>) offsets(%dma_start3A_209 : memref<80xi32, #tpu.memory_space<vmem>>) semaphore(%arg8 : memref<!tpu.dma_semaphore, #tpu.memory_space<semaphore_mem>>) {add = true}
      %mul3A_213 = arith.constant 3 : i32
      %mul3A_214 = arith.muli %mul3A_213, %mul3A_14 : i32
      %mul3A_215 = arith.constant 80 : i32
      %mul3A_216 = arith.muli %add3A_170, %mul3A_215 : i32
      %add3A_217 = arith.addi %mul3A_214, %mul3A_216 : i32
      %dma_start3A_218 = arith.constant 1 : i32
      %dma_start3A_219 = arith.constant 0 : i32
      %dma_start3A_220 = arith.constant 0 : i32
      %dma_start3A_221 = tpu.memref_slice %arg6[%dma_start3A_218, %dma_start3A_219, %dma_start3A_220] : memref<2x80x128xf32, #tpu.memory_space<vmem>> -> memref<1x80x128xf32, #tpu.memory_space<vmem>>
      %dma_start3A_222 = tpu.memref_squeeze %dma_start3A_221 : memref<1x80x128xf32, #tpu.memory_space<vmem>> -> memref<80x128xf32, #tpu.memory_space<vmem>>
      %dma_start3A_223 = tpu.memref_slice %arg5[%add3A_217] : memref<32000xi32, #tpu.memory_space<vmem>> -> memref<80xi32, #tpu.memory_space<vmem>>
      %dma_start3A_224 = arith.constant 0 : i32
      %dma_start3A_225 = arith.constant 0 : i32
      %dma_start3A_226 = tpu.memref_slice %arg2[%dma_start3A_224, %dma_start3A_225] : memref<100000x128xf32, #tpu.memory_space<hbm>> -> memref<100000x128xf32, #tpu.memory_space<hbm>>
      tpu.enqueue_indirect_dma source(%dma_start3A_226 : memref<100000x128xf32, #tpu.memory_space<hbm>>) target(%dma_start3A_222 : memref<80x128xf32, #tpu.memory_space<vmem>>) offsets(%dma_start3A_223 : memref<80xi32, #tpu.memory_space<vmem>>) semaphore(%arg8 : memref<!tpu.dma_semaphore, #tpu.memory_space<semaphore_mem>>) {add = true}
      %mul3A_227 = arith.constant 4 : i32
      %mul3A_228 = arith.muli %mul3A_227, %mul3A_14 : i32
      %mul3A_229 = arith.constant 80 : i32
      %mul3A_230 = arith.muli %add3A_170, %mul3A_229 : i32
      %add3A_231 = arith.addi %mul3A_228, %mul3A_230 : i32
      %dma_start3A_232 = arith.constant 1 : i32
      %dma_start3A_233 = arith.constant 0 : i32
      %dma_start3A_234 = arith.constant 0 : i32
      %dma_start3A_235 = tpu.memref_slice %arg6[%dma_start3A_232, %dma_start3A_233, %dma_start3A_234] : memref<2x80x128xf32, #tpu.memory_space<vmem>> -> memref<1x80x128xf32, #tpu.memory_space<vmem>>
      %dma_start3A_236 = tpu.memref_squeeze %dma_start3A_235 : memref<1x80x128xf32, #tpu.memory_space<vmem>> -> memref<80x128xf32, #tpu.memory_space<vmem>>
      %dma_start3A_237 = tpu.memref_slice %arg5[%add3A_231] : memref<32000xi32, #tpu.memory_space<vmem>> -> memref<80xi32, #tpu.memory_space<vmem>>
      %dma_start3A_238 = arith.constant 0 : i32
      %dma_start3A_239 = arith.constant 0 : i32
      %dma_start3A_240 = tpu.memref_slice %arg2[%dma_start3A_238, %dma_start3A_239] : memref<100000x128xf32, #tpu.memory_space<hbm>> -> memref<100000x128xf32, #tpu.memory_space<hbm>>
      tpu.enqueue_indirect_dma source(%dma_start3A_240 : memref<100000x128xf32, #tpu.memory_space<hbm>>) target(%dma_start3A_236 : memref<80x128xf32, #tpu.memory_space<vmem>>) offsets(%dma_start3A_237 : memref<80xi32, #tpu.memory_space<vmem>>) semaphore(%arg8 : memref<!tpu.dma_semaphore, #tpu.memory_space<semaphore_mem>>) {add = true}
      %mul3A_241 = arith.constant 5 : i32
      %mul3A_242 = arith.muli %mul3A_241, %mul3A_14 : i32
      %mul3A_243 = arith.constant 80 : i32
      %mul3A_244 = arith.muli %add3A_170, %mul3A_243 : i32
      %add3A_245 = arith.addi %mul3A_242, %mul3A_244 : i32
      %dma_start3A_246 = arith.constant 1 : i32
      %dma_start3A_247 = arith.constant 0 : i32
      %dma_start3A_248 = arith.constant 0 : i32
      %dma_start3A_249 = tpu.memref_slice %arg6[%dma_start3A_246, %dma_start3A_247, %dma_start3A_248] : memref<2x80x128xf32, #tpu.memory_space<vmem>> -> memref<1x80x128xf32, #tpu.memory_space<vmem>>
      %dma_start3A_250 = tpu.memref_squeeze %dma_start3A_249 : memref<1x80x128xf32, #tpu.memory_space<vmem>> -> memref<80x128xf32, #tpu.memory_space<vmem>>
      %dma_start3A_251 = tpu.memref_slice %arg5[%add3A_245] : memref<32000xi32, #tpu.memory_space<vmem>> -> memref<80xi32, #tpu.memory_space<vmem>>
      %dma_start3A_252 = arith.constant 0 : i32
      %dma_start3A_253 = arith.constant 0 : i32
      %dma_start3A_254 = tpu.memref_slice %arg2[%dma_start3A_252, %dma_start3A_253] : memref<100000x128xf32, #tpu.memory_space<hbm>> -> memref<100000x128xf32, #tpu.memory_space<hbm>>
      tpu.enqueue_indirect_dma source(%dma_start3A_254 : memref<100000x128xf32, #tpu.memory_space<hbm>>) target(%dma_start3A_250 : memref<80x128xf32, #tpu.memory_space<vmem>>) offsets(%dma_start3A_251 : memref<80xi32, #tpu.memory_space<vmem>>) semaphore(%arg8 : memref<!tpu.dma_semaphore, #tpu.memory_space<semaphore_mem>>) {add = true}
      %mul3A_255 = arith.constant 6 : i32
      %mul3A_256 = arith.muli %mul3A_255, %mul3A_14 : i32
      %mul3A_257 = arith.constant 80 : i32
      %mul3A_258 = arith.muli %add3A_170, %mul3A_257 : i32
      %add3A_259 = arith.addi %mul3A_256, %mul3A_258 : i32
      %dma_start3A_260 = arith.constant 1 : i32
      %dma_start3A_261 = arith.constant 0 : i32
      %dma_start3A_262 = arith.constant 0 : i32
      %dma_start3A_263 = tpu.memref_slice %arg6[%dma_start3A_260, %dma_start3A_261, %dma_start3A_262] : memref<2x80x128xf32, #tpu.memory_space<vmem>> -> memref<1x80x128xf32, #tpu.memory_space<vmem>>
      %dma_start3A_264 = tpu.memref_squeeze %dma_start3A_263 : memref<1x80x128xf32, #tpu.memory_space<vmem>> -> memref<80x128xf32, #tpu.memory_space<vmem>>
      %dma_start3A_265 = tpu.memref_slice %arg5[%add3A_259] : memref<32000xi32, #tpu.memory_space<vmem>> -> memref<80xi32, #tpu.memory_space<vmem>>
      %dma_start3A_266 = arith.constant 0 : i32
      %dma_start3A_267 = arith.constant 0 : i32
      %dma_start3A_268 = tpu.memref_slice %arg2[%dma_start3A_266, %dma_start3A_267] : memref<100000x128xf32, #tpu.memory_space<hbm>> -> memref<100000x128xf32, #tpu.memory_space<hbm>>
      tpu.enqueue_indirect_dma source(%dma_start3A_268 : memref<100000x128xf32, #tpu.memory_space<hbm>>) target(%dma_start3A_264 : memref<80x128xf32, #tpu.memory_space<vmem>>) offsets(%dma_start3A_265 : memref<80xi32, #tpu.memory_space<vmem>>) semaphore(%arg8 : memref<!tpu.dma_semaphore, #tpu.memory_space<semaphore_mem>>) {add = true}
      %mul3A_269 = arith.constant 7 : i32
      %mul3A_270 = arith.muli %mul3A_269, %mul3A_14 : i32
      %mul3A_271 = arith.constant 80 : i32
      %mul3A_272 = arith.muli %add3A_170, %mul3A_271 : i32
      %add3A_273 = arith.addi %mul3A_270, %mul3A_272 : i32
      %dma_start3A_274 = arith.constant 1 : i32
      %dma_start3A_275 = arith.constant 0 : i32
      %dma_start3A_276 = arith.constant 0 : i32
      %dma_start3A_277 = tpu.memref_slice %arg6[%dma_start3A_274, %dma_start3A_275, %dma_start3A_276] : memref<2x80x128xf32, #tpu.memory_space<vmem>> -> memref<1x80x128xf32, #tpu.memory_space<vmem>>
      %dma_start3A_278 = tpu.memref_squeeze %dma_start3A_277 : memref<1x80x128xf32, #tpu.memory_space<vmem>> -> memref<80x128xf32, #tpu.memory_space<vmem>>
      %dma_start3A_279 = tpu.memref_slice %arg5[%add3A_273] : memref<32000xi32, #tpu.memory_space<vmem>> -> memref<80xi32, #tpu.memory_space<vmem>>
      %dma_start3A_280 = arith.constant 0 : i32
      %dma_start3A_281 = arith.constant 0 : i32
      %dma_start3A_282 = tpu.memref_slice %arg2[%dma_start3A_280, %dma_start3A_281] : memref<100000x128xf32, #tpu.memory_space<hbm>> -> memref<100000x128xf32, #tpu.memory_space<hbm>>
      tpu.enqueue_indirect_dma source(%dma_start3A_282 : memref<100000x128xf32, #tpu.memory_space<hbm>>) target(%dma_start3A_278 : memref<80x128xf32, #tpu.memory_space<vmem>>) offsets(%dma_start3A_279 : memref<80xi32, #tpu.memory_space<vmem>>) semaphore(%arg8 : memref<!tpu.dma_semaphore, #tpu.memory_space<semaphore_mem>>) {add = true}
      %mul3A_283 = arith.constant 8 : i32
      %mul3A_284 = arith.muli %mul3A_283, %mul3A_14 : i32
      %mul3A_285 = arith.constant 80 : i32
      %mul3A_286 = arith.muli %add3A_170, %mul3A_285 : i32
      %add3A_287 = arith.addi %mul3A_284, %mul3A_286 : i32
      %dma_start3A_288 = arith.constant 1 : i32
      %dma_start3A_289 = arith.constant 0 : i32
      %dma_start3A_290 = arith.constant 0 : i32
      %dma_start3A_291 = tpu.memref_slice %arg6[%dma_start3A_288, %dma_start3A_289, %dma_start3A_290] : memref<2x80x128xf32, #tpu.memory_space<vmem>> -> memref<1x80x128xf32, #tpu.memory_space<vmem>>
      %dma_start3A_292 = tpu.memref_squeeze %dma_start3A_291 : memref<1x80x128xf32, #tpu.memory_space<vmem>> -> memref<80x128xf32, #tpu.memory_space<vmem>>
      %dma_start3A_293 = tpu.memref_slice %arg5[%add3A_287] : memref<32000xi32, #tpu.memory_space<vmem>> -> memref<80xi32, #tpu.memory_space<vmem>>
      %dma_start3A_294 = arith.constant 0 : i32
      %dma_start3A_295 = arith.constant 0 : i32
      %dma_start3A_296 = tpu.memref_slice %arg2[%dma_start3A_294, %dma_start3A_295] : memref<100000x128xf32, #tpu.memory_space<hbm>> -> memref<100000x128xf32, #tpu.memory_space<hbm>>
      tpu.enqueue_indirect_dma source(%dma_start3A_296 : memref<100000x128xf32, #tpu.memory_space<hbm>>) target(%dma_start3A_292 : memref<80x128xf32, #tpu.memory_space<vmem>>) offsets(%dma_start3A_293 : memref<80xi32, #tpu.memory_space<vmem>>) semaphore(%arg8 : memref<!tpu.dma_semaphore, #tpu.memory_space<semaphore_mem>>) {add = true}
      %mul3A_297 = arith.constant 9 : i32
      %mul3A_298 = arith.muli %mul3A_297, %mul3A_14 : i32
      %mul3A_299 = arith.constant 80 : i32
      %mul3A_300 = arith.muli %add3A_170, %mul3A_299 : i32
      %add3A_301 = arith.addi %mul3A_298, %mul3A_300 : i32
      %dma_start3A_302 = arith.constant 1 : i32
      %dma_start3A_303 = arith.constant 0 : i32
      %dma_start3A_304 = arith.constant 0 : i32
      %dma_start3A_305 = tpu.memref_slice %arg6[%dma_start3A_302, %dma_start3A_303, %dma_start3A_304] : memref<2x80x128xf32, #tpu.memory_space<vmem>> -> memref<1x80x128xf32, #tpu.memory_space<vmem>>
      %dma_start3A_306 = tpu.memref_squeeze %dma_start3A_305 : memref<1x80x128xf32, #tpu.memory_space<vmem>> -> memref<80x128xf32, #tpu.memory_space<vmem>>
      %dma_start3A_307 = tpu.memref_slice %arg5[%add3A_301] : memref<32000xi32, #tpu.memory_space<vmem>> -> memref<80xi32, #tpu.memory_space<vmem>>
      %dma_start3A_308 = arith.constant 0 : i32
      %dma_start3A_309 = arith.constant 0 : i32
      %dma_start3A_310 = tpu.memref_slice %arg2[%dma_start3A_308, %dma_start3A_309] : memref<100000x128xf32, #tpu.memory_space<hbm>> -> memref<100000x128xf32, #tpu.memory_space<hbm>>
      tpu.enqueue_indirect_dma source(%dma_start3A_310 : memref<100000x128xf32, #tpu.memory_space<hbm>>) target(%dma_start3A_306 : memref<80x128xf32, #tpu.memory_space<vmem>>) offsets(%dma_start3A_307 : memref<80xi32, #tpu.memory_space<vmem>>) semaphore(%arg8 : memref<!tpu.dma_semaphore, #tpu.memory_space<semaphore_mem>>) {add = true}
      %dma_wait3A = arith.constant 0 : i32
      %dma_wait3A_311 = arith.constant 0 : i32
      %dma_wait3A_312 = arith.constant 0 : i32
      %dma_wait3A_313 = tpu.memref_slice %arg6[%dma_wait3A, %dma_wait3A_311, %dma_wait3A_312] : memref<2x80x128xf32, #tpu.memory_space<vmem>> -> memref<1x80x128xf32, #tpu.memory_space<vmem>>
      %dma_wait3A_314 = tpu.memref_squeeze %dma_wait3A_313 : memref<1x80x128xf32, #tpu.memory_space<vmem>> -> memref<80x128xf32, #tpu.memory_space<vmem>>
      %dma_wait3A_315 = arith.constant 0 : i32
      %dma_wait3A_316 = arith.constant 0 : i32
      %dma_wait3A_317 = tpu.memref_slice %arg2[%dma_wait3A_315, %dma_wait3A_316] : memref<100000x128xf32, #tpu.memory_space<hbm>> -> memref<80x128xf32, #tpu.memory_space<hbm>>
      %dma_wait3A_318 = arith.constant 0 : i32
      %dma_wait3A_319 = arith.constant 0 : i32
      %dma_wait3A_320 = tpu.memref_slice %arg6[%dma_wait3A, %dma_wait3A_318, %dma_wait3A_319] : memref<2x80x128xf32, #tpu.memory_space<vmem>> -> memref<1x80x128xf32, #tpu.memory_space<vmem>>
      %dma_wait3A_321 = tpu.memref_squeeze %dma_wait3A_320 : memref<1x80x128xf32, #tpu.memory_space<vmem>> -> memref<80x128xf32, #tpu.memory_space<vmem>>
      %dma_wait3A_322 = arith.constant 0 : i32
      %dma_wait3A_323 = arith.constant 0 : i32
      %dma_wait3A_324 = tpu.memref_slice %arg2[%dma_wait3A_322, %dma_wait3A_323] : memref<100000x128xf32, #tpu.memory_space<hbm>> -> memref<80x128xf32, #tpu.memory_space<hbm>>
      tpu.wait_dma2 semaphore(%arg7 : memref<!tpu.dma_semaphore, #tpu.memory_space<semaphore_mem>>) src(%dma_wait3A_324 : memref<80x128xf32, #tpu.memory_space<hbm>>) dst(%dma_wait3A_321 : memref<80x128xf32, #tpu.memory_space<vmem>>)
      %dma_wait3A_325 = arith.constant 0 : i32
      %dma_wait3A_326 = arith.constant 0 : i32
      %dma_wait3A_327 = arith.constant 0 : i32
      %dma_wait3A_328 = tpu.memref_slice %arg6[%dma_wait3A_325, %dma_wait3A_326, %dma_wait3A_327] : memref<2x80x128xf32, #tpu.memory_space<vmem>> -> memref<1x80x128xf32, #tpu.memory_space<vmem>>
      %dma_wait3A_329 = tpu.memref_squeeze %dma_wait3A_328 : memref<1x80x128xf32, #tpu.memory_space<vmem>> -> memref<80x128xf32, #tpu.memory_space<vmem>>
      %dma_wait3A_330 = arith.constant 0 : i32
      %dma_wait3A_331 = arith.constant 0 : i32
      %dma_wait3A_332 = tpu.memref_slice %arg2[%dma_wait3A_330, %dma_wait3A_331] : memref<100000x128xf32, #tpu.memory_space<hbm>> -> memref<80x128xf32, #tpu.memory_space<hbm>>
      %dma_wait3A_333 = arith.constant 0 : i32
      %dma_wait3A_334 = arith.constant 0 : i32
      %dma_wait3A_335 = tpu.memref_slice %arg6[%dma_wait3A_325, %dma_wait3A_333, %dma_wait3A_334] : memref<2x80x128xf32, #tpu.memory_space<vmem>> -> memref<1x80x128xf32, #tpu.memory_space<vmem>>
      %dma_wait3A_336 = tpu.memref_squeeze %dma_wait3A_335 : memref<1x80x128xf32, #tpu.memory_space<vmem>> -> memref<80x128xf32, #tpu.memory_space<vmem>>
      %dma_wait3A_337 = arith.constant 0 : i32
      %dma_wait3A_338 = arith.constant 0 : i32
      %dma_wait3A_339 = tpu.memref_slice %arg2[%dma_wait3A_337, %dma_wait3A_338] : memref<100000x128xf32, #tpu.memory_space<hbm>> -> memref<80x128xf32, #tpu.memory_space<hbm>>
      tpu.wait_dma2 semaphore(%arg7 : memref<!tpu.dma_semaphore, #tpu.memory_space<semaphore_mem>>) src(%dma_wait3A_339 : memref<80x128xf32, #tpu.memory_space<hbm>>) dst(%dma_wait3A_336 : memref<80x128xf32, #tpu.memory_space<vmem>>)
      %dma_wait3A_340 = arith.constant 0 : i32
      %dma_wait3A_341 = arith.constant 0 : i32
      %dma_wait3A_342 = arith.constant 0 : i32
      %dma_wait3A_343 = tpu.memref_slice %arg6[%dma_wait3A_340, %dma_wait3A_341, %dma_wait3A_342] : memref<2x80x128xf32, #tpu.memory_space<vmem>> -> memref<1x80x128xf32, #tpu.memory_space<vmem>>
      %dma_wait3A_344 = tpu.memref_squeeze %dma_wait3A_343 : memref<1x80x128xf32, #tpu.memory_space<vmem>> -> memref<80x128xf32, #tpu.memory_space<vmem>>
      %dma_wait3A_345 = arith.constant 0 : i32
      %dma_wait3A_346 = arith.constant 0 : i32
      %dma_wait3A_347 = tpu.memref_slice %arg2[%dma_wait3A_345, %dma_wait3A_346] : memref<100000x128xf32, #tpu.memory_space<hbm>> -> memref<80x128xf32, #tpu.memory_space<hbm>>
      %dma_wait3A_348 = arith.constant 0 : i32
      %dma_wait3A_349 = arith.constant 0 : i32
      %dma_wait3A_350 = tpu.memref_slice %arg6[%dma_wait3A_340, %dma_wait3A_348, %dma_wait3A_349] : memref<2x80x128xf32, #tpu.memory_space<vmem>> -> memref<1x80x128xf32, #tpu.memory_space<vmem>>
      %dma_wait3A_351 = tpu.memref_squeeze %dma_wait3A_350 : memref<1x80x128xf32, #tpu.memory_space<vmem>> -> memref<80x128xf32, #tpu.memory_space<vmem>>
      %dma_wait3A_352 = arith.constant 0 : i32
      %dma_wait3A_353 = arith.constant 0 : i32
      %dma_wait3A_354 = tpu.memref_slice %arg2[%dma_wait3A_352, %dma_wait3A_353] : memref<100000x128xf32, #tpu.memory_space<hbm>> -> memref<80x128xf32, #tpu.memory_space<hbm>>
      tpu.wait_dma2 semaphore(%arg7 : memref<!tpu.dma_semaphore, #tpu.memory_space<semaphore_mem>>) src(%dma_wait3A_354 : memref<80x128xf32, #tpu.memory_space<hbm>>) dst(%dma_wait3A_351 : memref<80x128xf32, #tpu.memory_space<vmem>>)
      %dma_wait3A_355 = arith.constant 0 : i32
      %dma_wait3A_356 = arith.constant 0 : i32
      %dma_wait3A_357 = arith.constant 0 : i32
      %dma_wait3A_358 = tpu.memref_slice %arg6[%dma_wait3A_355, %dma_wait3A_356, %dma_wait3A_357] : memref<2x80x128xf32, #tpu.memory_space<vmem>> -> memref<1x80x128xf32, #tpu.memory_space<vmem>>
      %dma_wait3A_359 = tpu.memref_squeeze %dma_wait3A_358 : memref<1x80x128xf32, #tpu.memory_space<vmem>> -> memref<80x128xf32, #tpu.memory_space<vmem>>
      %dma_wait3A_360 = arith.constant 0 : i32
      %dma_wait3A_361 = arith.constant 0 : i32
      %dma_wait3A_362 = tpu.memref_slice %arg2[%dma_wait3A_360, %dma_wait3A_361] : memref<100000x128xf32, #tpu.memory_space<hbm>> -> memref<80x128xf32, #tpu.memory_space<hbm>>
      %dma_wait3A_363 = arith.constant 0 : i32
      %dma_wait3A_364 = arith.constant 0 : i32
      %dma_wait3A_365 = tpu.memref_slice %arg6[%dma_wait3A_355, %dma_wait3A_363, %dma_wait3A_364] : memref<2x80x128xf32, #tpu.memory_space<vmem>> -> memref<1x80x128xf32, #tpu.memory_space<vmem>>
      %dma_wait3A_366 = tpu.memref_squeeze %dma_wait3A_365 : memref<1x80x128xf32, #tpu.memory_space<vmem>> -> memref<80x128xf32, #tpu.memory_space<vmem>>
      %dma_wait3A_367 = arith.constant 0 : i32
      %dma_wait3A_368 = arith.constant 0 : i32
      %dma_wait3A_369 = tpu.memref_slice %arg2[%dma_wait3A_367, %dma_wait3A_368] : memref<100000x128xf32, #tpu.memory_space<hbm>> -> memref<80x128xf32, #tpu.memory_space<hbm>>
      tpu.wait_dma2 semaphore(%arg7 : memref<!tpu.dma_semaphore, #tpu.memory_space<semaphore_mem>>) src(%dma_wait3A_369 : memref<80x128xf32, #tpu.memory_space<hbm>>) dst(%dma_wait3A_366 : memref<80x128xf32, #tpu.memory_space<vmem>>)
      %dma_wait3A_370 = arith.constant 0 : i32
      %dma_wait3A_371 = arith.constant 0 : i32
      %dma_wait3A_372 = arith.constant 0 : i32
      %dma_wait3A_373 = tpu.memref_slice %arg6[%dma_wait3A_370, %dma_wait3A_371, %dma_wait3A_372] : memref<2x80x128xf32, #tpu.memory_space<vmem>> -> memref<1x80x128xf32, #tpu.memory_space<vmem>>
      %dma_wait3A_374 = tpu.memref_squeeze %dma_wait3A_373 : memref<1x80x128xf32, #tpu.memory_space<vmem>> -> memref<80x128xf32, #tpu.memory_space<vmem>>
      %dma_wait3A_375 = arith.constant 0 : i32
      %dma_wait3A_376 = arith.constant 0 : i32
      %dma_wait3A_377 = tpu.memref_slice %arg2[%dma_wait3A_375, %dma_wait3A_376] : memref<100000x128xf32, #tpu.memory_space<hbm>> -> memref<80x128xf32, #tpu.memory_space<hbm>>
      %dma_wait3A_378 = arith.constant 0 : i32
      %dma_wait3A_379 = arith.constant 0 : i32
      %dma_wait3A_380 = tpu.memref_slice %arg6[%dma_wait3A_370, %dma_wait3A_378, %dma_wait3A_379] : memref<2x80x128xf32, #tpu.memory_space<vmem>> -> memref<1x80x128xf32, #tpu.memory_space<vmem>>
      %dma_wait3A_381 = tpu.memref_squeeze %dma_wait3A_380 : memref<1x80x128xf32, #tpu.memory_space<vmem>> -> memref<80x128xf32, #tpu.memory_space<vmem>>
      %dma_wait3A_382 = arith.constant 0 : i32
      %dma_wait3A_383 = arith.constant 0 : i32
      %dma_wait3A_384 = tpu.memref_slice %arg2[%dma_wait3A_382, %dma_wait3A_383] : memref<100000x128xf32, #tpu.memory_space<hbm>> -> memref<80x128xf32, #tpu.memory_space<hbm>>
      tpu.wait_dma2 semaphore(%arg7 : memref<!tpu.dma_semaphore, #tpu.memory_space<semaphore_mem>>) src(%dma_wait3A_384 : memref<80x128xf32, #tpu.memory_space<hbm>>) dst(%dma_wait3A_381 : memref<80x128xf32, #tpu.memory_space<vmem>>)
      %dma_wait3A_385 = arith.constant 0 : i32
      %dma_wait3A_386 = arith.constant 0 : i32
      %dma_wait3A_387 = arith.constant 0 : i32
      %dma_wait3A_388 = tpu.memref_slice %arg6[%dma_wait3A_385, %dma_wait3A_386, %dma_wait3A_387] : memref<2x80x128xf32, #tpu.memory_space<vmem>> -> memref<1x80x128xf32, #tpu.memory_space<vmem>>
      %dma_wait3A_389 = tpu.memref_squeeze %dma_wait3A_388 : memref<1x80x128xf32, #tpu.memory_space<vmem>> -> memref<80x128xf32, #tpu.memory_space<vmem>>
      %dma_wait3A_390 = arith.constant 0 : i32
      %dma_wait3A_391 = arith.constant 0 : i32
      %dma_wait3A_392 = tpu.memref_slice %arg2[%dma_wait3A_390, %dma_wait3A_391] : memref<100000x128xf32, #tpu.memory_space<hbm>> -> memref<80x128xf32, #tpu.memory_space<hbm>>
      %dma_wait3A_393 = arith.constant 0 : i32
      %dma_wait3A_394 = arith.constant 0 : i32
      %dma_wait3A_395 = tpu.memref_slice %arg6[%dma_wait3A_385, %dma_wait3A_393, %dma_wait3A_394] : memref<2x80x128xf32, #tpu.memory_space<vmem>> -> memref<1x80x128xf32, #tpu.memory_space<vmem>>
      %dma_wait3A_396 = tpu.memref_squeeze %dma_wait3A_395 : memref<1x80x128xf32, #tpu.memory_space<vmem>> -> memref<80x128xf32, #tpu.memory_space<vmem>>
      %dma_wait3A_397 = arith.constant 0 : i32
      %dma_wait3A_398 = arith.constant 0 : i32
      %dma_wait3A_399 = tpu.memref_slice %arg2[%dma_wait3A_397, %dma_wait3A_398] : memref<100000x128xf32, #tpu.memory_space<hbm>> -> memref<80x128xf32, #tpu.memory_space<hbm>>
      tpu.wait_dma2 semaphore(%arg7 : memref<!tpu.dma_semaphore, #tpu.memory_space<semaphore_mem>>) src(%dma_wait3A_399 : memref<80x128xf32, #tpu.memory_space<hbm>>) dst(%dma_wait3A_396 : memref<80x128xf32, #tpu.memory_space<vmem>>)
      %dma_wait3A_400 = arith.constant 0 : i32
      %dma_wait3A_401 = arith.constant 0 : i32
      %dma_wait3A_402 = arith.constant 0 : i32
      %dma_wait3A_403 = tpu.memref_slice %arg6[%dma_wait3A_400, %dma_wait3A_401, %dma_wait3A_402] : memref<2x80x128xf32, #tpu.memory_space<vmem>> -> memref<1x80x128xf32, #tpu.memory_space<vmem>>
      %dma_wait3A_404 = tpu.memref_squeeze %dma_wait3A_403 : memref<1x80x128xf32, #tpu.memory_space<vmem>> -> memref<80x128xf32, #tpu.memory_space<vmem>>
      %dma_wait3A_405 = arith.constant 0 : i32
      %dma_wait3A_406 = arith.constant 0 : i32
      %dma_wait3A_407 = tpu.memref_slice %arg2[%dma_wait3A_405, %dma_wait3A_406] : memref<100000x128xf32, #tpu.memory_space<hbm>> -> memref<80x128xf32, #tpu.memory_space<hbm>>
      %dma_wait3A_408 = arith.constant 0 : i32
      %dma_wait3A_409 = arith.constant 0 : i32
      %dma_wait3A_410 = tpu.memref_slice %arg6[%dma_wait3A_400, %dma_wait3A_408, %dma_wait3A_409] : memref<2x80x128xf32, #tpu.memory_space<vmem>> -> memref<1x80x128xf32, #tpu.memory_space<vmem>>
      %dma_wait3A_411 = tpu.memref_squeeze %dma_wait3A_410 : memref<1x80x128xf32, #tpu.memory_space<vmem>> -> memref<80x128xf32, #tpu.memory_space<vmem>>
      %dma_wait3A_412 = arith.constant 0 : i32
      %dma_wait3A_413 = arith.constant 0 : i32
      %dma_wait3A_414 = tpu.memref_slice %arg2[%dma_wait3A_412, %dma_wait3A_413] : memref<100000x128xf32, #tpu.memory_space<hbm>> -> memref<80x128xf32, #tpu.memory_space<hbm>>
      tpu.wait_dma2 semaphore(%arg7 : memref<!tpu.dma_semaphore, #tpu.memory_space<semaphore_mem>>) src(%dma_wait3A_414 : memref<80x128xf32, #tpu.memory_space<hbm>>) dst(%dma_wait3A_411 : memref<80x128xf32, #tpu.memory_space<vmem>>)
      %dma_wait3A_415 = arith.constant 0 : i32
      %dma_wait3A_416 = arith.constant 0 : i32
      %dma_wait3A_417 = arith.constant 0 : i32
      %dma_wait3A_418 = tpu.memref_slice %arg6[%dma_wait3A_415, %dma_wait3A_416, %dma_wait3A_417] : memref<2x80x128xf32, #tpu.memory_space<vmem>> -> memref<1x80x128xf32, #tpu.memory_space<vmem>>
      %dma_wait3A_419 = tpu.memref_squeeze %dma_wait3A_418 : memref<1x80x128xf32, #tpu.memory_space<vmem>> -> memref<80x128xf32, #tpu.memory_space<vmem>>
      %dma_wait3A_420 = arith.constant 0 : i32
      %dma_wait3A_421 = arith.constant 0 : i32
      %dma_wait3A_422 = tpu.memref_slice %arg2[%dma_wait3A_420, %dma_wait3A_421] : memref<100000x128xf32, #tpu.memory_space<hbm>> -> memref<80x128xf32, #tpu.memory_space<hbm>>
      %dma_wait3A_423 = arith.constant 0 : i32
      %dma_wait3A_424 = arith.constant 0 : i32
      %dma_wait3A_425 = tpu.memref_slice %arg6[%dma_wait3A_415, %dma_wait3A_423, %dma_wait3A_424] : memref<2x80x128xf32, #tpu.memory_space<vmem>> -> memref<1x80x128xf32, #tpu.memory_space<vmem>>
      %dma_wait3A_426 = tpu.memref_squeeze %dma_wait3A_425 : memref<1x80x128xf32, #tpu.memory_space<vmem>> -> memref<80x128xf32, #tpu.memory_space<vmem>>
      %dma_wait3A_427 = arith.constant 0 : i32
      %dma_wait3A_428 = arith.constant 0 : i32
      %dma_wait3A_429 = tpu.memref_slice %arg2[%dma_wait3A_427, %dma_wait3A_428] : memref<100000x128xf32, #tpu.memory_space<hbm>> -> memref<80x128xf32, #tpu.memory_space<hbm>>
      tpu.wait_dma2 semaphore(%arg7 : memref<!tpu.dma_semaphore, #tpu.memory_space<semaphore_mem>>) src(%dma_wait3A_429 : memref<80x128xf32, #tpu.memory_space<hbm>>) dst(%dma_wait3A_426 : memref<80x128xf32, #tpu.memory_space<vmem>>)
      %dma_wait3A_430 = arith.constant 0 : i32
      %dma_wait3A_431 = arith.constant 0 : i32
      %dma_wait3A_432 = arith.constant 0 : i32
      %dma_wait3A_433 = tpu.memref_slice %arg6[%dma_wait3A_430, %dma_wait3A_431, %dma_wait3A_432] : memref<2x80x128xf32, #tpu.memory_space<vmem>> -> memref<1x80x128xf32, #tpu.memory_space<vmem>>
      %dma_wait3A_434 = tpu.memref_squeeze %dma_wait3A_433 : memref<1x80x128xf32, #tpu.memory_space<vmem>> -> memref<80x128xf32, #tpu.memory_space<vmem>>
      %dma_wait3A_435 = arith.constant 0 : i32
      %dma_wait3A_436 = arith.constant 0 : i32
      %dma_wait3A_437 = tpu.memref_slice %arg2[%dma_wait3A_435, %dma_wait3A_436] : memref<100000x128xf32, #tpu.memory_space<hbm>> -> memref<80x128xf32, #tpu.memory_space<hbm>>
      %dma_wait3A_438 = arith.constant 0 : i32
      %dma_wait3A_439 = arith.constant 0 : i32
      %dma_wait3A_440 = tpu.memref_slice %arg6[%dma_wait3A_430, %dma_wait3A_438, %dma_wait3A_439] : memref<2x80x128xf32, #tpu.memory_space<vmem>> -> memref<1x80x128xf32, #tpu.memory_space<vmem>>
      %dma_wait3A_441 = tpu.memref_squeeze %dma_wait3A_440 : memref<1x80x128xf32, #tpu.memory_space<vmem>> -> memref<80x128xf32, #tpu.memory_space<vmem>>
      %dma_wait3A_442 = arith.constant 0 : i32
      %dma_wait3A_443 = arith.constant 0 : i32
      %dma_wait3A_444 = tpu.memref_slice %arg2[%dma_wait3A_442, %dma_wait3A_443] : memref<100000x128xf32, #tpu.memory_space<hbm>> -> memref<80x128xf32, #tpu.memory_space<hbm>>
      tpu.wait_dma2 semaphore(%arg7 : memref<!tpu.dma_semaphore, #tpu.memory_space<semaphore_mem>>) src(%dma_wait3A_444 : memref<80x128xf32, #tpu.memory_space<hbm>>) dst(%dma_wait3A_441 : memref<80x128xf32, #tpu.memory_space<vmem>>)
      %dma_wait3A_445 = arith.constant 0 : i32
      %dma_wait3A_446 = arith.constant 0 : i32
      %dma_wait3A_447 = arith.constant 0 : i32
      %dma_wait3A_448 = tpu.memref_slice %arg6[%dma_wait3A_445, %dma_wait3A_446, %dma_wait3A_447] : memref<2x80x128xf32, #tpu.memory_space<vmem>> -> memref<1x80x128xf32, #tpu.memory_space<vmem>>
      %dma_wait3A_449 = tpu.memref_squeeze %dma_wait3A_448 : memref<1x80x128xf32, #tpu.memory_space<vmem>> -> memref<80x128xf32, #tpu.memory_space<vmem>>
      %dma_wait3A_450 = arith.constant 0 : i32
      %dma_wait3A_451 = arith.constant 0 : i32
      %dma_wait3A_452 = tpu.memref_slice %arg2[%dma_wait3A_450, %dma_wait3A_451] : memref<100000x128xf32, #tpu.memory_space<hbm>> -> memref<80x128xf32, #tpu.memory_space<hbm>>
      %dma_wait3A_453 = arith.constant 0 : i32
      %dma_wait3A_454 = arith.constant 0 : i32
      %dma_wait3A_455 = tpu.memref_slice %arg6[%dma_wait3A_445, %dma_wait3A_453, %dma_wait3A_454] : memref<2x80x128xf32, #tpu.memory_space<vmem>> -> memref<1x80x128xf32, #tpu.memory_space<vmem>>
      %dma_wait3A_456 = tpu.memref_squeeze %dma_wait3A_455 : memref<1x80x128xf32, #tpu.memory_space<vmem>> -> memref<80x128xf32, #tpu.memory_space<vmem>>
      %dma_wait3A_457 = arith.constant 0 : i32
      %dma_wait3A_458 = arith.constant 0 : i32
      %dma_wait3A_459 = tpu.memref_slice %arg2[%dma_wait3A_457, %dma_wait3A_458] : memref<100000x128xf32, #tpu.memory_space<hbm>> -> memref<80x128xf32, #tpu.memory_space<hbm>>
      tpu.wait_dma2 semaphore(%arg7 : memref<!tpu.dma_semaphore, #tpu.memory_space<semaphore_mem>>) src(%dma_wait3A_459 : memref<80x128xf32, #tpu.memory_space<hbm>>) dst(%dma_wait3A_456 : memref<80x128xf32, #tpu.memory_space<vmem>>)
      %scan3A_460 = arith.constant 0 : i32
      %scan3A_461 = arith.constant 0 : i32
      %scan3A_462 = arith.constant 80 : i32
      %scan3A_463 = arith.addi %scan3A_461, %scan3A_462 : i32
      %scan3A_464 = arith.constant 1 : i32
      scf.for %scan3A_635 = %scan3A_461 to %scan3A_463 step %scan3A_464  : i32 {
        %get3A = arith.constant 0 : i32
        %get3A_636 = arith.index_cast %get3A : i32 to index
        %get3A_637 = arith.index_cast %scan3A_635 : i32 to index
        %get3A_638 = arith.constant 0 : index
        %get3A_639 = tpu.vector_load %arg6[%get3A_636, %get3A_637, %get3A_638] {strides = array<i32>} : memref<2x80x128xf32, #tpu.memory_space<vmem>>, vector<1x1x16xf32>,
        %get3A_640 = vector.shape_cast %get3A_639 : vector<1x1x16xf32> to vector<16xf32>
        %mul3A_641 = arith.constant 1.000000e-01 : f32
        %mul3A_642 = vector.broadcast %mul3A_641 : f32 to vector<16xf32>
        %mul3A_643 = arith.mulf %get3A_640, %mul3A_642 : vector<16xf32>
        %swap3A = arith.constant 0 : i32
        %swap3A_644 = arith.index_cast %swap3A : i32 to index
        %swap3A_645 = arith.index_cast %scan3A_635 : i32 to index
        %swap3A_646 = arith.constant 0 : index
        %swap3A_647 = tpu.vector_load %arg6[%swap3A_644, %swap3A_645, %swap3A_646] {strides = array<i32>} : memref<2x80x128xf32, #tpu.memory_space<vmem>>, vector<1x1x16xf32>,
        %swap3A_648 = vector.shape_cast %swap3A_647 : vector<1x1x16xf32> to vector<16xf32>
        %swap3A_649 = vector.shape_cast %mul3A_643 : vector<16xf32> to vector<1x1x16xf32>
        tpu.vector_store %arg6[%swap3A_644, %swap3A_645, %swap3A_646], %swap3A_649 {strides = array<i32>} : memref<2x80x128xf32, #tpu.memory_space<vmem>>, vector<1x1x16xf32>,
        %get3A_650 = arith.constant 0 : i32
        %get3A_651 = arith.index_cast %get3A_650 : i32 to index
        %get3A_652 = arith.index_cast %scan3A_635 : i32 to index
        %get3A_653 = arith.constant 16 : index
        %get3A_654 = tpu.vector_load %arg6[%get3A_651, %get3A_652, %get3A_653] {strides = array<i32>} : memref<2x80x128xf32, #tpu.memory_space<vmem>>, vector<1x1x16xf32>,
        %get3A_655 = vector.shape_cast %get3A_654 : vector<1x1x16xf32> to vector<16xf32>
        %mul3A_656 = arith.constant 1.000000e-01 : f32
        %mul3A_657 = vector.broadcast %mul3A_656 : f32 to vector<16xf32>
        %mul3A_658 = arith.mulf %get3A_655, %mul3A_657 : vector<16xf32>
        %swap3A_659 = arith.constant 0 : i32
        %swap3A_660 = arith.index_cast %swap3A_659 : i32 to index
        %swap3A_661 = arith.index_cast %scan3A_635 : i32 to index
        %swap3A_662 = arith.constant 16 : index
        %swap3A_663 = tpu.vector_load %arg6[%swap3A_660, %swap3A_661, %swap3A_662] {strides = array<i32>} : memref<2x80x128xf32, #tpu.memory_space<vmem>>, vector<1x1x16xf32>,
        %swap3A_664 = vector.shape_cast %swap3A_663 : vector<1x1x16xf32> to vector<16xf32>
        %swap3A_665 = vector.shape_cast %mul3A_658 : vector<16xf32> to vector<1x1x16xf32>
        tpu.vector_store %arg6[%swap3A_660, %swap3A_661, %swap3A_662], %swap3A_665 {strides = array<i32>} : memref<2x80x128xf32, #tpu.memory_space<vmem>>, vector<1x1x16xf32>,
        %get3A_666 = arith.constant 0 : i32
        %get3A_667 = arith.index_cast %get3A_666 : i32 to index
        %get3A_668 = arith.index_cast %scan3A_635 : i32 to index
        %get3A_669 = arith.constant 32 : index
        %get3A_670 = tpu.vector_load %arg6[%get3A_667, %get3A_668, %get3A_669] {strides = array<i32>} : memref<2x80x128xf32, #tpu.memory_space<vmem>>, vector<1x1x16xf32>,
        %get3A_671 = vector.shape_cast %get3A_670 : vector<1x1x16xf32> to vector<16xf32>
        %mul3A_672 = arith.constant 1.000000e-01 : f32
        %mul3A_673 = vector.broadcast %mul3A_672 : f32 to vector<16xf32>
        %mul3A_674 = arith.mulf %get3A_671, %mul3A_673 : vector<16xf32>
        %swap3A_675 = arith.constant 0 : i32
        %swap3A_676 = arith.index_cast %swap3A_675 : i32 to index
        %swap3A_677 = arith.index_cast %scan3A_635 : i32 to index
        %swap3A_678 = arith.constant 32 : index
        %swap3A_679 = tpu.vector_load %arg6[%swap3A_676, %swap3A_677, %swap3A_678] {strides = array<i32>} : memref<2x80x128xf32, #tpu.memory_space<vmem>>, vector<1x1x16xf32>,
        %swap3A_680 = vector.shape_cast %swap3A_679 : vector<1x1x16xf32> to vector<16xf32>
        %swap3A_681 = vector.shape_cast %mul3A_674 : vector<16xf32> to vector<1x1x16xf32>
        tpu.vector_store %arg6[%swap3A_676, %swap3A_677, %swap3A_678], %swap3A_681 {strides = array<i32>} : memref<2x80x128xf32, #tpu.memory_space<vmem>>, vector<1x1x16xf32>,
        %get3A_682 = arith.constant 0 : i32
        %get3A_683 = arith.index_cast %get3A_682 : i32 to index
        %get3A_684 = arith.index_cast %scan3A_635 : i32 to index
        %get3A_685 = arith.constant 48 : index
        %get3A_686 = tpu.vector_load %arg6[%get3A_683, %get3A_684, %get3A_685] {strides = array<i32>} : memref<2x80x128xf32, #tpu.memory_space<vmem>>, vector<1x1x16xf32>,
        %get3A_687 = vector.shape_cast %get3A_686 : vector<1x1x16xf32> to vector<16xf32>
        %mul3A_688 = arith.constant 1.000000e-01 : f32
        %mul3A_689 = vector.broadcast %mul3A_688 : f32 to vector<16xf32>
        %mul3A_690 = arith.mulf %get3A_687, %mul3A_689 : vector<16xf32>
        %swap3A_691 = arith.constant 0 : i32
        %swap3A_692 = arith.index_cast %swap3A_691 : i32 to index
        %swap3A_693 = arith.index_cast %scan3A_635 : i32 to index
        %swap3A_694 = arith.constant 48 : index
        %swap3A_695 = tpu.vector_load %arg6[%swap3A_692, %swap3A_693, %swap3A_694] {strides = array<i32>} : memref<2x80x128xf32, #tpu.memory_space<vmem>>, vector<1x1x16xf32>,
        %swap3A_696 = vector.shape_cast %swap3A_695 : vector<1x1x16xf32> to vector<16xf32>
        %swap3A_697 = vector.shape_cast %mul3A_690 : vector<16xf32> to vector<1x1x16xf32>
        tpu.vector_store %arg6[%swap3A_692, %swap3A_693, %swap3A_694], %swap3A_697 {strides = array<i32>} : memref<2x80x128xf32, #tpu.memory_space<vmem>>, vector<1x1x16xf32>,
        %get3A_698 = arith.constant 0 : i32
        %get3A_699 = arith.index_cast %get3A_698 : i32 to index
        %get3A_700 = arith.index_cast %scan3A_635 : i32 to index
        %get3A_701 = arith.constant 64 : index
        %get3A_702 = tpu.vector_load %arg6[%get3A_699, %get3A_700, %get3A_701] {strides = array<i32>} : memref<2x80x128xf32, #tpu.memory_space<vmem>>, vector<1x1x16xf32>,
        %get3A_703 = vector.shape_cast %get3A_702 : vector<1x1x16xf32> to vector<16xf32>
        %mul3A_704 = arith.constant 1.000000e-01 : f32
        %mul3A_705 = vector.broadcast %mul3A_704 : f32 to vector<16xf32>
        %mul3A_706 = arith.mulf %get3A_703, %mul3A_705 : vector<16xf32>
        %swap3A_707 = arith.constant 0 : i32
        %swap3A_708 = arith.index_cast %swap3A_707 : i32 to index
        %swap3A_709 = arith.index_cast %scan3A_635 : i32 to index
        %swap3A_710 = arith.constant 64 : index
        %swap3A_711 = tpu.vector_load %arg6[%swap3A_708, %swap3A_709, %swap3A_710] {strides = array<i32>} : memref<2x80x128xf32, #tpu.memory_space<vmem>>, vector<1x1x16xf32>,
        %swap3A_712 = vector.shape_cast %swap3A_711 : vector<1x1x16xf32> to vector<16xf32>
        %swap3A_713 = vector.shape_cast %mul3A_706 : vector<16xf32> to vector<1x1x16xf32>
        tpu.vector_store %arg6[%swap3A_708, %swap3A_709, %swap3A_710], %swap3A_713 {strides = array<i32>} : memref<2x80x128xf32, #tpu.memory_space<vmem>>, vector<1x1x16xf32>,
        %get3A_714 = arith.constant 0 : i32
        %get3A_715 = arith.index_cast %get3A_714 : i32 to index
        %get3A_716 = arith.index_cast %scan3A_635 : i32 to index
        %get3A_717 = arith.constant 80 : index
        %get3A_718 = tpu.vector_load %arg6[%get3A_715, %get3A_716, %get3A_717] {strides = array<i32>} : memref<2x80x128xf32, #tpu.memory_space<vmem>>, vector<1x1x16xf32>,
        %get3A_719 = vector.shape_cast %get3A_718 : vector<1x1x16xf32> to vector<16xf32>
        %mul3A_720 = arith.constant 1.000000e-01 : f32
        %mul3A_721 = vector.broadcast %mul3A_720 : f32 to vector<16xf32>
        %mul3A_722 = arith.mulf %get3A_719, %mul3A_721 : vector<16xf32>
        %swap3A_723 = arith.constant 0 : i32
        %swap3A_724 = arith.index_cast %swap3A_723 : i32 to index
        %swap3A_725 = arith.index_cast %scan3A_635 : i32 to index
        %swap3A_726 = arith.constant 80 : index
        %swap3A_727 = tpu.vector_load %arg6[%swap3A_724, %swap3A_725, %swap3A_726] {strides = array<i32>} : memref<2x80x128xf32, #tpu.memory_space<vmem>>, vector<1x1x16xf32>,
        %swap3A_728 = vector.shape_cast %swap3A_727 : vector<1x1x16xf32> to vector<16xf32>
        %swap3A_729 = vector.shape_cast %mul3A_722 : vector<16xf32> to vector<1x1x16xf32>
        tpu.vector_store %arg6[%swap3A_724, %swap3A_725, %swap3A_726], %swap3A_729 {strides = array<i32>} : memref<2x80x128xf32, #tpu.memory_space<vmem>>, vector<1x1x16xf32>,
        %get3A_730 = arith.constant 0 : i32
        %get3A_731 = arith.index_cast %get3A_730 : i32 to index
        %get3A_732 = arith.index_cast %scan3A_635 : i32 to index
        %get3A_733 = arith.constant 96 : index
        %get3A_734 = tpu.vector_load %arg6[%get3A_731, %get3A_732, %get3A_733] {strides = array<i32>} : memref<2x80x128xf32, #tpu.memory_space<vmem>>, vector<1x1x16xf32>,
        %get3A_735 = vector.shape_cast %get3A_734 : vector<1x1x16xf32> to vector<16xf32>
        %mul3A_736 = arith.constant 1.000000e-01 : f32
        %mul3A_737 = vector.broadcast %mul3A_736 : f32 to vector<16xf32>
        %mul3A_738 = arith.mulf %get3A_735, %mul3A_737 : vector<16xf32>
        %swap3A_739 = arith.constant 0 : i32
        %swap3A_740 = arith.index_cast %swap3A_739 : i32 to index
        %swap3A_741 = arith.index_cast %scan3A_635 : i32 to index
        %swap3A_742 = arith.constant 96 : index
        %swap3A_743 = tpu.vector_load %arg6[%swap3A_740, %swap3A_741, %swap3A_742] {strides = array<i32>} : memref<2x80x128xf32, #tpu.memory_space<vmem>>, vector<1x1x16xf32>,
        %swap3A_744 = vector.shape_cast %swap3A_743 : vector<1x1x16xf32> to vector<16xf32>
        %swap3A_745 = vector.shape_cast %mul3A_738 : vector<16xf32> to vector<1x1x16xf32>
        tpu.vector_store %arg6[%swap3A_740, %swap3A_741, %swap3A_742], %swap3A_745 {strides = array<i32>} : memref<2x80x128xf32, #tpu.memory_space<vmem>>, vector<1x1x16xf32>,
        %get3A_746 = arith.constant 0 : i32
        %get3A_747 = arith.index_cast %get3A_746 : i32 to index
        %get3A_748 = arith.index_cast %scan3A_635 : i32 to index
        %get3A_749 = arith.constant 112 : index
        %get3A_750 = tpu.vector_load %arg6[%get3A_747, %get3A_748, %get3A_749] {strides = array<i32>} : memref<2x80x128xf32, #tpu.memory_space<vmem>>, vector<1x1x16xf32>,
        %get3A_751 = vector.shape_cast %get3A_750 : vector<1x1x16xf32> to vector<16xf32>
        %mul3A_752 = arith.constant 1.000000e-01 : f32
        %mul3A_753 = vector.broadcast %mul3A_752 : f32 to vector<16xf32>
        %mul3A_754 = arith.mulf %get3A_751, %mul3A_753 : vector<16xf32>
        %swap3A_755 = arith.constant 0 : i32
        %swap3A_756 = arith.index_cast %swap3A_755 : i32 to index
        %swap3A_757 = arith.index_cast %scan3A_635 : i32 to index
        %swap3A_758 = arith.constant 112 : index
        %swap3A_759 = tpu.vector_load %arg6[%swap3A_756, %swap3A_757, %swap3A_758] {strides = array<i32>} : memref<2x80x128xf32, #tpu.memory_space<vmem>>, vector<1x1x16xf32>,
        %swap3A_760 = vector.shape_cast %swap3A_759 : vector<1x1x16xf32> to vector<16xf32>
        %swap3A_761 = vector.shape_cast %mul3A_754 : vector<16xf32> to vector<1x1x16xf32>
        tpu.vector_store %arg6[%swap3A_756, %swap3A_757, %swap3A_758], %swap3A_761 {strides = array<i32>} : memref<2x80x128xf32, #tpu.memory_space<vmem>>, vector<1x1x16xf32>,
      }
      %scan3A_465 = arith.constant 80 : i32
      %mul3A_466 = arith.constant 80 : i32
      %mul3A_467 = arith.muli %mul3A_162, %mul3A_466 : i32
      %add3A_468 = arith.addi %mul3A_12, %mul3A_467 : i32
      %run_scoped3A = arith.constant 0 : i32
      "tpu.region"() ({
        %run_scoped3A_635 = tpu.sem_alloc : memref<!tpu.dma_semaphore, #tpu.memory_space<semaphore_mem>>
        %dma_start3A_636 = arith.constant 0 : i32
        %dma_start3A_637 = arith.constant 0 : i32
        %dma_start3A_638 = tpu.memref_slice %arg6[%run_scoped3A, %dma_start3A_636, %dma_start3A_637] : memref<2x80x128xf32, #tpu.memory_space<vmem>> -> memref<1x80x128xf32, #tpu.memory_space<vmem>>
        %dma_start3A_639 = tpu.memref_squeeze %dma_start3A_638 : memref<1x80x128xf32, #tpu.memory_space<vmem>> -> memref<80x128xf32, #tpu.memory_space<vmem>>
        %dma_start3A_640 = arith.constant 0 : i32
        %dma_start3A_641 = tpu.memref_slice %arg4[%add3A_468, %dma_start3A_640] : memref<100000x128xf32, #tpu.memory_space<hbm>> -> memref<80x128xf32, #tpu.memory_space<hbm>>
        %dma_start3A_642 = arith.constant 0 : i32
        %dma_start3A_643 = tpu.memref_slice %arg4[%add3A_468, %dma_start3A_642] : memref<100000x128xf32, #tpu.memory_space<hbm>> -> memref<80x128xf32, #tpu.memory_space<hbm>>
        %dma_start3A_644 = arith.constant 0 : i32
        %dma_start3A_645 = arith.constant 0 : i32
        %dma_start3A_646 = tpu.memref_slice %arg6[%run_scoped3A, %dma_start3A_644, %dma_start3A_645] : memref<2x80x128xf32, #tpu.memory_space<vmem>> -> memref<1x80x128xf32, #tpu.memory_space<vmem>>
        %dma_start3A_647 = tpu.memref_squeeze %dma_start3A_646 : memref<1x80x128xf32, #tpu.memory_space<vmem>> -> memref<80x128xf32, #tpu.memory_space<vmem>>
        tpu.enqueue_dma source(%dma_start3A_647 : memref<80x128xf32, #tpu.memory_space<vmem>>) target(%dma_start3A_643 : memref<80x128xf32, #tpu.memory_space<hbm>>) target_semaphore(%run_scoped3A_635 : memref<!tpu.dma_semaphore, #tpu.memory_space<semaphore_mem>>)
        %dma_wait3A_648 = arith.constant 0 : i32
        %dma_wait3A_649 = arith.constant 0 : i32
        %dma_wait3A_650 = tpu.memref_slice %arg6[%run_scoped3A, %dma_wait3A_648, %dma_wait3A_649] : memref<2x80x128xf32, #tpu.memory_space<vmem>> -> memref<1x80x128xf32, #tpu.memory_space<vmem>>
        %dma_wait3A_651 = tpu.memref_squeeze %dma_wait3A_650 : memref<1x80x128xf32, #tpu.memory_space<vmem>> -> memref<80x128xf32, #tpu.memory_space<vmem>>
        %dma_wait3A_652 = arith.constant 0 : i32
        %dma_wait3A_653 = tpu.memref_slice %arg4[%add3A_468, %dma_wait3A_652] : memref<100000x128xf32, #tpu.memory_space<hbm>> -> memref<80x128xf32, #tpu.memory_space<hbm>>
        %dma_wait3A_654 = arith.constant 0 : i32
        %dma_wait3A_655 = tpu.memref_slice %arg4[%add3A_468, %dma_wait3A_654] : memref<100000x128xf32, #tpu.memory_space<hbm>> -> memref<80x128xf32, #tpu.memory_space<hbm>>
        %dma_wait3A_656 = arith.constant 0 : i32
        %dma_wait3A_657 = arith.constant 0 : i32
        %dma_wait3A_658 = tpu.memref_slice %arg6[%run_scoped3A, %dma_wait3A_656, %dma_wait3A_657] : memref<2x80x128xf32, #tpu.memory_space<vmem>> -> memref<1x80x128xf32, #tpu.memory_space<vmem>>
        %dma_wait3A_659 = tpu.memref_squeeze %dma_wait3A_658 : memref<1x80x128xf32, #tpu.memory_space<vmem>> -> memref<80x128xf32, #tpu.memory_space<vmem>>
        tpu.wait_dma2 semaphore(%run_scoped3A_635 : memref<!tpu.dma_semaphore, #tpu.memory_space<semaphore_mem>>) src(%dma_wait3A_659 : memref<80x128xf32, #tpu.memory_space<vmem>>) dst(%dma_wait3A_655 : memref<80x128xf32, #tpu.memory_space<hbm>>)
        tpu.yield
      }) : () -> ()
      %sub3A_469 = arith.constant 1 : i32
      %sub3A_470 = arith.subi %select_n3A, %sub3A_469 : i32
      %lt3A_471 = arith.cmpi slt, %while3A_160, %sub3A_470 : i32
      %convert_element_type3A = arith.extui %lt3A_471 : i1 to i32
      %cond3A = arith.constant 0 : i32
      %cond3A_472 = arith.cmpi ne, %convert_element_type3A, %cond3A : i32
      scf.if %cond3A_472 {
        %scan3A_635 = arith.constant 0 : i32
        %scan3A_636 = arith.constant 0 : i32
        %scan3A_637 = arith.constant 80 : i32
        %scan3A_638 = arith.addi %scan3A_636, %scan3A_637 : i32
        %scan3A_639 = arith.constant 1 : i32
        scf.for %scan3A_783 = %scan3A_636 to %scan3A_638 step %scan3A_639  : i32 {
          %broadcast_in_dim3A = arith.constant 0.000000e+00 : f32
          %broadcast_in_dim3A_784 = vector.broadcast %broadcast_in_dim3A : f32 to vector<16xf32>
          %swap3A = arith.constant 0 : i32
          %swap3A_785 = arith.index_cast %swap3A : i32 to index
          %swap3A_786 = arith.index_cast %scan3A_783 : i32 to index
          %swap3A_787 = arith.constant 0 : index
          %swap3A_788 = tpu.vector_load %arg6[%swap3A_785, %swap3A_786, %swap3A_787] {strides = array<i32>} : memref<2x80x128xf32, #tpu.memory_space<vmem>>, vector<1x1x16xf32>,
          %swap3A_789 = vector.shape_cast %swap3A_788 : vector<1x1x16xf32> to vector<16xf32>
          %swap3A_790 = vector.shape_cast %broadcast_in_dim3A_784 : vector<16xf32> to vector<1x1x16xf32>
          tpu.vector_store %arg6[%swap3A_785, %swap3A_786, %swap3A_787], %swap3A_790 {strides = array<i32>} : memref<2x80x128xf32, #tpu.memory_space<vmem>>, vector<1x1x16xf32>,
          %broadcast_in_dim3A_791 = arith.constant 0.000000e+00 : f32
          %broadcast_in_dim3A_792 = vector.broadcast %broadcast_in_dim3A_791 : f32 to vector<16xf32>
          %swap3A_793 = arith.constant 0 : i32
          %swap3A_794 = arith.index_cast %swap3A_793 : i32 to index
          %swap3A_795 = arith.index_cast %scan3A_783 : i32 to index
          %swap3A_796 = arith.constant 16 : index
          %swap3A_797 = tpu.vector_load %arg6[%swap3A_794, %swap3A_795, %swap3A_796] {strides = array<i32>} : memref<2x80x128xf32, #tpu.memory_space<vmem>>, vector<1x1x16xf32>,
          %swap3A_798 = vector.shape_cast %swap3A_797 : vector<1x1x16xf32> to vector<16xf32>
          %swap3A_799 = vector.shape_cast %broadcast_in_dim3A_792 : vector<16xf32> to vector<1x1x16xf32>
          tpu.vector_store %arg6[%swap3A_794, %swap3A_795, %swap3A_796], %swap3A_799 {strides = array<i32>} : memref<2x80x128xf32, #tpu.memory_space<vmem>>, vector<1x1x16xf32>,
          %broadcast_in_dim3A_800 = arith.constant 0.000000e+00 : f32
          %broadcast_in_dim3A_801 = vector.broadcast %broadcast_in_dim3A_800 : f32 to vector<16xf32>
          %swap3A_802 = arith.constant 0 : i32
          %swap3A_803 = arith.index_cast %swap3A_802 : i32 to index
          %swap3A_804 = arith.index_cast %scan3A_783 : i32 to index
          %swap3A_805 = arith.constant 32 : index
          %swap3A_806 = tpu.vector_load %arg6[%swap3A_803, %swap3A_804, %swap3A_805] {strides = array<i32>} : memref<2x80x128xf32, #tpu.memory_space<vmem>>, vector<1x1x16xf32>,
          %swap3A_807 = vector.shape_cast %swap3A_806 : vector<1x1x16xf32> to vector<16xf32>
          %swap3A_808 = vector.shape_cast %broadcast_in_dim3A_801 : vector<16xf32> to vector<1x1x16xf32>
          tpu.vector_store %arg6[%swap3A_803, %swap3A_804, %swap3A_805], %swap3A_808 {strides = array<i32>} : memref<2x80x128xf32, #tpu.memory_space<vmem>>, vector<1x1x16xf32>,
          %broadcast_in_dim3A_809 = arith.constant 0.000000e+00 : f32
          %broadcast_in_dim3A_810 = vector.broadcast %broadcast_in_dim3A_809 : f32 to vector<16xf32>
          %swap3A_811 = arith.constant 0 : i32
          %swap3A_812 = arith.index_cast %swap3A_811 : i32 to index
          %swap3A_813 = arith.index_cast %scan3A_783 : i32 to index
          %swap3A_814 = arith.constant 48 : index
          %swap3A_815 = tpu.vector_load %arg6[%swap3A_812, %swap3A_813, %swap3A_814] {strides = array<i32>} : memref<2x80x128xf32, #tpu.memory_space<vmem>>, vector<1x1x16xf32>,
          %swap3A_816 = vector.shape_cast %swap3A_815 : vector<1x1x16xf32> to vector<16xf32>
          %swap3A_817 = vector.shape_cast %broadcast_in_dim3A_810 : vector<16xf32> to vector<1x1x16xf32>
          tpu.vector_store %arg6[%swap3A_812, %swap3A_813, %swap3A_814], %swap3A_817 {strides = array<i32>} : memref<2x80x128xf32, #tpu.memory_space<vmem>>, vector<1x1x16xf32>,
          %broadcast_in_dim3A_818 = arith.constant 0.000000e+00 : f32
          %broadcast_in_dim3A_819 = vector.broadcast %broadcast_in_dim3A_818 : f32 to vector<16xf32>
          %swap3A_820 = arith.constant 0 : i32
          %swap3A_821 = arith.index_cast %swap3A_820 : i32 to index
          %swap3A_822 = arith.index_cast %scan3A_783 : i32 to index
          %swap3A_823 = arith.constant 64 : index
          %swap3A_824 = tpu.vector_load %arg6[%swap3A_821, %swap3A_822, %swap3A_823] {strides = array<i32>} : memref<2x80x128xf32, #tpu.memory_space<vmem>>, vector<1x1x16xf32>,
          %swap3A_825 = vector.shape_cast %swap3A_824 : vector<1x1x16xf32> to vector<16xf32>
          %swap3A_826 = vector.shape_cast %broadcast_in_dim3A_819 : vector<16xf32> to vector<1x1x16xf32>
          tpu.vector_store %arg6[%swap3A_821, %swap3A_822, %swap3A_823], %swap3A_826 {strides = array<i32>} : memref<2x80x128xf32, #tpu.memory_space<vmem>>, vector<1x1x16xf32>,
          %broadcast_in_dim3A_827 = arith.constant 0.000000e+00 : f32
          %broadcast_in_dim3A_828 = vector.broadcast %broadcast_in_dim3A_827 : f32 to vector<16xf32>
          %swap3A_829 = arith.constant 0 : i32
          %swap3A_830 = arith.index_cast %swap3A_829 : i32 to index
          %swap3A_831 = arith.index_cast %scan3A_783 : i32 to index
          %swap3A_832 = arith.constant 80 : index
          %swap3A_833 = tpu.vector_load %arg6[%swap3A_830, %swap3A_831, %swap3A_832] {strides = array<i32>} : memref<2x80x128xf32, #tpu.memory_space<vmem>>, vector<1x1x16xf32>,
          %swap3A_834 = vector.shape_cast %swap3A_833 : vector<1x1x16xf32> to vector<16xf32>
          %swap3A_835 = vector.shape_cast %broadcast_in_dim3A_828 : vector<16xf32> to vector<1x1x16xf32>
          tpu.vector_store %arg6[%swap3A_830, %swap3A_831, %swap3A_832], %swap3A_835 {strides = array<i32>} : memref<2x80x128xf32, #tpu.memory_space<vmem>>, vector<1x1x16xf32>,
          %broadcast_in_dim3A_836 = arith.constant 0.000000e+00 : f32
          %broadcast_in_dim3A_837 = vector.broadcast %broadcast_in_dim3A_836 : f32 to vector<16xf32>
          %swap3A_838 = arith.constant 0 : i32
          %swap3A_839 = arith.index_cast %swap3A_838 : i32 to index
          %swap3A_840 = arith.index_cast %scan3A_783 : i32 to index
          %swap3A_841 = arith.constant 96 : index
          %swap3A_842 = tpu.vector_load %arg6[%swap3A_839, %swap3A_840, %swap3A_841] {strides = array<i32>} : memref<2x80x128xf32, #tpu.memory_space<vmem>>, vector<1x1x16xf32>,
          %swap3A_843 = vector.shape_cast %swap3A_842 : vector<1x1x16xf32> to vector<16xf32>
          %swap3A_844 = vector.shape_cast %broadcast_in_dim3A_837 : vector<16xf32> to vector<1x1x16xf32>
          tpu.vector_store %arg6[%swap3A_839, %swap3A_840, %swap3A_841], %swap3A_844 {strides = array<i32>} : memref<2x80x128xf32, #tpu.memory_space<vmem>>, vector<1x1x16xf32>,
          %broadcast_in_dim3A_845 = arith.constant 0.000000e+00 : f32
          %broadcast_in_dim3A_846 = vector.broadcast %broadcast_in_dim3A_845 : f32 to vector<16xf32>
          %swap3A_847 = arith.constant 0 : i32
          %swap3A_848 = arith.index_cast %swap3A_847 : i32 to index
          %swap3A_849 = arith.index_cast %scan3A_783 : i32 to index
          %swap3A_850 = arith.constant 112 : index
          %swap3A_851 = tpu.vector_load %arg6[%swap3A_848, %swap3A_849, %swap3A_850] {strides = array<i32>} : memref<2x80x128xf32, #tpu.memory_space<vmem>>, vector<1x1x16xf32>,
          %swap3A_852 = vector.shape_cast %swap3A_851 : vector<1x1x16xf32> to vector<16xf32>
          %swap3A_853 = vector.shape_cast %broadcast_in_dim3A_846 : vector<16xf32> to vector<1x1x16xf32>
          tpu.vector_store %arg6[%swap3A_848, %swap3A_849, %swap3A_850], %swap3A_853 {strides = array<i32>} : memref<2x80x128xf32, #tpu.memory_space<vmem>>, vector<1x1x16xf32>,
        }
        %scan3A_640 = arith.constant 80 : i32
        %add3A_641 = arith.constant 2 : i32
        %add3A_642 = arith.addi %mul3A_162, %add3A_641 : i32
        %mul3A_643 = arith.constant 0 : i32
        %mul3A_644 = arith.muli %mul3A_643, %mul3A_14 : i32
        %mul3A_645 = arith.constant 80 : i32
        %mul3A_646 = arith.muli %add3A_642, %mul3A_645 : i32
        %add3A_647 = arith.addi %mul3A_644, %mul3A_646 : i32
        %dma_start3A_648 = arith.constant 0 : i32
        %dma_start3A_649 = arith.constant 0 : i32
        %dma_start3A_650 = arith.constant 0 : i32
        %dma_start3A_651 = tpu.memref_slice %arg6[%dma_start3A_648, %dma_start3A_649, %dma_start3A_650] : memref<2x80x128xf32, #tpu.memory_space<vmem>> -> memref<1x80x128xf32, #tpu.memory_space<vmem>>
        %dma_start3A_652 = tpu.memref_squeeze %dma_start3A_651 : memref<1x80x128xf32, #tpu.memory_space<vmem>> -> memref<80x128xf32, #tpu.memory_space<vmem>>
        %dma_start3A_653 = tpu.memref_slice %arg5[%add3A_647] : memref<32000xi32, #tpu.memory_space<vmem>> -> memref<80xi32, #tpu.memory_space<vmem>>
        %dma_start3A_654 = arith.constant 0 : i32
        %dma_start3A_655 = arith.constant 0 : i32
        %dma_start3A_656 = tpu.memref_slice %arg2[%dma_start3A_654, %dma_start3A_655] : memref<100000x128xf32, #tpu.memory_space<hbm>> -> memref<100000x128xf32, #tpu.memory_space<hbm>>
        tpu.enqueue_indirect_dma source(%dma_start3A_656 : memref<100000x128xf32, #tpu.memory_space<hbm>>) target(%dma_start3A_652 : memref<80x128xf32, #tpu.memory_space<vmem>>) offsets(%dma_start3A_653 : memref<80xi32, #tpu.memory_space<vmem>>) semaphore(%arg7 : memref<!tpu.dma_semaphore, #tpu.memory_space<semaphore_mem>>) {add = true}
        %mul3A_657 = arith.constant 1 : i32
        %mul3A_658 = arith.muli %mul3A_657, %mul3A_14 : i32
        %mul3A_659 = arith.constant 80 : i32
        %mul3A_660 = arith.muli %add3A_642, %mul3A_659 : i32
        %add3A_661 = arith.addi %mul3A_658, %mul3A_660 : i32
        %dma_start3A_662 = arith.constant 0 : i32
        %dma_start3A_663 = arith.constant 0 : i32
        %dma_start3A_664 = arith.constant 0 : i32
        %dma_start3A_665 = tpu.memref_slice %arg6[%dma_start3A_662, %dma_start3A_663, %dma_start3A_664] : memref<2x80x128xf32, #tpu.memory_space<vmem>> -> memref<1x80x128xf32, #tpu.memory_space<vmem>>
        %dma_start3A_666 = tpu.memref_squeeze %dma_start3A_665 : memref<1x80x128xf32, #tpu.memory_space<vmem>> -> memref<80x128xf32, #tpu.memory_space<vmem>>
        %dma_start3A_667 = tpu.memref_slice %arg5[%add3A_661] : memref<32000xi32, #tpu.memory_space<vmem>> -> memref<80xi32, #tpu.memory_space<vmem>>
        %dma_start3A_668 = arith.constant 0 : i32
        %dma_start3A_669 = arith.constant 0 : i32
        %dma_start3A_670 = tpu.memref_slice %arg2[%dma_start3A_668, %dma_start3A_669] : memref<100000x128xf32, #tpu.memory_space<hbm>> -> memref<100000x128xf32, #tpu.memory_space<hbm>>
        tpu.enqueue_indirect_dma source(%dma_start3A_670 : memref<100000x128xf32, #tpu.memory_space<hbm>>) target(%dma_start3A_666 : memref<80x128xf32, #tpu.memory_space<vmem>>) offsets(%dma_start3A_667 : memref<80xi32, #tpu.memory_space<vmem>>) semaphore(%arg7 : memref<!tpu.dma_semaphore, #tpu.memory_space<semaphore_mem>>) {add = true}
        %mul3A_671 = arith.constant 2 : i32
        %mul3A_672 = arith.muli %mul3A_671, %mul3A_14 : i32
        %mul3A_673 = arith.constant 80 : i32
        %mul3A_674 = arith.muli %add3A_642, %mul3A_673 : i32
        %add3A_675 = arith.addi %mul3A_672, %mul3A_674 : i32
        %dma_start3A_676 = arith.constant 0 : i32
        %dma_start3A_677 = arith.constant 0 : i32
        %dma_start3A_678 = arith.constant 0 : i32
        %dma_start3A_679 = tpu.memref_slice %arg6[%dma_start3A_676, %dma_start3A_677, %dma_start3A_678] : memref<2x80x128xf32, #tpu.memory_space<vmem>> -> memref<1x80x128xf32, #tpu.memory_space<vmem>>
        %dma_start3A_680 = tpu.memref_squeeze %dma_start3A_679 : memref<1x80x128xf32, #tpu.memory_space<vmem>> -> memref<80x128xf32, #tpu.memory_space<vmem>>
        %dma_start3A_681 = tpu.memref_slice %arg5[%add3A_675] : memref<32000xi32, #tpu.memory_space<vmem>> -> memref<80xi32, #tpu.memory_space<vmem>>
        %dma_start3A_682 = arith.constant 0 : i32
        %dma_start3A_683 = arith.constant 0 : i32
        %dma_start3A_684 = tpu.memref_slice %arg2[%dma_start3A_682, %dma_start3A_683] : memref<100000x128xf32, #tpu.memory_space<hbm>> -> memref<100000x128xf32, #tpu.memory_space<hbm>>
        tpu.enqueue_indirect_dma source(%dma_start3A_684 : memref<100000x128xf32, #tpu.memory_space<hbm>>) target(%dma_start3A_680 : memref<80x128xf32, #tpu.memory_space<vmem>>) offsets(%dma_start3A_681 : memref<80xi32, #tpu.memory_space<vmem>>) semaphore(%arg7 : memref<!tpu.dma_semaphore, #tpu.memory_space<semaphore_mem>>) {add = true}
        %mul3A_685 = arith.constant 3 : i32
        %mul3A_686 = arith.muli %mul3A_685, %mul3A_14 : i32
        %mul3A_687 = arith.constant 80 : i32
        %mul3A_688 = arith.muli %add3A_642, %mul3A_687 : i32
        %add3A_689 = arith.addi %mul3A_686, %mul3A_688 : i32
        %dma_start3A_690 = arith.constant 0 : i32
        %dma_start3A_691 = arith.constant 0 : i32
        %dma_start3A_692 = arith.constant 0 : i32
        %dma_start3A_693 = tpu.memref_slice %arg6[%dma_start3A_690, %dma_start3A_691, %dma_start3A_692] : memref<2x80x128xf32, #tpu.memory_space<vmem>> -> memref<1x80x128xf32, #tpu.memory_space<vmem>>
        %dma_start3A_694 = tpu.memref_squeeze %dma_start3A_693 : memref<1x80x128xf32, #tpu.memory_space<vmem>> -> memref<80x128xf32, #tpu.memory_space<vmem>>
        %dma_start3A_695 = tpu.memref_slice %arg5[%add3A_689] : memref<32000xi32, #tpu.memory_space<vmem>> -> memref<80xi32, #tpu.memory_space<vmem>>
        %dma_start3A_696 = arith.constant 0 : i32
        %dma_start3A_697 = arith.constant 0 : i32
        %dma_start3A_698 = tpu.memref_slice %arg2[%dma_start3A_696, %dma_start3A_697] : memref<100000x128xf32, #tpu.memory_space<hbm>> -> memref<100000x128xf32, #tpu.memory_space<hbm>>
        tpu.enqueue_indirect_dma source(%dma_start3A_698 : memref<100000x128xf32, #tpu.memory_space<hbm>>) target(%dma_start3A_694 : memref<80x128xf32, #tpu.memory_space<vmem>>) offsets(%dma_start3A_695 : memref<80xi32, #tpu.memory_space<vmem>>) semaphore(%arg7 : memref<!tpu.dma_semaphore, #tpu.memory_space<semaphore_mem>>) {add = true}
        %mul3A_699 = arith.constant 4 : i32
        %mul3A_700 = arith.muli %mul3A_699, %mul3A_14 : i32
        %mul3A_701 = arith.constant 80 : i32
        %mul3A_702 = arith.muli %add3A_642, %mul3A_701 : i32
        %add3A_703 = arith.addi %mul3A_700, %mul3A_702 : i32
        %dma_start3A_704 = arith.constant 0 : i32
        %dma_start3A_705 = arith.constant 0 : i32
        %dma_start3A_706 = arith.constant 0 : i32
        %dma_start3A_707 = tpu.memref_slice %arg6[%dma_start3A_704, %dma_start3A_705, %dma_start3A_706] : memref<2x80x128xf32, #tpu.memory_space<vmem>> -> memref<1x80x128xf32, #tpu.memory_space<vmem>>
        %dma_start3A_708 = tpu.memref_squeeze %dma_start3A_707 : memref<1x80x128xf32, #tpu.memory_space<vmem>> -> memref<80x128xf32, #tpu.memory_space<vmem>>
        %dma_start3A_709 = tpu.memref_slice %arg5[%add3A_703] : memref<32000xi32, #tpu.memory_space<vmem>> -> memref<80xi32, #tpu.memory_space<vmem>>
        %dma_start3A_710 = arith.constant 0 : i32
        %dma_start3A_711 = arith.constant 0 : i32
        %dma_start3A_712 = tpu.memref_slice %arg2[%dma_start3A_710, %dma_start3A_711] : memref<100000x128xf32, #tpu.memory_space<hbm>> -> memref<100000x128xf32, #tpu.memory_space<hbm>>
        tpu.enqueue_indirect_dma source(%dma_start3A_712 : memref<100000x128xf32, #tpu.memory_space<hbm>>) target(%dma_start3A_708 : memref<80x128xf32, #tpu.memory_space<vmem>>) offsets(%dma_start3A_709 : memref<80xi32, #tpu.memory_space<vmem>>) semaphore(%arg7 : memref<!tpu.dma_semaphore, #tpu.memory_space<semaphore_mem>>) {add = true}
        %mul3A_713 = arith.constant 5 : i32
        %mul3A_714 = arith.muli %mul3A_713, %mul3A_14 : i32
        %mul3A_715 = arith.constant 80 : i32
        %mul3A_716 = arith.muli %add3A_642, %mul3A_715 : i32
        %add3A_717 = arith.addi %mul3A_714, %mul3A_716 : i32
        %dma_start3A_718 = arith.constant 0 : i32
        %dma_start3A_719 = arith.constant 0 : i32
        %dma_start3A_720 = arith.constant 0 : i32
        %dma_start3A_721 = tpu.memref_slice %arg6[%dma_start3A_718, %dma_start3A_719, %dma_start3A_720] : memref<2x80x128xf32, #tpu.memory_space<vmem>> -> memref<1x80x128xf32, #tpu.memory_space<vmem>>
        %dma_start3A_722 = tpu.memref_squeeze %dma_start3A_721 : memref<1x80x128xf32, #tpu.memory_space<vmem>> -> memref<80x128xf32, #tpu.memory_space<vmem>>
        %dma_start3A_723 = tpu.memref_slice %arg5[%add3A_717] : memref<32000xi32, #tpu.memory_space<vmem>> -> memref<80xi32, #tpu.memory_space<vmem>>
        %dma_start3A_724 = arith.constant 0 : i32
        %dma_start3A_725 = arith.constant 0 : i32
        %dma_start3A_726 = tpu.memref_slice %arg2[%dma_start3A_724, %dma_start3A_725] : memref<100000x128xf32, #tpu.memory_space<hbm>> -> memref<100000x128xf32, #tpu.memory_space<hbm>>
        tpu.enqueue_indirect_dma source(%dma_start3A_726 : memref<100000x128xf32, #tpu.memory_space<hbm>>) target(%dma_start3A_722 : memref<80x128xf32, #tpu.memory_space<vmem>>) offsets(%dma_start3A_723 : memref<80xi32, #tpu.memory_space<vmem>>) semaphore(%arg7 : memref<!tpu.dma_semaphore, #tpu.memory_space<semaphore_mem>>) {add = true}
        %mul3A_727 = arith.constant 6 : i32
        %mul3A_728 = arith.muli %mul3A_727, %mul3A_14 : i32
        %mul3A_729 = arith.constant 80 : i32
        %mul3A_730 = arith.muli %add3A_642, %mul3A_729 : i32
        %add3A_731 = arith.addi %mul3A_728, %mul3A_730 : i32
        %dma_start3A_732 = arith.constant 0 : i32
        %dma_start3A_733 = arith.constant 0 : i32
        %dma_start3A_734 = arith.constant 0 : i32
        %dma_start3A_735 = tpu.memref_slice %arg6[%dma_start3A_732, %dma_start3A_733, %dma_start3A_734] : memref<2x80x128xf32, #tpu.memory_space<vmem>> -> memref<1x80x128xf32, #tpu.memory_space<vmem>>
        %dma_start3A_736 = tpu.memref_squeeze %dma_start3A_735 : memref<1x80x128xf32, #tpu.memory_space<vmem>> -> memref<80x128xf32, #tpu.memory_space<vmem>>
        %dma_start3A_737 = tpu.memref_slice %arg5[%add3A_731] : memref<32000xi32, #tpu.memory_space<vmem>> -> memref<80xi32, #tpu.memory_space<vmem>>
        %dma_start3A_738 = arith.constant 0 : i32
        %dma_start3A_739 = arith.constant 0 : i32
        %dma_start3A_740 = tpu.memref_slice %arg2[%dma_start3A_738, %dma_start3A_739] : memref<100000x128xf32, #tpu.memory_space<hbm>> -> memref<100000x128xf32, #tpu.memory_space<hbm>>
        tpu.enqueue_indirect_dma source(%dma_start3A_740 : memref<100000x128xf32, #tpu.memory_space<hbm>>) target(%dma_start3A_736 : memref<80x128xf32, #tpu.memory_space<vmem>>) offsets(%dma_start3A_737 : memref<80xi32, #tpu.memory_space<vmem>>) semaphore(%arg7 : memref<!tpu.dma_semaphore, #tpu.memory_space<semaphore_mem>>) {add = true}
        %mul3A_741 = arith.constant 7 : i32
        %mul3A_742 = arith.muli %mul3A_741, %mul3A_14 : i32
        %mul3A_743 = arith.constant 80 : i32
        %mul3A_744 = arith.muli %add3A_642, %mul3A_743 : i32
        %add3A_745 = arith.addi %mul3A_742, %mul3A_744 : i32
        %dma_start3A_746 = arith.constant 0 : i32
        %dma_start3A_747 = arith.constant 0 : i32
        %dma_start3A_748 = arith.constant 0 : i32
        %dma_start3A_749 = tpu.memref_slice %arg6[%dma_start3A_746, %dma_start3A_747, %dma_start3A_748] : memref<2x80x128xf32, #tpu.memory_space<vmem>> -> memref<1x80x128xf32, #tpu.memory_space<vmem>>
        %dma_start3A_750 = tpu.memref_squeeze %dma_start3A_749 : memref<1x80x128xf32, #tpu.memory_space<vmem>> -> memref<80x128xf32, #tpu.memory_space<vmem>>
        %dma_start3A_751 = tpu.memref_slice %arg5[%add3A_745] : memref<32000xi32, #tpu.memory_space<vmem>> -> memref<80xi32, #tpu.memory_space<vmem>>
        %dma_start3A_752 = arith.constant 0 : i32
        %dma_start3A_753 = arith.constant 0 : i32
        %dma_start3A_754 = tpu.memref_slice %arg2[%dma_start3A_752, %dma_start3A_753] : memref<100000x128xf32, #tpu.memory_space<hbm>> -> memref<100000x128xf32, #tpu.memory_space<hbm>>
        tpu.enqueue_indirect_dma source(%dma_start3A_754 : memref<100000x128xf32, #tpu.memory_space<hbm>>) target(%dma_start3A_750 : memref<80x128xf32, #tpu.memory_space<vmem>>) offsets(%dma_start3A_751 : memref<80xi32, #tpu.memory_space<vmem>>) semaphore(%arg7 : memref<!tpu.dma_semaphore, #tpu.memory_space<semaphore_mem>>) {add = true}
        %mul3A_755 = arith.constant 8 : i32
        %mul3A_756 = arith.muli %mul3A_755, %mul3A_14 : i32
        %mul3A_757 = arith.constant 80 : i32
        %mul3A_758 = arith.muli %add3A_642, %mul3A_757 : i32
        %add3A_759 = arith.addi %mul3A_756, %mul3A_758 : i32
        %dma_start3A_760 = arith.constant 0 : i32
        %dma_start3A_761 = arith.constant 0 : i32
        %dma_start3A_762 = arith.constant 0 : i32
        %dma_start3A_763 = tpu.memref_slice %arg6[%dma_start3A_760, %dma_start3A_761, %dma_start3A_762] : memref<2x80x128xf32, #tpu.memory_space<vmem>> -> memref<1x80x128xf32, #tpu.memory_space<vmem>>
        %dma_start3A_764 = tpu.memref_squeeze %dma_start3A_763 : memref<1x80x128xf32, #tpu.memory_space<vmem>> -> memref<80x128xf32, #tpu.memory_space<vmem>>
        %dma_start3A_765 = tpu.memref_slice %arg5[%add3A_759] : memref<32000xi32, #tpu.memory_space<vmem>> -> memref<80xi32, #tpu.memory_space<vmem>>
        %dma_start3A_766 = arith.constant 0 : i32
        %dma_start3A_767 = arith.constant 0 : i32
        %dma_start3A_768 = tpu.memref_slice %arg2[%dma_start3A_766, %dma_start3A_767] : memref<100000x128xf32, #tpu.memory_space<hbm>> -> memref<100000x128xf32, #tpu.memory_space<hbm>>
        tpu.enqueue_indirect_dma source(%dma_start3A_768 : memref<100000x128xf32, #tpu.memory_space<hbm>>) target(%dma_start3A_764 : memref<80x128xf32, #tpu.memory_space<vmem>>) offsets(%dma_start3A_765 : memref<80xi32, #tpu.memory_space<vmem>>) semaphore(%arg7 : memref<!tpu.dma_semaphore, #tpu.memory_space<semaphore_mem>>) {add = true}
        %mul3A_769 = arith.constant 9 : i32
        %mul3A_770 = arith.muli %mul3A_769, %mul3A_14 : i32
        %mul3A_771 = arith.constant 80 : i32
        %mul3A_772 = arith.muli %add3A_642, %mul3A_771 : i32
        %add3A_773 = arith.addi %mul3A_770, %mul3A_772 : i32
        %dma_start3A_774 = arith.constant 0 : i32
        %dma_start3A_775 = arith.constant 0 : i32
        %dma_start3A_776 = arith.constant 0 : i32
        %dma_start3A_777 = tpu.memref_slice %arg6[%dma_start3A_774, %dma_start3A_775, %dma_start3A_776] : memref<2x80x128xf32, #tpu.memory_space<vmem>> -> memref<1x80x128xf32, #tpu.memory_space<vmem>>
        %dma_start3A_778 = tpu.memref_squeeze %dma_start3A_777 : memref<1x80x128xf32, #tpu.memory_space<vmem>> -> memref<80x128xf32, #tpu.memory_space<vmem>>
        %dma_start3A_779 = tpu.memref_slice %arg5[%add3A_773] : memref<32000xi32, #tpu.memory_space<vmem>> -> memref<80xi32, #tpu.memory_space<vmem>>
        %dma_start3A_780 = arith.constant 0 : i32
        %dma_start3A_781 = arith.constant 0 : i32
        %dma_start3A_782 = tpu.memref_slice %arg2[%dma_start3A_780, %dma_start3A_781] : memref<100000x128xf32, #tpu.memory_space<hbm>> -> memref<100000x128xf32, #tpu.memory_space<hbm>>
        tpu.enqueue_indirect_dma source(%dma_start3A_782 : memref<100000x128xf32, #tpu.memory_space<hbm>>) target(%dma_start3A_778 : memref<80x128xf32, #tpu.memory_space<vmem>>) offsets(%dma_start3A_779 : memref<80xi32, #tpu.memory_space<vmem>>) semaphore(%arg7 : memref<!tpu.dma_semaphore, #tpu.memory_space<semaphore_mem>>) {add = true}
      } else {
      }
      %dma_wait3A_473 = arith.constant 1 : i32
      %dma_wait3A_474 = arith.constant 0 : i32
      %dma_wait3A_475 = arith.constant 0 : i32
      %dma_wait3A_476 = tpu.memref_slice %arg6[%dma_wait3A_473, %dma_wait3A_474, %dma_wait3A_475] : memref<2x80x128xf32, #tpu.memory_space<vmem>> -> memref<1x80x128xf32, #tpu.memory_space<vmem>>
      %dma_wait3A_477 = tpu.memref_squeeze %dma_wait3A_476 : memref<1x80x128xf32, #tpu.memory_space<vmem>> -> memref<80x128xf32, #tpu.memory_space<vmem>>
      %dma_wait3A_478 = arith.constant 0 : i32
      %dma_wait3A_479 = arith.constant 0 : i32
      %dma_wait3A_480 = tpu.memref_slice %arg2[%dma_wait3A_478, %dma_wait3A_479] : memref<100000x128xf32, #tpu.memory_space<hbm>> -> memref<80x128xf32, #tpu.memory_space<hbm>>
      %dma_wait3A_481 = arith.constant 0 : i32
      %dma_wait3A_482 = arith.constant 0 : i32
      %dma_wait3A_483 = tpu.memref_slice %arg6[%dma_wait3A_473, %dma_wait3A_481, %dma_wait3A_482] : memref<2x80x128xf32, #tpu.memory_space<vmem>> -> memref<1x80x128xf32, #tpu.memory_space<vmem>>
      %dma_wait3A_484 = tpu.memref_squeeze %dma_wait3A_483 : memref<1x80x128xf32, #tpu.memory_space<vmem>> -> memref<80x128xf32, #tpu.memory_space<vmem>>
      %dma_wait3A_485 = arith.constant 0 : i32
      %dma_wait3A_486 = arith.constant 0 : i32
      %dma_wait3A_487 = tpu.memref_slice %arg2[%dma_wait3A_485, %dma_wait3A_486] : memref<100000x128xf32, #tpu.memory_space<hbm>> -> memref<80x128xf32, #tpu.memory_space<hbm>>
      tpu.wait_dma2 semaphore(%arg8 : memref<!tpu.dma_semaphore, #tpu.memory_space<semaphore_mem>>) src(%dma_wait3A_487 : memref<80x128xf32, #tpu.memory_space<hbm>>) dst(%dma_wait3A_484 : memref<80x128xf32, #tpu.memory_space<vmem>>)
      %dma_wait3A_488 = arith.constant 1 : i32
      %dma_wait3A_489 = arith.constant 0 : i32
      %dma_wait3A_490 = arith.constant 0 : i32
      %dma_wait3A_491 = tpu.memref_slice %arg6[%dma_wait3A_488, %dma_wait3A_489, %dma_wait3A_490] : memref<2x80x128xf32, #tpu.memory_space<vmem>> -> memref<1x80x128xf32, #tpu.memory_space<vmem>>
      %dma_wait3A_492 = tpu.memref_squeeze %dma_wait3A_491 : memref<1x80x128xf32, #tpu.memory_space<vmem>> -> memref<80x128xf32, #tpu.memory_space<vmem>>
      %dma_wait3A_493 = arith.constant 0 : i32
      %dma_wait3A_494 = arith.constant 0 : i32
      %dma_wait3A_495 = tpu.memref_slice %arg2[%dma_wait3A_493, %dma_wait3A_494] : memref<100000x128xf32, #tpu.memory_space<hbm>> -> memref<80x128xf32, #tpu.memory_space<hbm>>
      %dma_wait3A_496 = arith.constant 0 : i32
      %dma_wait3A_497 = arith.constant 0 : i32
      %dma_wait3A_498 = tpu.memref_slice %arg6[%dma_wait3A_488, %dma_wait3A_496, %dma_wait3A_497] : memref<2x80x128xf32, #tpu.memory_space<vmem>> -> memref<1x80x128xf32, #tpu.memory_space<vmem>>
      %dma_wait3A_499 = tpu.memref_squeeze %dma_wait3A_498 : memref<1x80x128xf32, #tpu.memory_space<vmem>> -> memref<80x128xf32, #tpu.memory_space<vmem>>
      %dma_wait3A_500 = arith.constant 0 : i32
      %dma_wait3A_501 = arith.constant 0 : i32
      %dma_wait3A_502 = tpu.memref_slice %arg2[%dma_wait3A_500, %dma_wait3A_501] : memref<100000x128xf32, #tpu.memory_space<hbm>> -> memref<80x128xf32, #tpu.memory_space<hbm>>
      tpu.wait_dma2 semaphore(%arg8 : memref<!tpu.dma_semaphore, #tpu.memory_space<semaphore_mem>>) src(%dma_wait3A_502 : memref<80x128xf32, #tpu.memory_space<hbm>>) dst(%dma_wait3A_499 : memref<80x128xf32, #tpu.memory_space<vmem>>)
      %dma_wait3A_503 = arith.constant 1 : i32
      %dma_wait3A_504 = arith.constant 0 : i32
      %dma_wait3A_505 = arith.constant 0 : i32
      %dma_wait3A_506 = tpu.memref_slice %arg6[%dma_wait3A_503, %dma_wait3A_504, %dma_wait3A_505] : memref<2x80x128xf32, #tpu.memory_space<vmem>> -> memref<1x80x128xf32, #tpu.memory_space<vmem>>
      %dma_wait3A_507 = tpu.memref_squeeze %dma_wait3A_506 : memref<1x80x128xf32, #tpu.memory_space<vmem>> -> memref<80x128xf32, #tpu.memory_space<vmem>>
      %dma_wait3A_508 = arith.constant 0 : i32
      %dma_wait3A_509 = arith.constant 0 : i32
      %dma_wait3A_510 = tpu.memref_slice %arg2[%dma_wait3A_508, %dma_wait3A_509] : memref<100000x128xf32, #tpu.memory_space<hbm>> -> memref<80x128xf32, #tpu.memory_space<hbm>>
      %dma_wait3A_511 = arith.constant 0 : i32
      %dma_wait3A_512 = arith.constant 0 : i32
      %dma_wait3A_513 = tpu.memref_slice %arg6[%dma_wait3A_503, %dma_wait3A_511, %dma_wait3A_512] : memref<2x80x128xf32, #tpu.memory_space<vmem>> -> memref<1x80x128xf32, #tpu.memory_space<vmem>>
      %dma_wait3A_514 = tpu.memref_squeeze %dma_wait3A_513 : memref<1x80x128xf32, #tpu.memory_space<vmem>> -> memref<80x128xf32, #tpu.memory_space<vmem>>
      %dma_wait3A_515 = arith.constant 0 : i32
      %dma_wait3A_516 = arith.constant 0 : i32
      %dma_wait3A_517 = tpu.memref_slice %arg2[%dma_wait3A_515, %dma_wait3A_516] : memref<100000x128xf32, #tpu.memory_space<hbm>> -> memref<80x128xf32, #tpu.memory_space<hbm>>
      tpu.wait_dma2 semaphore(%arg8 : memref<!tpu.dma_semaphore, #tpu.memory_space<semaphore_mem>>) src(%dma_wait3A_517 : memref<80x128xf32, #tpu.memory_space<hbm>>) dst(%dma_wait3A_514 : memref<80x128xf32, #tpu.memory_space<vmem>>)
      %dma_wait3A_518 = arith.constant 1 : i32
      %dma_wait3A_519 = arith.constant 0 : i32
      %dma_wait3A_520 = arith.constant 0 : i32
      %dma_wait3A_521 = tpu.memref_slice %arg6[%dma_wait3A_518, %dma_wait3A_519, %dma_wait3A_520] : memref<2x80x128xf32, #tpu.memory_space<vmem>> -> memref<1x80x128xf32, #tpu.memory_space<vmem>>
      %dma_wait3A_522 = tpu.memref_squeeze %dma_wait3A_521 : memref<1x80x128xf32, #tpu.memory_space<vmem>> -> memref<80x128xf32, #tpu.memory_space<vmem>>
      %dma_wait3A_523 = arith.constant 0 : i32
      %dma_wait3A_524 = arith.constant 0 : i32
      %dma_wait3A_525 = tpu.memref_slice %arg2[%dma_wait3A_523, %dma_wait3A_524] : memref<100000x128xf32, #tpu.memory_space<hbm>> -> memref<80x128xf32, #tpu.memory_space<hbm>>
      %dma_wait3A_526 = arith.constant 0 : i32
      %dma_wait3A_527 = arith.constant 0 : i32
      %dma_wait3A_528 = tpu.memref_slice %arg6[%dma_wait3A_518, %dma_wait3A_526, %dma_wait3A_527] : memref<2x80x128xf32, #tpu.memory_space<vmem>> -> memref<1x80x128xf32, #tpu.memory_space<vmem>>
      %dma_wait3A_529 = tpu.memref_squeeze %dma_wait3A_528 : memref<1x80x128xf32, #tpu.memory_space<vmem>> -> memref<80x128xf32, #tpu.memory_space<vmem>>
      %dma_wait3A_530 = arith.constant 0 : i32
      %dma_wait3A_531 = arith.constant 0 : i32
      %dma_wait3A_532 = tpu.memref_slice %arg2[%dma_wait3A_530, %dma_wait3A_531] : memref<100000x128xf32, #tpu.memory_space<hbm>> -> memref<80x128xf32, #tpu.memory_space<hbm>>
      tpu.wait_dma2 semaphore(%arg8 : memref<!tpu.dma_semaphore, #tpu.memory_space<semaphore_mem>>) src(%dma_wait3A_532 : memref<80x128xf32, #tpu.memory_space<hbm>>) dst(%dma_wait3A_529 : memref<80x128xf32, #tpu.memory_space<vmem>>)
      %dma_wait3A_533 = arith.constant 1 : i32
      %dma_wait3A_534 = arith.constant 0 : i32
      %dma_wait3A_535 = arith.constant 0 : i32
      %dma_wait3A_536 = tpu.memref_slice %arg6[%dma_wait3A_533, %dma_wait3A_534, %dma_wait3A_535] : memref<2x80x128xf32, #tpu.memory_space<vmem>> -> memref<1x80x128xf32, #tpu.memory_space<vmem>>
      %dma_wait3A_537 = tpu.memref_squeeze %dma_wait3A_536 : memref<1x80x128xf32, #tpu.memory_space<vmem>> -> memref<80x128xf32, #tpu.memory_space<vmem>>
      %dma_wait3A_538 = arith.constant 0 : i32
      %dma_wait3A_539 = arith.constant 0 : i32
      %dma_wait3A_540 = tpu.memref_slice %arg2[%dma_wait3A_538, %dma_wait3A_539] : memref<100000x128xf32, #tpu.memory_space<hbm>> -> memref<80x128xf32, #tpu.memory_space<hbm>>
      %dma_wait3A_541 = arith.constant 0 : i32
      %dma_wait3A_542 = arith.constant 0 : i32
      %dma_wait3A_543 = tpu.memref_slice %arg6[%dma_wait3A_533, %dma_wait3A_541, %dma_wait3A_542] : memref<2x80x128xf32, #tpu.memory_space<vmem>> -> memref<1x80x128xf32, #tpu.memory_space<vmem>>
      %dma_wait3A_544 = tpu.memref_squeeze %dma_wait3A_543 : memref<1x80x128xf32, #tpu.memory_space<vmem>> -> memref<80x128xf32, #tpu.memory_space<vmem>>
      %dma_wait3A_545 = arith.constant 0 : i32
      %dma_wait3A_546 = arith.constant 0 : i32
      %dma_wait3A_547 = tpu.memref_slice %arg2[%dma_wait3A_545, %dma_wait3A_546] : memref<100000x128xf32, #tpu.memory_space<hbm>> -> memref<80x128xf32, #tpu.memory_space<hbm>>
      tpu.wait_dma2 semaphore(%arg8 : memref<!tpu.dma_semaphore, #tpu.memory_space<semaphore_mem>>) src(%dma_wait3A_547 : memref<80x128xf32, #tpu.memory_space<hbm>>) dst(%dma_wait3A_544 : memref<80x128xf32, #tpu.memory_space<vmem>>)
      %dma_wait3A_548 = arith.constant 1 : i32
      %dma_wait3A_549 = arith.constant 0 : i32
      %dma_wait3A_550 = arith.constant 0 : i32
      %dma_wait3A_551 = tpu.memref_slice %arg6[%dma_wait3A_548, %dma_wait3A_549, %dma_wait3A_550] : memref<2x80x128xf32, #tpu.memory_space<vmem>> -> memref<1x80x128xf32, #tpu.memory_space<vmem>>
      %dma_wait3A_552 = tpu.memref_squeeze %dma_wait3A_551 : memref<1x80x128xf32, #tpu.memory_space<vmem>> -> memref<80x128xf32, #tpu.memory_space<vmem>>
      %dma_wait3A_553 = arith.constant 0 : i32
      %dma_wait3A_554 = arith.constant 0 : i32
      %dma_wait3A_555 = tpu.memref_slice %arg2[%dma_wait3A_553, %dma_wait3A_554] : memref<100000x128xf32, #tpu.memory_space<hbm>> -> memref<80x128xf32, #tpu.memory_space<hbm>>
      %dma_wait3A_556 = arith.constant 0 : i32
      %dma_wait3A_557 = arith.constant 0 : i32
      %dma_wait3A_558 = tpu.memref_slice %arg6[%dma_wait3A_548, %dma_wait3A_556, %dma_wait3A_557] : memref<2x80x128xf32, #tpu.memory_space<vmem>> -> memref<1x80x128xf32, #tpu.memory_space<vmem>>
      %dma_wait3A_559 = tpu.memref_squeeze %dma_wait3A_558 : memref<1x80x128xf32, #tpu.memory_space<vmem>> -> memref<80x128xf32, #tpu.memory_space<vmem>>
      %dma_wait3A_560 = arith.constant 0 : i32
      %dma_wait3A_561 = arith.constant 0 : i32
      %dma_wait3A_562 = tpu.memref_slice %arg2[%dma_wait3A_560, %dma_wait3A_561] : memref<100000x128xf32, #tpu.memory_space<hbm>> -> memref<80x128xf32, #tpu.memory_space<hbm>>
      tpu.wait_dma2 semaphore(%arg8 : memref<!tpu.dma_semaphore, #tpu.memory_space<semaphore_mem>>) src(%dma_wait3A_562 : memref<80x128xf32, #tpu.memory_space<hbm>>) dst(%dma_wait3A_559 : memref<80x128xf32, #tpu.memory_space<vmem>>)
      %dma_wait3A_563 = arith.constant 1 : i32
      %dma_wait3A_564 = arith.constant 0 : i32
      %dma_wait3A_565 = arith.constant 0 : i32
      %dma_wait3A_566 = tpu.memref_slice %arg6[%dma_wait3A_563, %dma_wait3A_564, %dma_wait3A_565] : memref<2x80x128xf32, #tpu.memory_space<vmem>> -> memref<1x80x128xf32, #tpu.memory_space<vmem>>
      %dma_wait3A_567 = tpu.memref_squeeze %dma_wait3A_566 : memref<1x80x128xf32, #tpu.memory_space<vmem>> -> memref<80x128xf32, #tpu.memory_space<vmem>>
      %dma_wait3A_568 = arith.constant 0 : i32
      %dma_wait3A_569 = arith.constant 0 : i32
      %dma_wait3A_570 = tpu.memref_slice %arg2[%dma_wait3A_568, %dma_wait3A_569] : memref<100000x128xf32, #tpu.memory_space<hbm>> -> memref<80x128xf32, #tpu.memory_space<hbm>>
      %dma_wait3A_571 = arith.constant 0 : i32
      %dma_wait3A_572 = arith.constant 0 : i32
      %dma_wait3A_573 = tpu.memref_slice %arg6[%dma_wait3A_563, %dma_wait3A_571, %dma_wait3A_572] : memref<2x80x128xf32, #tpu.memory_space<vmem>> -> memref<1x80x128xf32, #tpu.memory_space<vmem>>
      %dma_wait3A_574 = tpu.memref_squeeze %dma_wait3A_573 : memref<1x80x128xf32, #tpu.memory_space<vmem>> -> memref<80x128xf32, #tpu.memory_space<vmem>>
      %dma_wait3A_575 = arith.constant 0 : i32
      %dma_wait3A_576 = arith.constant 0 : i32
      %dma_wait3A_577 = tpu.memref_slice %arg2[%dma_wait3A_575, %dma_wait3A_576] : memref<100000x128xf32, #tpu.memory_space<hbm>> -> memref<80x128xf32, #tpu.memory_space<hbm>>
      tpu.wait_dma2 semaphore(%arg8 : memref<!tpu.dma_semaphore, #tpu.memory_space<semaphore_mem>>) src(%dma_wait3A_577 : memref<80x128xf32, #tpu.memory_space<hbm>>) dst(%dma_wait3A_574 : memref<80x128xf32, #tpu.memory_space<vmem>>)
      %dma_wait3A_578 = arith.constant 1 : i32
      %dma_wait3A_579 = arith.constant 0 : i32
      %dma_wait3A_580 = arith.constant 0 : i32
      %dma_wait3A_581 = tpu.memref_slice %arg6[%dma_wait3A_578, %dma_wait3A_579, %dma_wait3A_580] : memref<2x80x128xf32, #tpu.memory_space<vmem>> -> memref<1x80x128xf32, #tpu.memory_space<vmem>>
      %dma_wait3A_582 = tpu.memref_squeeze %dma_wait3A_581 : memref<1x80x128xf32, #tpu.memory_space<vmem>> -> memref<80x128xf32, #tpu.memory_space<vmem>>
      %dma_wait3A_583 = arith.constant 0 : i32
      %dma_wait3A_584 = arith.constant 0 : i32
      %dma_wait3A_585 = tpu.memref_slice %arg2[%dma_wait3A_583, %dma_wait3A_584] : memref<100000x128xf32, #tpu.memory_space<hbm>> -> memref<80x128xf32, #tpu.memory_space<hbm>>
      %dma_wait3A_586 = arith.constant 0 : i32
      %dma_wait3A_587 = arith.constant 0 : i32
      %dma_wait3A_588 = tpu.memref_slice %arg6[%dma_wait3A_578, %dma_wait3A_586, %dma_wait3A_587] : memref<2x80x128xf32, #tpu.memory_space<vmem>> -> memref<1x80x128xf32, #tpu.memory_space<vmem>>
      %dma_wait3A_589 = tpu.memref_squeeze %dma_wait3A_588 : memref<1x80x128xf32, #tpu.memory_space<vmem>> -> memref<80x128xf32, #tpu.memory_space<vmem>>
      %dma_wait3A_590 = arith.constant 0 : i32
      %dma_wait3A_591 = arith.constant 0 : i32
      %dma_wait3A_592 = tpu.memref_slice %arg2[%dma_wait3A_590, %dma_wait3A_591] : memref<100000x128xf32, #tpu.memory_space<hbm>> -> memref<80x128xf32, #tpu.memory_space<hbm>>
      tpu.wait_dma2 semaphore(%arg8 : memref<!tpu.dma_semaphore, #tpu.memory_space<semaphore_mem>>) src(%dma_wait3A_592 : memref<80x128xf32, #tpu.memory_space<hbm>>) dst(%dma_wait3A_589 : memref<80x128xf32, #tpu.memory_space<vmem>>)
      %dma_wait3A_593 = arith.constant 1 : i32
      %dma_wait3A_594 = arith.constant 0 : i32
      %dma_wait3A_595 = arith.constant 0 : i32
      %dma_wait3A_596 = tpu.memref_slice %arg6[%dma_wait3A_593, %dma_wait3A_594, %dma_wait3A_595] : memref<2x80x128xf32, #tpu.memory_space<vmem>> -> memref<1x80x128xf32, #tpu.memory_space<vmem>>
      %dma_wait3A_597 = tpu.memref_squeeze %dma_wait3A_596 : memref<1x80x128xf32, #tpu.memory_space<vmem>> -> memref<80x128xf32, #tpu.memory_space<vmem>>
      %dma_wait3A_598 = arith.constant 0 : i32
      %dma_wait3A_599 = arith.constant 0 : i32
      %dma_wait3A_600 = tpu.memref_slice %arg2[%dma_wait3A_598, %dma_wait3A_599] : memref<100000x128xf32, #tpu.memory_space<hbm>> -> memref<80x128xf32, #tpu.memory_space<hbm>>
      %dma_wait3A_601 = arith.constant 0 : i32
      %dma_wait3A_602 = arith.constant 0 : i32
      %dma_wait3A_603 = tpu.memref_slice %arg6[%dma_wait3A_593, %dma_wait3A_601, %dma_wait3A_602] : memref<2x80x128xf32, #tpu.memory_space<vmem>> -> memref<1x80x128xf32, #tpu.memory_space<vmem>>
      %dma_wait3A_604 = tpu.memref_squeeze %dma_wait3A_603 : memref<1x80x128xf32, #tpu.memory_space<vmem>> -> memref<80x128xf32, #tpu.memory_space<vmem>>
      %dma_wait3A_605 = arith.constant 0 : i32
      %dma_wait3A_606 = arith.constant 0 : i32
      %dma_wait3A_607 = tpu.memref_slice %arg2[%dma_wait3A_605, %dma_wait3A_606] : memref<100000x128xf32, #tpu.memory_space<hbm>> -> memref<80x128xf32, #tpu.memory_space<hbm>>
      tpu.wait_dma2 semaphore(%arg8 : memref<!tpu.dma_semaphore, #tpu.memory_space<semaphore_mem>>) src(%dma_wait3A_607 : memref<80x128xf32, #tpu.memory_space<hbm>>) dst(%dma_wait3A_604 : memref<80x128xf32, #tpu.memory_space<vmem>>)
      %dma_wait3A_608 = arith.constant 1 : i32
      %dma_wait3A_609 = arith.constant 0 : i32
      %dma_wait3A_610 = arith.constant 0 : i32
      %dma_wait3A_611 = tpu.memref_slice %arg6[%dma_wait3A_608, %dma_wait3A_609, %dma_wait3A_610] : memref<2x80x128xf32, #tpu.memory_space<vmem>> -> memref<1x80x128xf32, #tpu.memory_space<vmem>>
      %dma_wait3A_612 = tpu.memref_squeeze %dma_wait3A_611 : memref<1x80x128xf32, #tpu.memory_space<vmem>> -> memref<80x128xf32, #tpu.memory_space<vmem>>
      %dma_wait3A_613 = arith.constant 0 : i32
      %dma_wait3A_614 = arith.constant 0 : i32
      %dma_wait3A_615 = tpu.memref_slice %arg2[%dma_wait3A_613, %dma_wait3A_614] : memref<100000x128xf32, #tpu.memory_space<hbm>> -> memref<80x128xf32, #tpu.memory_space<hbm>>
      %dma_wait3A_616 = arith.constant 0 : i32
      %dma_wait3A_617 = arith.constant 0 : i32
      %dma_wait3A_618 = tpu.memref_slice %arg6[%dma_wait3A_608, %dma_wait3A_616, %dma_wait3A_617] : memref<2x80x128xf32, #tpu.memory_space<vmem>> -> memref<1x80x128xf32, #tpu.memory_space<vmem>>
      %dma_wait3A_619 = tpu.memref_squeeze %dma_wait3A_618 : memref<1x80x128xf32, #tpu.memory_space<vmem>> -> memref<80x128xf32, #tpu.memory_space<vmem>>
      %dma_wait3A_620 = arith.constant 0 : i32
      %dma_wait3A_621 = arith.constant 0 : i32
      %dma_wait3A_622 = tpu.memref_slice %arg2[%dma_wait3A_620, %dma_wait3A_621] : memref<100000x128xf32, #tpu.memory_space<hbm>> -> memref<80x128xf32, #tpu.memory_space<hbm>>
      tpu.wait_dma2 semaphore(%arg8 : memref<!tpu.dma_semaphore, #tpu.memory_space<semaphore_mem>>) src(%dma_wait3A_622 : memref<80x128xf32, #tpu.memory_space<hbm>>) dst(%dma_wait3A_619 : memref<80x128xf32, #tpu.memory_space<vmem>>)
      %add3A_623 = arith.constant 1 : i32
      %add3A_624 = arith.addi %mul3A_162, %add3A_623 : i32
      %scan3A_625 = arith.constant 0 : i32
      %scan3A_626 = arith.constant 0 : i32
      %scan3A_627 = arith.constant 80 : i32
      %scan3A_628 = arith.addi %scan3A_626, %scan3A_627 : i32
      %scan3A_629 = arith.constant 1 : i32
      scf.for %scan3A_635 = %scan3A_626 to %scan3A_628 step %scan3A_629  : i32 {
        %get3A = arith.constant 1 : i32
        %get3A_636 = arith.index_cast %get3A : i32 to index
        %get3A_637 = arith.index_cast %scan3A_635 : i32 to index
        %get3A_638 = arith.constant 0 : index
        %get3A_639 = tpu.vector_load %arg6[%get3A_636, %get3A_637, %get3A_638] {strides = array<i32>} : memref<2x80x128xf32, #tpu.memory_space<vmem>>, vector<1x1x16xf32>,
        %get3A_640 = vector.shape_cast %get3A_639 : vector<1x1x16xf32> to vector<16xf32>
        %mul3A_641 = arith.constant 1.000000e-01 : f32
        %mul3A_642 = vector.broadcast %mul3A_641 : f32 to vector<16xf32>
        %mul3A_643 = arith.mulf %get3A_640, %mul3A_642 : vector<16xf32>
        %swap3A = arith.constant 1 : i32
        %swap3A_644 = arith.index_cast %swap3A : i32 to index
        %swap3A_645 = arith.index_cast %scan3A_635 : i32 to index
        %swap3A_646 = arith.constant 0 : index
        %swap3A_647 = tpu.vector_load %arg6[%swap3A_644, %swap3A_645, %swap3A_646] {strides = array<i32>} : memref<2x80x128xf32, #tpu.memory_space<vmem>>, vector<1x1x16xf32>,
        %swap3A_648 = vector.shape_cast %swap3A_647 : vector<1x1x16xf32> to vector<16xf32>
        %swap3A_649 = vector.shape_cast %mul3A_643 : vector<16xf32> to vector<1x1x16xf32>
        tpu.vector_store %arg6[%swap3A_644, %swap3A_645, %swap3A_646], %swap3A_649 {strides = array<i32>} : memref<2x80x128xf32, #tpu.memory_space<vmem>>, vector<1x1x16xf32>,
        %get3A_650 = arith.constant 1 : i32
        %get3A_651 = arith.index_cast %get3A_650 : i32 to index
        %get3A_652 = arith.index_cast %scan3A_635 : i32 to index
        %get3A_653 = arith.constant 16 : index
        %get3A_654 = tpu.vector_load %arg6[%get3A_651, %get3A_652, %get3A_653] {strides = array<i32>} : memref<2x80x128xf32, #tpu.memory_space<vmem>>, vector<1x1x16xf32>,
        %get3A_655 = vector.shape_cast %get3A_654 : vector<1x1x16xf32> to vector<16xf32>
        %mul3A_656 = arith.constant 1.000000e-01 : f32
        %mul3A_657 = vector.broadcast %mul3A_656 : f32 to vector<16xf32>
        %mul3A_658 = arith.mulf %get3A_655, %mul3A_657 : vector<16xf32>
        %swap3A_659 = arith.constant 1 : i32
        %swap3A_660 = arith.index_cast %swap3A_659 : i32 to index
        %swap3A_661 = arith.index_cast %scan3A_635 : i32 to index
        %swap3A_662 = arith.constant 16 : index
        %swap3A_663 = tpu.vector_load %arg6[%swap3A_660, %swap3A_661, %swap3A_662] {strides = array<i32>} : memref<2x80x128xf32, #tpu.memory_space<vmem>>, vector<1x1x16xf32>,
        %swap3A_664 = vector.shape_cast %swap3A_663 : vector<1x1x16xf32> to vector<16xf32>
        %swap3A_665 = vector.shape_cast %mul3A_658 : vector<16xf32> to vector<1x1x16xf32>
        tpu.vector_store %arg6[%swap3A_660, %swap3A_661, %swap3A_662], %swap3A_665 {strides = array<i32>} : memref<2x80x128xf32, #tpu.memory_space<vmem>>, vector<1x1x16xf32>,
        %get3A_666 = arith.constant 1 : i32
        %get3A_667 = arith.index_cast %get3A_666 : i32 to index
        %get3A_668 = arith.index_cast %scan3A_635 : i32 to index
        %get3A_669 = arith.constant 32 : index
        %get3A_670 = tpu.vector_load %arg6[%get3A_667, %get3A_668, %get3A_669] {strides = array<i32>} : memref<2x80x128xf32, #tpu.memory_space<vmem>>, vector<1x1x16xf32>,
        %get3A_671 = vector.shape_cast %get3A_670 : vector<1x1x16xf32> to vector<16xf32>
        %mul3A_672 = arith.constant 1.000000e-01 : f32
        %mul3A_673 = vector.broadcast %mul3A_672 : f32 to vector<16xf32>
        %mul3A_674 = arith.mulf %get3A_671, %mul3A_673 : vector<16xf32>
        %swap3A_675 = arith.constant 1 : i32
        %swap3A_676 = arith.index_cast %swap3A_675 : i32 to index
        %swap3A_677 = arith.index_cast %scan3A_635 : i32 to index
        %swap3A_678 = arith.constant 32 : index
        %swap3A_679 = tpu.vector_load %arg6[%swap3A_676, %swap3A_677, %swap3A_678] {strides = array<i32>} : memref<2x80x128xf32, #tpu.memory_space<vmem>>, vector<1x1x16xf32>,
        %swap3A_680 = vector.shape_cast %swap3A_679 : vector<1x1x16xf32> to vector<16xf32>
        %swap3A_681 = vector.shape_cast %mul3A_674 : vector<16xf32> to vector<1x1x16xf32>
        tpu.vector_store %arg6[%swap3A_676, %swap3A_677, %swap3A_678], %swap3A_681 {strides = array<i32>} : memref<2x80x128xf32, #tpu.memory_space<vmem>>, vector<1x1x16xf32>,
        %get3A_682 = arith.constant 1 : i32
        %get3A_683 = arith.index_cast %get3A_682 : i32 to index
        %get3A_684 = arith.index_cast %scan3A_635 : i32 to index
        %get3A_685 = arith.constant 48 : index
        %get3A_686 = tpu.vector_load %arg6[%get3A_683, %get3A_684, %get3A_685] {strides = array<i32>} : memref<2x80x128xf32, #tpu.memory_space<vmem>>, vector<1x1x16xf32>,
        %get3A_687 = vector.shape_cast %get3A_686 : vector<1x1x16xf32> to vector<16xf32>
        %mul3A_688 = arith.constant 1.000000e-01 : f32
        %mul3A_689 = vector.broadcast %mul3A_688 : f32 to vector<16xf32>
        %mul3A_690 = arith.mulf %get3A_687, %mul3A_689 : vector<16xf32>
        %swap3A_691 = arith.constant 1 : i32
        %swap3A_692 = arith.index_cast %swap3A_691 : i32 to index
        %swap3A_693 = arith.index_cast %scan3A_635 : i32 to index
        %swap3A_694 = arith.constant 48 : index
        %swap3A_695 = tpu.vector_load %arg6[%swap3A_692, %swap3A_693, %swap3A_694] {strides = array<i32>} : memref<2x80x128xf32, #tpu.memory_space<vmem>>, vector<1x1x16xf32>,
        %swap3A_696 = vector.shape_cast %swap3A_695 : vector<1x1x16xf32> to vector<16xf32>
        %swap3A_697 = vector.shape_cast %mul3A_690 : vector<16xf32> to vector<1x1x16xf32>
        tpu.vector_store %arg6[%swap3A_692, %swap3A_693, %swap3A_694], %swap3A_697 {strides = array<i32>} : memref<2x80x128xf32, #tpu.memory_space<vmem>>, vector<1x1x16xf32>,
        %get3A_698 = arith.constant 1 : i32
        %get3A_699 = arith.index_cast %get3A_698 : i32 to index
        %get3A_700 = arith.index_cast %scan3A_635 : i32 to index
        %get3A_701 = arith.constant 64 : index
        %get3A_702 = tpu.vector_load %arg6[%get3A_699, %get3A_700, %get3A_701] {strides = array<i32>} : memref<2x80x128xf32, #tpu.memory_space<vmem>>, vector<1x1x16xf32>,
        %get3A_703 = vector.shape_cast %get3A_702 : vector<1x1x16xf32> to vector<16xf32>
        %mul3A_704 = arith.constant 1.000000e-01 : f32
        %mul3A_705 = vector.broadcast %mul3A_704 : f32 to vector<16xf32>
        %mul3A_706 = arith.mulf %get3A_703, %mul3A_705 : vector<16xf32>
        %swap3A_707 = arith.constant 1 : i32
        %swap3A_708 = arith.index_cast %swap3A_707 : i32 to index
        %swap3A_709 = arith.index_cast %scan3A_635 : i32 to index
        %swap3A_710 = arith.constant 64 : index
        %swap3A_711 = tpu.vector_load %arg6[%swap3A_708, %swap3A_709, %swap3A_710] {strides = array<i32>} : memref<2x80x128xf32, #tpu.memory_space<vmem>>, vector<1x1x16xf32>,
        %swap3A_712 = vector.shape_cast %swap3A_711 : vector<1x1x16xf32> to vector<16xf32>
        %swap3A_713 = vector.shape_cast %mul3A_706 : vector<16xf32> to vector<1x1x16xf32>
        tpu.vector_store %arg6[%swap3A_708, %swap3A_709, %swap3A_710], %swap3A_713 {strides = array<i32>} : memref<2x80x128xf32, #tpu.memory_space<vmem>>, vector<1x1x16xf32>,
        %get3A_714 = arith.constant 1 : i32
        %get3A_715 = arith.index_cast %get3A_714 : i32 to index
        %get3A_716 = arith.index_cast %scan3A_635 : i32 to index
        %get3A_717 = arith.constant 80 : index
        %get3A_718 = tpu.vector_load %arg6[%get3A_715, %get3A_716, %get3A_717] {strides = array<i32>} : memref<2x80x128xf32, #tpu.memory_space<vmem>>, vector<1x1x16xf32>,
        %get3A_719 = vector.shape_cast %get3A_718 : vector<1x1x16xf32> to vector<16xf32>
        %mul3A_720 = arith.constant 1.000000e-01 : f32
        %mul3A_721 = vector.broadcast %mul3A_720 : f32 to vector<16xf32>
        %mul3A_722 = arith.mulf %get3A_719, %mul3A_721 : vector<16xf32>
        %swap3A_723 = arith.constant 1 : i32
        %swap3A_724 = arith.index_cast %swap3A_723 : i32 to index
        %swap3A_725 = arith.index_cast %scan3A_635 : i32 to index
        %swap3A_726 = arith.constant 80 : index
        %swap3A_727 = tpu.vector_load %arg6[%swap3A_724, %swap3A_725, %swap3A_726] {strides = array<i32>} : memref<2x80x128xf32, #tpu.memory_space<vmem>>, vector<1x1x16xf32>,
        %swap3A_728 = vector.shape_cast %swap3A_727 : vector<1x1x16xf32> to vector<16xf32>
        %swap3A_729 = vector.shape_cast %mul3A_722 : vector<16xf32> to vector<1x1x16xf32>
        tpu.vector_store %arg6[%swap3A_724, %swap3A_725, %swap3A_726], %swap3A_729 {strides = array<i32>} : memref<2x80x128xf32, #tpu.memory_space<vmem>>, vector<1x1x16xf32>,
        %get3A_730 = arith.constant 1 : i32
        %get3A_731 = arith.index_cast %get3A_730 : i32 to index
        %get3A_732 = arith.index_cast %scan3A_635 : i32 to index
        %get3A_733 = arith.constant 96 : index
        %get3A_734 = tpu.vector_load %arg6[%get3A_731, %get3A_732, %get3A_733] {strides = array<i32>} : memref<2x80x128xf32, #tpu.memory_space<vmem>>, vector<1x1x16xf32>,
        %get3A_735 = vector.shape_cast %get3A_734 : vector<1x1x16xf32> to vector<16xf32>
        %mul3A_736 = arith.constant 1.000000e-01 : f32
        %mul3A_737 = vector.broadcast %mul3A_736 : f32 to vector<16xf32>
        %mul3A_738 = arith.mulf %get3A_735, %mul3A_737 : vector<16xf32>
        %swap3A_739 = arith.constant 1 : i32
        %swap3A_740 = arith.index_cast %swap3A_739 : i32 to index
        %swap3A_741 = arith.index_cast %scan3A_635 : i32 to index
        %swap3A_742 = arith.constant 96 : index
        %swap3A_743 = tpu.vector_load %arg6[%swap3A_740, %swap3A_741, %swap3A_742] {strides = array<i32>} : memref<2x80x128xf32, #tpu.memory_space<vmem>>, vector<1x1x16xf32>,
        %swap3A_744 = vector.shape_cast %swap3A_743 : vector<1x1x16xf32> to vector<16xf32>
        %swap3A_745 = vector.shape_cast %mul3A_738 : vector<16xf32> to vector<1x1x16xf32>
        tpu.vector_store %arg6[%swap3A_740, %swap3A_741, %swap3A_742], %swap3A_745 {strides = array<i32>} : memref<2x80x128xf32, #tpu.memory_space<vmem>>, vector<1x1x16xf32>,
        %get3A_746 = arith.constant 1 : i32
        %get3A_747 = arith.index_cast %get3A_746 : i32 to index
        %get3A_748 = arith.index_cast %scan3A_635 : i32 to index
        %get3A_749 = arith.constant 112 : index
        %get3A_750 = tpu.vector_load %arg6[%get3A_747, %get3A_748, %get3A_749] {strides = array<i32>} : memref<2x80x128xf32, #tpu.memory_space<vmem>>, vector<1x1x16xf32>,
        %get3A_751 = vector.shape_cast %get3A_750 : vector<1x1x16xf32> to vector<16xf32>
        %mul3A_752 = arith.constant 1.000000e-01 : f32
        %mul3A_753 = vector.broadcast %mul3A_752 : f32 to vector<16xf32>
        %mul3A_754 = arith.mulf %get3A_751, %mul3A_753 : vector<16xf32>
        %swap3A_755 = arith.constant 1 : i32
        %swap3A_756 = arith.index_cast %swap3A_755 : i32 to index
        %swap3A_757 = arith.index_cast %scan3A_635 : i32 to index
        %swap3A_758 = arith.constant 112 : index
        %swap3A_759 = tpu.vector_load %arg6[%swap3A_756, %swap3A_757, %swap3A_758] {strides = array<i32>} : memref<2x80x128xf32, #tpu.memory_space<vmem>>, vector<1x1x16xf32>,
        %swap3A_760 = vector.shape_cast %swap3A_759 : vector<1x1x16xf32> to vector<16xf32>
        %swap3A_761 = vector.shape_cast %mul3A_754 : vector<16xf32> to vector<1x1x16xf32>
        tpu.vector_store %arg6[%swap3A_756, %swap3A_757, %swap3A_758], %swap3A_761 {strides = array<i32>} : memref<2x80x128xf32, #tpu.memory_space<vmem>>, vector<1x1x16xf32>,
      }
      %scan3A_630 = arith.constant 80 : i32
      %mul3A_631 = arith.constant 80 : i32
      %mul3A_632 = arith.muli %add3A_624, %mul3A_631 : i32
      %add3A_633 = arith.addi %mul3A_12, %mul3A_632 : i32
      %run_scoped3A_634 = arith.constant 1 : i32
      "tpu.region"() ({
        %run_scoped3A_635 = tpu.sem_alloc : memref<!tpu.dma_semaphore, #tpu.memory_space<semaphore_mem>>
        %dma_start3A_636 = arith.constant 0 : i32
        %dma_start3A_637 = arith.constant 0 : i32
        %dma_start3A_638 = tpu.memref_slice %arg6[%run_scoped3A_634, %dma_start3A_636, %dma_start3A_637] : memref<2x80x128xf32, #tpu.memory_space<vmem>> -> memref<1x80x128xf32, #tpu.memory_space<vmem>>
        %dma_start3A_639 = tpu.memref_squeeze %dma_start3A_638 : memref<1x80x128xf32, #tpu.memory_space<vmem>> -> memref<80x128xf32, #tpu.memory_space<vmem>>
        %dma_start3A_640 = arith.constant 0 : i32
        %dma_start3A_641 = tpu.memref_slice %arg4[%add3A_633, %dma_start3A_640] : memref<100000x128xf32, #tpu.memory_space<hbm>> -> memref<80x128xf32, #tpu.memory_space<hbm>>
        %dma_start3A_642 = arith.constant 0 : i32
        %dma_start3A_643 = tpu.memref_slice %arg4[%add3A_633, %dma_start3A_642] : memref<100000x128xf32, #tpu.memory_space<hbm>> -> memref<80x128xf32, #tpu.memory_space<hbm>>
        %dma_start3A_644 = arith.constant 0 : i32
        %dma_start3A_645 = arith.constant 0 : i32
        %dma_start3A_646 = tpu.memref_slice %arg6[%run_scoped3A_634, %dma_start3A_644, %dma_start3A_645] : memref<2x80x128xf32, #tpu.memory_space<vmem>> -> memref<1x80x128xf32, #tpu.memory_space<vmem>>
        %dma_start3A_647 = tpu.memref_squeeze %dma_start3A_646 : memref<1x80x128xf32, #tpu.memory_space<vmem>> -> memref<80x128xf32, #tpu.memory_space<vmem>>
        tpu.enqueue_dma source(%dma_start3A_647 : memref<80x128xf32, #tpu.memory_space<vmem>>) target(%dma_start3A_643 : memref<80x128xf32, #tpu.memory_space<hbm>>) target_semaphore(%run_scoped3A_635 : memref<!tpu.dma_semaphore, #tpu.memory_space<semaphore_mem>>)
        %dma_wait3A_648 = arith.constant 0 : i32
        %dma_wait3A_649 = arith.constant 0 : i32
        %dma_wait3A_650 = tpu.memref_slice %arg6[%run_scoped3A_634, %dma_wait3A_648, %dma_wait3A_649] : memref<2x80x128xf32, #tpu.memory_space<vmem>> -> memref<1x80x128xf32, #tpu.memory_space<vmem>>
        %dma_wait3A_651 = tpu.memref_squeeze %dma_wait3A_650 : memref<1x80x128xf32, #tpu.memory_space<vmem>> -> memref<80x128xf32, #tpu.memory_space<vmem>>
        %dma_wait3A_652 = arith.constant 0 : i32
        %dma_wait3A_653 = tpu.memref_slice %arg4[%add3A_633, %dma_wait3A_652] : memref<100000x128xf32, #tpu.memory_space<hbm>> -> memref<80x128xf32, #tpu.memory_space<hbm>>
        %dma_wait3A_654 = arith.constant 0 : i32
        %dma_wait3A_655 = tpu.memref_slice %arg4[%add3A_633, %dma_wait3A_654] : memref<100000x128xf32, #tpu.memory_space<hbm>> -> memref<80x128xf32, #tpu.memory_space<hbm>>
        %dma_wait3A_656 = arith.constant 0 : i32
        %dma_wait3A_657 = arith.constant 0 : i32
        %dma_wait3A_658 = tpu.memref_slice %arg6[%run_scoped3A_634, %dma_wait3A_656, %dma_wait3A_657] : memref<2x80x128xf32, #tpu.memory_space<vmem>> -> memref<1x80x128xf32, #tpu.memory_space<vmem>>
        %dma_wait3A_659 = tpu.memref_squeeze %dma_wait3A_658 : memref<1x80x128xf32, #tpu.memory_space<vmem>> -> memref<80x128xf32, #tpu.memory_space<vmem>>
        tpu.wait_dma2 semaphore(%run_scoped3A_635 : memref<!tpu.dma_semaphore, #tpu.memory_space<semaphore_mem>>) src(%dma_wait3A_659 : memref<80x128xf32, #tpu.memory_space<vmem>>) dst(%dma_wait3A_655 : memref<80x128xf32, #tpu.memory_space<hbm>>)
        tpu.yield
      }) : () -> ()
    }
    %while3A_159 = arith.constant 1 : i32
    scf.for %while3A_160 = %while3A_157 to %while3A_153 step %while3A_159  : i32 {
      %mul3A_161 = arith.constant 2 : i32
      %mul3A_162 = arith.muli %mul3A_161, %while3A_160 : i32
      %scan3A_163 = arith.constant 0 : i32
      %scan3A_164 = arith.constant 0 : i32
      %scan3A_165 = arith.constant 80 : i32
      %scan3A_166 = arith.addi %scan3A_164, %scan3A_165 : i32
      %scan3A_167 = arith.constant 1 : i32
      scf.for %scan3A_635 = %scan3A_164 to %scan3A_166 step %scan3A_167  : i32 {
        %broadcast_in_dim3A = arith.constant 0.000000e+00 : f32
        %broadcast_in_dim3A_636 = vector.broadcast %broadcast_in_dim3A : f32 to vector<16xf32>
        %swap3A = arith.constant 1 : i32
        %swap3A_637 = arith.index_cast %swap3A : i32 to index
        %swap3A_638 = arith.index_cast %scan3A_635 : i32 to index
        %swap3A_639 = arith.constant 0 : index
        %swap3A_640 = tpu.vector_load %arg6[%swap3A_637, %swap3A_638, %swap3A_639] {strides = array<i32>} : memref<2x80x128xf32, #tpu.memory_space<vmem>>, vector<1x1x16xf32>,
        %swap3A_641 = vector.shape_cast %swap3A_640 : vector<1x1x16xf32> to vector<16xf32>
        %swap3A_642 = vector.shape_cast %broadcast_in_dim3A_636 : vector<16xf32> to vector<1x1x16xf32>
        tpu.vector_store %arg6[%swap3A_637, %swap3A_638, %swap3A_639], %swap3A_642 {strides = array<i32>} : memref<2x80x128xf32, #tpu.memory_space<vmem>>, vector<1x1x16xf32>,
        %broadcast_in_dim3A_643 = arith.constant 0.000000e+00 : f32
        %broadcast_in_dim3A_644 = vector.broadcast %broadcast_in_dim3A_643 : f32 to vector<16xf32>
        %swap3A_645 = arith.constant 1 : i32
        %swap3A_646 = arith.index_cast %swap3A_645 : i32 to index
        %swap3A_647 = arith.index_cast %scan3A_635 : i32 to index
        %swap3A_648 = arith.constant 16 : index
        %swap3A_649 = tpu.vector_load %arg6[%swap3A_646, %swap3A_647, %swap3A_648] {strides = array<i32>} : memref<2x80x128xf32, #tpu.memory_space<vmem>>, vector<1x1x16xf32>,
        %swap3A_650 = vector.shape_cast %swap3A_649 : vector<1x1x16xf32> to vector<16xf32>
        %swap3A_651 = vector.shape_cast %broadcast_in_dim3A_644 : vector<16xf32> to vector<1x1x16xf32>
        tpu.vector_store %arg6[%swap3A_646, %swap3A_647, %swap3A_648], %swap3A_651 {strides = array<i32>} : memref<2x80x128xf32, #tpu.memory_space<vmem>>, vector<1x1x16xf32>,
        %broadcast_in_dim3A_652 = arith.constant 0.000000e+00 : f32
        %broadcast_in_dim3A_653 = vector.broadcast %broadcast_in_dim3A_652 : f32 to vector<16xf32>
        %swap3A_654 = arith.constant 1 : i32
        %swap3A_655 = arith.index_cast %swap3A_654 : i32 to index
        %swap3A_656 = arith.index_cast %scan3A_635 : i32 to index
        %swap3A_657 = arith.constant 32 : index
        %swap3A_658 = tpu.vector_load %arg6[%swap3A_655, %swap3A_656, %swap3A_657] {strides = array<i32>} : memref<2x80x128xf32, #tpu.memory_space<vmem>>, vector<1x1x16xf32>,
        %swap3A_659 = vector.shape_cast %swap3A_658 : vector<1x1x16xf32> to vector<16xf32>
        %swap3A_660 = vector.shape_cast %broadcast_in_dim3A_653 : vector<16xf32> to vector<1x1x16xf32>
        tpu.vector_store %arg6[%swap3A_655, %swap3A_656, %swap3A_657], %swap3A_660 {strides = array<i32>} : memref<2x80x128xf32, #tpu.memory_space<vmem>>, vector<1x1x16xf32>,
        %broadcast_in_dim3A_661 = arith.constant 0.000000e+00 : f32
        %broadcast_in_dim3A_662 = vector.broadcast %broadcast_in_dim3A_661 : f32 to vector<16xf32>
        %swap3A_663 = arith.constant 1 : i32
        %swap3A_664 = arith.index_cast %swap3A_663 : i32 to index
        %swap3A_665 = arith.index_cast %scan3A_635 : i32 to index
        %swap3A_666 = arith.constant 48 : index
        %swap3A_667 = tpu.vector_load %arg6[%swap3A_664, %swap3A_665, %swap3A_666] {strides = array<i32>} : memref<2x80x128xf32, #tpu.memory_space<vmem>>, vector<1x1x16xf32>,
        %swap3A_668 = vector.shape_cast %swap3A_667 : vector<1x1x16xf32> to vector<16xf32>
        %swap3A_669 = vector.shape_cast %broadcast_in_dim3A_662 : vector<16xf32> to vector<1x1x16xf32>
        tpu.vector_store %arg6[%swap3A_664, %swap3A_665, %swap3A_666], %swap3A_669 {strides = array<i32>} : memref<2x80x128xf32, #tpu.memory_space<vmem>>, vector<1x1x16xf32>,
        %broadcast_in_dim3A_670 = arith.constant 0.000000e+00 : f32
        %broadcast_in_dim3A_671 = vector.broadcast %broadcast_in_dim3A_670 : f32 to vector<16xf32>
        %swap3A_672 = arith.constant 1 : i32
        %swap3A_673 = arith.index_cast %swap3A_672 : i32 to index
        %swap3A_674 = arith.index_cast %scan3A_635 : i32 to index
        %swap3A_675 = arith.constant 64 : index
        %swap3A_676 = tpu.vector_load %arg6[%swap3A_673, %swap3A_674, %swap3A_675] {strides = array<i32>} : memref<2x80x128xf32, #tpu.memory_space<vmem>>, vector<1x1x16xf32>,
        %swap3A_677 = vector.shape_cast %swap3A_676 : vector<1x1x16xf32> to vector<16xf32>
        %swap3A_678 = vector.shape_cast %broadcast_in_dim3A_671 : vector<16xf32> to vector<1x1x16xf32>
        tpu.vector_store %arg6[%swap3A_673, %swap3A_674, %swap3A_675], %swap3A_678 {strides = array<i32>} : memref<2x80x128xf32, #tpu.memory_space<vmem>>, vector<1x1x16xf32>,
        %broadcast_in_dim3A_679 = arith.constant 0.000000e+00 : f32
        %broadcast_in_dim3A_680 = vector.broadcast %broadcast_in_dim3A_679 : f32 to vector<16xf32>
        %swap3A_681 = arith.constant 1 : i32
        %swap3A_682 = arith.index_cast %swap3A_681 : i32 to index
        %swap3A_683 = arith.index_cast %scan3A_635 : i32 to index
        %swap3A_684 = arith.constant 80 : index
        %swap3A_685 = tpu.vector_load %arg6[%swap3A_682, %swap3A_683, %swap3A_684] {strides = array<i32>} : memref<2x80x128xf32, #tpu.memory_space<vmem>>, vector<1x1x16xf32>,
        %swap3A_686 = vector.shape_cast %swap3A_685 : vector<1x1x16xf32> to vector<16xf32>
        %swap3A_687 = vector.shape_cast %broadcast_in_dim3A_680 : vector<16xf32> to vector<1x1x16xf32>
        tpu.vector_store %arg6[%swap3A_682, %swap3A_683, %swap3A_684], %swap3A_687 {strides = array<i32>} : memref<2x80x128xf32, #tpu.memory_space<vmem>>, vector<1x1x16xf32>,
        %broadcast_in_dim3A_688 = arith.constant 0.000000e+00 : f32
        %broadcast_in_dim3A_689 = vector.broadcast %broadcast_in_dim3A_688 : f32 to vector<16xf32>
        %swap3A_690 = arith.constant 1 : i32
        %swap3A_691 = arith.index_cast %swap3A_690 : i32 to index
        %swap3A_692 = arith.index_cast %scan3A_635 : i32 to index
        %swap3A_693 = arith.constant 96 : index
        %swap3A_694 = tpu.vector_load %arg6[%swap3A_691, %swap3A_692, %swap3A_693] {strides = array<i32>} : memref<2x80x128xf32, #tpu.memory_space<vmem>>, vector<1x1x16xf32>,
        %swap3A_695 = vector.shape_cast %swap3A_694 : vector<1x1x16xf32> to vector<16xf32>
        %swap3A_696 = vector.shape_cast %broadcast_in_dim3A_689 : vector<16xf32> to vector<1x1x16xf32>
        tpu.vector_store %arg6[%swap3A_691, %swap3A_692, %swap3A_693], %swap3A_696 {strides = array<i32>} : memref<2x80x128xf32, #tpu.memory_space<vmem>>, vector<1x1x16xf32>,
        %broadcast_in_dim3A_697 = arith.constant 0.000000e+00 : f32
        %broadcast_in_dim3A_698 = vector.broadcast %broadcast_in_dim3A_697 : f32 to vector<16xf32>
        %swap3A_699 = arith.constant 1 : i32
        %swap3A_700 = arith.index_cast %swap3A_699 : i32 to index
        %swap3A_701 = arith.index_cast %scan3A_635 : i32 to index
        %swap3A_702 = arith.constant 112 : index
        %swap3A_703 = tpu.vector_load %arg6[%swap3A_700, %swap3A_701, %swap3A_702] {strides = array<i32>} : memref<2x80x128xf32, #tpu.memory_space<vmem>>, vector<1x1x16xf32>,
        %swap3A_704 = vector.shape_cast %swap3A_703 : vector<1x1x16xf32> to vector<16xf32>
        %swap3A_705 = vector.shape_cast %broadcast_in_dim3A_698 : vector<16xf32> to vector<1x1x16xf32>
        tpu.vector_store %arg6[%swap3A_700, %swap3A_701, %swap3A_702], %swap3A_705 {strides = array<i32>} : memref<2x80x128xf32, #tpu.memory_space<vmem>>, vector<1x1x16xf32>,
      }
      %scan3A_168 = arith.constant 80 : i32
      %add3A_169 = arith.constant 1 : i32
      %add3A_170 = arith.addi %mul3A_162, %add3A_169 : i32
      %mul3A_171 = arith.constant 0 : i32
      %mul3A_172 = arith.muli %mul3A_171, %mul3A_14 : i32
      %mul3A_173 = arith.constant 80 : i32
      %mul3A_174 = arith.muli %add3A_170, %mul3A_173 : i32
      %add3A_175 = arith.addi %mul3A_172, %mul3A_174 : i32
      %dma_start3A_176 = arith.constant 1 : i32
      %dma_start3A_177 = arith.constant 0 : i32
      %dma_start3A_178 = arith.constant 0 : i32
      %dma_start3A_179 = tpu.memref_slice %arg6[%dma_start3A_176, %dma_start3A_177, %dma_start3A_178] : memref<2x80x128xf32, #tpu.memory_space<vmem>> -> memref<1x80x128xf32, #tpu.memory_space<vmem>>
      %dma_start3A_180 = tpu.memref_squeeze %dma_start3A_179 : memref<1x80x128xf32, #tpu.memory_space<vmem>> -> memref<80x128xf32, #tpu.memory_space<vmem>>
      %dma_start3A_181 = tpu.memref_slice %arg5[%add3A_175] : memref<32000xi32, #tpu.memory_space<vmem>> -> memref<80xi32, #tpu.memory_space<vmem>>
      %dma_start3A_182 = arith.constant 0 : i32
      %dma_start3A_183 = arith.constant 0 : i32
      %dma_start3A_184 = tpu.memref_slice %arg2[%dma_start3A_182, %dma_start3A_183] : memref<100000x128xf32, #tpu.memory_space<hbm>> -> memref<100000x128xf32, #tpu.memory_space<hbm>>
      tpu.enqueue_indirect_dma source(%dma_start3A_184 : memref<100000x128xf32, #tpu.memory_space<hbm>>) target(%dma_start3A_180 : memref<80x128xf32, #tpu.memory_space<vmem>>) offsets(%dma_start3A_181 : memref<80xi32, #tpu.memory_space<vmem>>) semaphore(%arg8 : memref<!tpu.dma_semaphore, #tpu.memory_space<semaphore_mem>>) {add = true}
      %mul3A_185 = arith.constant 1 : i32
      %mul3A_186 = arith.muli %mul3A_185, %mul3A_14 : i32
      %mul3A_187 = arith.constant 80 : i32
      %mul3A_188 = arith.muli %add3A_170, %mul3A_187 : i32
      %add3A_189 = arith.addi %mul3A_186, %mul3A_188 : i32
      %dma_start3A_190 = arith.constant 1 : i32
      %dma_start3A_191 = arith.constant 0 : i32
      %dma_start3A_192 = arith.constant 0 : i32
      %dma_start3A_193 = tpu.memref_slice %arg6[%dma_start3A_190, %dma_start3A_191, %dma_start3A_192] : memref<2x80x128xf32, #tpu.memory_space<vmem>> -> memref<1x80x128xf32, #tpu.memory_space<vmem>>
      %dma_start3A_194 = tpu.memref_squeeze %dma_start3A_193 : memref<1x80x128xf32, #tpu.memory_space<vmem>> -> memref<80x128xf32, #tpu.memory_space<vmem>>
      %dma_start3A_195 = tpu.memref_slice %arg5[%add3A_189] : memref<32000xi32, #tpu.memory_space<vmem>> -> memref<80xi32, #tpu.memory_space<vmem>>
      %dma_start3A_196 = arith.constant 0 : i32
      %dma_start3A_197 = arith.constant 0 : i32
      %dma_start3A_198 = tpu.memref_slice %arg2[%dma_start3A_196, %dma_start3A_197] : memref<100000x128xf32, #tpu.memory_space<hbm>> -> memref<100000x128xf32, #tpu.memory_space<hbm>>
      tpu.enqueue_indirect_dma source(%dma_start3A_198 : memref<100000x128xf32, #tpu.memory_space<hbm>>) target(%dma_start3A_194 : memref<80x128xf32, #tpu.memory_space<vmem>>) offsets(%dma_start3A_195 : memref<80xi32, #tpu.memory_space<vmem>>) semaphore(%arg8 : memref<!tpu.dma_semaphore, #tpu.memory_space<semaphore_mem>>) {add = true}
      %mul3A_199 = arith.constant 2 : i32
      %mul3A_200 = arith.muli %mul3A_199, %mul3A_14 : i32
      %mul3A_201 = arith.constant 80 : i32
      %mul3A_202 = arith.muli %add3A_170, %mul3A_201 : i32
      %add3A_203 = arith.addi %mul3A_200, %mul3A_202 : i32
      %dma_start3A_204 = arith.constant 1 : i32
      %dma_start3A_205 = arith.constant 0 : i32
      %dma_start3A_206 = arith.constant 0 : i32
      %dma_start3A_207 = tpu.memref_slice %arg6[%dma_start3A_204, %dma_start3A_205, %dma_start3A_206] : memref<2x80x128xf32, #tpu.memory_space<vmem>> -> memref<1x80x128xf32, #tpu.memory_space<vmem>>
      %dma_start3A_208 = tpu.memref_squeeze %dma_start3A_207 : memref<1x80x128xf32, #tpu.memory_space<vmem>> -> memref<80x128xf32, #tpu.memory_space<vmem>>
      %dma_start3A_209 = tpu.memref_slice %arg5[%add3A_203] : memref<32000xi32, #tpu.memory_space<vmem>> -> memref<80xi32, #tpu.memory_space<vmem>>
      %dma_start3A_210 = arith.constant 0 : i32
      %dma_start3A_211 = arith.constant 0 : i32
      %dma_start3A_212 = tpu.memref_slice %arg2[%dma_start3A_210, %dma_start3A_211] : memref<100000x128xf32, #tpu.memory_space<hbm>> -> memref<100000x128xf32, #tpu.memory_space<hbm>>
      tpu.enqueue_indirect_dma source(%dma_start3A_212 : memref<100000x128xf32, #tpu.memory_space<hbm>>) target(%dma_start3A_208 : memref<80x128xf32, #tpu.memory_space<vmem>>) offsets(%dma_start3A_209 : memref<80xi32, #tpu.memory_space<vmem>>) semaphore(%arg8 : memref<!tpu.dma_semaphore, #tpu.memory_space<semaphore_mem>>) {add = true}
      %mul3A_213 = arith.constant 3 : i32
      %mul3A_214 = arith.muli %mul3A_213, %mul3A_14 : i32
      %mul3A_215 = arith.constant 80 : i32
      %mul3A_216 = arith.muli %add3A_170, %mul3A_215 : i32
      %add3A_217 = arith.addi %mul3A_214, %mul3A_216 : i32
      %dma_start3A_218 = arith.constant 1 : i32
      %dma_start3A_219 = arith.constant 0 : i32
      %dma_start3A_220 = arith.constant 0 : i32
      %dma_start3A_221 = tpu.memref_slice %arg6[%dma_start3A_218, %dma_start3A_219, %dma_start3A_220] : memref<2x80x128xf32, #tpu.memory_space<vmem>> -> memref<1x80x128xf32, #tpu.memory_space<vmem>>
      %dma_start3A_222 = tpu.memref_squeeze %dma_start3A_221 : memref<1x80x128xf32, #tpu.memory_space<vmem>> -> memref<80x128xf32, #tpu.memory_space<vmem>>
      %dma_start3A_223 = tpu.memref_slice %arg5[%add3A_217] : memref<32000xi32, #tpu.memory_space<vmem>> -> memref<80xi32, #tpu.memory_space<vmem>>
      %dma_start3A_224 = arith.constant 0 : i32
      %dma_start3A_225 = arith.constant 0 : i32
      %dma_start3A_226 = tpu.memref_slice %arg2[%dma_start3A_224, %dma_start3A_225] : memref<100000x128xf32, #tpu.memory_space<hbm>> -> memref<100000x128xf32, #tpu.memory_space<hbm>>
      tpu.enqueue_indirect_dma source(%dma_start3A_226 : memref<100000x128xf32, #tpu.memory_space<hbm>>) target(%dma_start3A_222 : memref<80x128xf32, #tpu.memory_space<vmem>>) offsets(%dma_start3A_223 : memref<80xi32, #tpu.memory_space<vmem>>) semaphore(%arg8 : memref<!tpu.dma_semaphore, #tpu.memory_space<semaphore_mem>>) {add = true}
      %mul3A_227 = arith.constant 4 : i32
      %mul3A_228 = arith.muli %mul3A_227, %mul3A_14 : i32
      %mul3A_229 = arith.constant 80 : i32
      %mul3A_230 = arith.muli %add3A_170, %mul3A_229 : i32
      %add3A_231 = arith.addi %mul3A_228, %mul3A_230 : i32
      %dma_start3A_232 = arith.constant 1 : i32
      %dma_start3A_233 = arith.constant 0 : i32
      %dma_start3A_234 = arith.constant 0 : i32
      %dma_start3A_235 = tpu.memref_slice %arg6[%dma_start3A_232, %dma_start3A_233, %dma_start3A_234] : memref<2x80x128xf32, #tpu.memory_space<vmem>> -> memref<1x80x128xf32, #tpu.memory_space<vmem>>
      %dma_start3A_236 = tpu.memref_squeeze %dma_start3A_235 : memref<1x80x128xf32, #tpu.memory_space<vmem>> -> memref<80x128xf32, #tpu.memory_space<vmem>>
      %dma_start3A_237 = tpu.memref_slice %arg5[%add3A_231] : memref<32000xi32, #tpu.memory_space<vmem>> -> memref<80xi32, #tpu.memory_space<vmem>>
      %dma_start3A_238 = arith.constant 0 : i32
      %dma_start3A_239 = arith.constant 0 : i32
      %dma_start3A_240 = tpu.memref_slice %arg2[%dma_start3A_238, %dma_start3A_239] : memref<100000x128xf32, #tpu.memory_space<hbm>> -> memref<100000x128xf32, #tpu.memory_space<hbm>>
      tpu.enqueue_indirect_dma source(%dma_start3A_240 : memref<100000x128xf32, #tpu.memory_space<hbm>>) target(%dma_start3A_236 : memref<80x128xf32, #tpu.memory_space<vmem>>) offsets(%dma_start3A_237 : memref<80xi32, #tpu.memory_space<vmem>>) semaphore(%arg8 : memref<!tpu.dma_semaphore, #tpu.memory_space<semaphore_mem>>) {add = true}
      %mul3A_241 = arith.constant 5 : i32
      %mul3A_242 = arith.muli %mul3A_241, %mul3A_14 : i32
      %mul3A_243 = arith.constant 80 : i32
      %mul3A_244 = arith.muli %add3A_170, %mul3A_243 : i32
      %add3A_245 = arith.addi %mul3A_242, %mul3A_244 : i32
      %dma_start3A_246 = arith.constant 1 : i32
      %dma_start3A_247 = arith.constant 0 : i32
      %dma_start3A_248 = arith.constant 0 : i32
      %dma_start3A_249 = tpu.memref_slice %arg6[%dma_start3A_246, %dma_start3A_247, %dma_start3A_248] : memref<2x80x128xf32, #tpu.memory_space<vmem>> -> memref<1x80x128xf32, #tpu.memory_space<vmem>>
      %dma_start3A_250 = tpu.memref_squeeze %dma_start3A_249 : memref<1x80x128xf32, #tpu.memory_space<vmem>> -> memref<80x128xf32, #tpu.memory_space<vmem>>
      %dma_start3A_251 = tpu.memref_slice %arg5[%add3A_245] : memref<32000xi32, #tpu.memory_space<vmem>> -> memref<80xi32, #tpu.memory_space<vmem>>
      %dma_start3A_252 = arith.constant 0 : i32
      %dma_start3A_253 = arith.constant 0 : i32
      %dma_start3A_254 = tpu.memref_slice %arg2[%dma_start3A_252, %dma_start3A_253] : memref<100000x128xf32, #tpu.memory_space<hbm>> -> memref<100000x128xf32, #tpu.memory_space<hbm>>
      tpu.enqueue_indirect_dma source(%dma_start3A_254 : memref<100000x128xf32, #tpu.memory_space<hbm>>) target(%dma_start3A_250 : memref<80x128xf32, #tpu.memory_space<vmem>>) offsets(%dma_start3A_251 : memref<80xi32, #tpu.memory_space<vmem>>) semaphore(%arg8 : memref<!tpu.dma_semaphore, #tpu.memory_space<semaphore_mem>>) {add = true}
      %mul3A_255 = arith.constant 6 : i32
      %mul3A_256 = arith.muli %mul3A_255, %mul3A_14 : i32
      %mul3A_257 = arith.constant 80 : i32
      %mul3A_258 = arith.muli %add3A_170, %mul3A_257 : i32
      %add3A_259 = arith.addi %mul3A_256, %mul3A_258 : i32
      %dma_start3A_260 = arith.constant 1 : i32
      %dma_start3A_261 = arith.constant 0 : i32
      %dma_start3A_262 = arith.constant 0 : i32
      %dma_start3A_263 = tpu.memref_slice %arg6[%dma_start3A_260, %dma_start3A_261, %dma_start3A_262] : memref<2x80x128xf32, #tpu.memory_space<vmem>> -> memref<1x80x128xf32, #tpu.memory_space<vmem>>
      %dma_start3A_264 = tpu.memref_squeeze %dma_start3A_263 : memref<1x80x128xf32, #tpu.memory_space<vmem>> -> memref<80x128xf32, #tpu.memory_space<vmem>>
      %dma_start3A_265 = tpu.memref_slice %arg5[%add3A_259] : memref<32000xi32, #tpu.memory_space<vmem>> -> memref<80xi32, #tpu.memory_space<vmem>>
      %dma_start3A_266 = arith.constant 0 : i32
      %dma_start3A_267 = arith.constant 0 : i32
      %dma_start3A_268 = tpu.memref_slice %arg2[%dma_start3A_266, %dma_start3A_267] : memref<100000x128xf32, #tpu.memory_space<hbm>> -> memref<100000x128xf32, #tpu.memory_space<hbm>>
      tpu.enqueue_indirect_dma source(%dma_start3A_268 : memref<100000x128xf32, #tpu.memory_space<hbm>>) target(%dma_start3A_264 : memref<80x128xf32, #tpu.memory_space<vmem>>) offsets(%dma_start3A_265 : memref<80xi32, #tpu.memory_space<vmem>>) semaphore(%arg8 : memref<!tpu.dma_semaphore, #tpu.memory_space<semaphore_mem>>) {add = true}
      %mul3A_269 = arith.constant 7 : i32
      %mul3A_270 = arith.muli %mul3A_269, %mul3A_14 : i32
      %mul3A_271 = arith.constant 80 : i32
      %mul3A_272 = arith.muli %add3A_170, %mul3A_271 : i32
      %add3A_273 = arith.addi %mul3A_270, %mul3A_272 : i32
      %dma_start3A_274 = arith.constant 1 : i32
      %dma_start3A_275 = arith.constant 0 : i32
      %dma_start3A_276 = arith.constant 0 : i32
      %dma_start3A_277 = tpu.memref_slice %arg6[%dma_start3A_274, %dma_start3A_275, %dma_start3A_276] : memref<2x80x128xf32, #tpu.memory_space<vmem>> -> memref<1x80x128xf32, #tpu.memory_space<vmem>>
      %dma_start3A_278 = tpu.memref_squeeze %dma_start3A_277 : memref<1x80x128xf32, #tpu.memory_space<vmem>> -> memref<80x128xf32, #tpu.memory_space<vmem>>
      %dma_start3A_279 = tpu.memref_slice %arg5[%add3A_273] : memref<32000xi32, #tpu.memory_space<vmem>> -> memref<80xi32, #tpu.memory_space<vmem>>
      %dma_start3A_280 = arith.constant 0 : i32
      %dma_start3A_281 = arith.constant 0 : i32
      %dma_start3A_282 = tpu.memref_slice %arg2[%dma_start3A_280, %dma_start3A_281] : memref<100000x128xf32, #tpu.memory_space<hbm>> -> memref<100000x128xf32, #tpu.memory_space<hbm>>
      tpu.enqueue_indirect_dma source(%dma_start3A_282 : memref<100000x128xf32, #tpu.memory_space<hbm>>) target(%dma_start3A_278 : memref<80x128xf32, #tpu.memory_space<vmem>>) offsets(%dma_start3A_279 : memref<80xi32, #tpu.memory_space<vmem>>) semaphore(%arg8 : memref<!tpu.dma_semaphore, #tpu.memory_space<semaphore_mem>>) {add = true}
      %mul3A_283 = arith.constant 8 : i32
      %mul3A_284 = arith.muli %mul3A_283, %mul3A_14 : i32
      %mul3A_285 = arith.constant 80 : i32
      %mul3A_286 = arith.muli %add3A_170, %mul3A_285 : i32
      %add3A_287 = arith.addi %mul3A_284, %mul3A_286 : i32
      %dma_start3A_288 = arith.constant 1 : i32
      %dma_start3A_289 = arith.constant 0 : i32
      %dma_start3A_290 = arith.constant 0 : i32
      %dma_start3A_291 = tpu.memref_slice %arg6[%dma_start3A_288, %dma_start3A_289, %dma_start3A_290] : memref<2x80x128xf32, #tpu.memory_space<vmem>> -> memref<1x80x128xf32, #tpu.memory_space<vmem>>
      %dma_start3A_292 = tpu.memref_squeeze %dma_start3A_291 : memref<1x80x128xf32, #tpu.memory_space<vmem>> -> memref<80x128xf32, #tpu.memory_space<vmem>>
      %dma_start3A_293 = tpu.memref_slice %arg5[%add3A_287] : memref<32000xi32, #tpu.memory_space<vmem>> -> memref<80xi32, #tpu.memory_space<vmem>>
      %dma_start3A_294 = arith.constant 0 : i32
      %dma_start3A_295 = arith.constant 0 : i32
      %dma_start3A_296 = tpu.memref_slice %arg2[%dma_start3A_294, %dma_start3A_295] : memref<100000x128xf32, #tpu.memory_space<hbm>> -> memref<100000x128xf32, #tpu.memory_space<hbm>>
      tpu.enqueue_indirect_dma source(%dma_start3A_296 : memref<100000x128xf32, #tpu.memory_space<hbm>>) target(%dma_start3A_292 : memref<80x128xf32, #tpu.memory_space<vmem>>) offsets(%dma_start3A_293 : memref<80xi32, #tpu.memory_space<vmem>>) semaphore(%arg8 : memref<!tpu.dma_semaphore, #tpu.memory_space<semaphore_mem>>) {add = true}
      %mul3A_297 = arith.constant 9 : i32
      %mul3A_298 = arith.muli %mul3A_297, %mul3A_14 : i32
      %mul3A_299 = arith.constant 80 : i32
      %mul3A_300 = arith.muli %add3A_170, %mul3A_299 : i32
      %add3A_301 = arith.addi %mul3A_298, %mul3A_300 : i32
      %dma_start3A_302 = arith.constant 1 : i32
      %dma_start3A_303 = arith.constant 0 : i32
      %dma_start3A_304 = arith.constant 0 : i32
      %dma_start3A_305 = tpu.memref_slice %arg6[%dma_start3A_302, %dma_start3A_303, %dma_start3A_304] : memref<2x80x128xf32, #tpu.memory_space<vmem>> -> memref<1x80x128xf32, #tpu.memory_space<vmem>>
      %dma_start3A_306 = tpu.memref_squeeze %dma_start3A_305 : memref<1x80x128xf32, #tpu.memory_space<vmem>> -> memref<80x128xf32, #tpu.memory_space<vmem>>
      %dma_start3A_307 = tpu.memref_slice %arg5[%add3A_301] : memref<32000xi32, #tpu.memory_space<vmem>> -> memref<80xi32, #tpu.memory_space<vmem>>
      %dma_start3A_308 = arith.constant 0 : i32
      %dma_start3A_309 = arith.constant 0 : i32
      %dma_start3A_310 = tpu.memref_slice %arg2[%dma_start3A_308, %dma_start3A_309] : memref<100000x128xf32, #tpu.memory_space<hbm>> -> memref<100000x128xf32, #tpu.memory_space<hbm>>
      tpu.enqueue_indirect_dma source(%dma_start3A_310 : memref<100000x128xf32, #tpu.memory_space<hbm>>) target(%dma_start3A_306 : memref<80x128xf32, #tpu.memory_space<vmem>>) offsets(%dma_start3A_307 : memref<80xi32, #tpu.memory_space<vmem>>) semaphore(%arg8 : memref<!tpu.dma_semaphore, #tpu.memory_space<semaphore_mem>>) {add = true}
      %dma_wait3A = arith.constant 0 : i32
      %dma_wait3A_311 = arith.constant 0 : i32
      %dma_wait3A_312 = arith.constant 0 : i32
      %dma_wait3A_313 = tpu.memref_slice %arg6[%dma_wait3A, %dma_wait3A_311, %dma_wait3A_312] : memref<2x80x128xf32, #tpu.memory_space<vmem>> -> memref<1x80x128xf32, #tpu.memory_space<vmem>>
      %dma_wait3A_314 = tpu.memref_squeeze %dma_wait3A_313 : memref<1x80x128xf32, #tpu.memory_space<vmem>> -> memref<80x128xf32, #tpu.memory_space<vmem>>
      %dma_wait3A_315 = arith.constant 0 : i32
      %dma_wait3A_316 = arith.constant 0 : i32
      %dma_wait3A_317 = tpu.memref_slice %arg2[%dma_wait3A_315, %dma_wait3A_316] : memref<100000x128xf32, #tpu.memory_space<hbm>> -> memref<80x128xf32, #tpu.memory_space<hbm>>
      %dma_wait3A_318 = arith.constant 0 : i32
      %dma_wait3A_319 = arith.constant 0 : i32
      %dma_wait3A_320 = tpu.memref_slice %arg6[%dma_wait3A, %dma_wait3A_318, %dma_wait3A_319] : memref<2x80x128xf32, #tpu.memory_space<vmem>> -> memref<1x80x128xf32, #tpu.memory_space<vmem>>
      %dma_wait3A_321 = tpu.memref_squeeze %dma_wait3A_320 : memref<1x80x128xf32, #tpu.memory_space<vmem>> -> memref<80x128xf32, #tpu.memory_space<vmem>>
      %dma_wait3A_322 = arith.constant 0 : i32
      %dma_wait3A_323 = arith.constant 0 : i32
      %dma_wait3A_324 = tpu.memref_slice %arg2[%dma_wait3A_322, %dma_wait3A_323] : memref<100000x128xf32, #tpu.memory_space<hbm>> -> memref<80x128xf32, #tpu.memory_space<hbm>>
      tpu.wait_dma2 semaphore(%arg7 : memref<!tpu.dma_semaphore, #tpu.memory_space<semaphore_mem>>) src(%dma_wait3A_324 : memref<80x128xf32, #tpu.memory_space<hbm>>) dst(%dma_wait3A_321 : memref<80x128xf32, #tpu.memory_space<vmem>>)
      %dma_wait3A_325 = arith.constant 0 : i32
      %dma_wait3A_326 = arith.constant 0 : i32
      %dma_wait3A_327 = arith.constant 0 : i32
      %dma_wait3A_328 = tpu.memref_slice %arg6[%dma_wait3A_325, %dma_wait3A_326, %dma_wait3A_327] : memref<2x80x128xf32, #tpu.memory_space<vmem>> -> memref<1x80x128xf32, #tpu.memory_space<vmem>>
      %dma_wait3A_329 = tpu.memref_squeeze %dma_wait3A_328 : memref<1x80x128xf32, #tpu.memory_space<vmem>> -> memref<80x128xf32, #tpu.memory_space<vmem>>
      %dma_wait3A_330 = arith.constant 0 : i32
      %dma_wait3A_331 = arith.constant 0 : i32
      %dma_wait3A_332 = tpu.memref_slice %arg2[%dma_wait3A_330, %dma_wait3A_331] : memref<100000x128xf32, #tpu.memory_space<hbm>> -> memref<80x128xf32, #tpu.memory_space<hbm>>
      %dma_wait3A_333 = arith.constant 0 : i32
      %dma_wait3A_334 = arith.constant 0 : i32
      %dma_wait3A_335 = tpu.memref_slice %arg6[%dma_wait3A_325, %dma_wait3A_333, %dma_wait3A_334] : memref<2x80x128xf32, #tpu.memory_space<vmem>> -> memref<1x80x128xf32, #tpu.memory_space<vmem>>
      %dma_wait3A_336 = tpu.memref_squeeze %dma_wait3A_335 : memref<1x80x128xf32, #tpu.memory_space<vmem>> -> memref<80x128xf32, #tpu.memory_space<vmem>>
      %dma_wait3A_337 = arith.constant 0 : i32
      %dma_wait3A_338 = arith.constant 0 : i32
      %dma_wait3A_339 = tpu.memref_slice %arg2[%dma_wait3A_337, %dma_wait3A_338] : memref<100000x128xf32, #tpu.memory_space<hbm>> -> memref<80x128xf32, #tpu.memory_space<hbm>>
      tpu.wait_dma2 semaphore(%arg7 : memref<!tpu.dma_semaphore, #tpu.memory_space<semaphore_mem>>) src(%dma_wait3A_339 : memref<80x128xf32, #tpu.memory_space<hbm>>) dst(%dma_wait3A_336 : memref<80x128xf32, #tpu.memory_space<vmem>>)
      %dma_wait3A_340 = arith.constant 0 : i32
      %dma_wait3A_341 = arith.constant 0 : i32
      %dma_wait3A_342 = arith.constant 0 : i32
      %dma_wait3A_343 = tpu.memref_slice %arg6[%dma_wait3A_340, %dma_wait3A_341, %dma_wait3A_342] : memref<2x80x128xf32, #tpu.memory_space<vmem>> -> memref<1x80x128xf32, #tpu.memory_space<vmem>>
      %dma_wait3A_344 = tpu.memref_squeeze %dma_wait3A_343 : memref<1x80x128xf32, #tpu.memory_space<vmem>> -> memref<80x128xf32, #tpu.memory_space<vmem>>
      %dma_wait3A_345 = arith.constant 0 : i32
      %dma_wait3A_346 = arith.constant 0 : i32
      %dma_wait3A_347 = tpu.memref_slice %arg2[%dma_wait3A_345, %dma_wait3A_346] : memref<100000x128xf32, #tpu.memory_space<hbm>> -> memref<80x128xf32, #tpu.memory_space<hbm>>
      %dma_wait3A_348 = arith.constant 0 : i32
      %dma_wait3A_349 = arith.constant 0 : i32
      %dma_wait3A_350 = tpu.memref_slice %arg6[%dma_wait3A_340, %dma_wait3A_348, %dma_wait3A_349] : memref<2x80x128xf32, #tpu.memory_space<vmem>> -> memref<1x80x128xf32, #tpu.memory_space<vmem>>
      %dma_wait3A_351 = tpu.memref_squeeze %dma_wait3A_350 : memref<1x80x128xf32, #tpu.memory_space<vmem>> -> memref<80x128xf32, #tpu.memory_space<vmem>>
      %dma_wait3A_352 = arith.constant 0 : i32
      %dma_wait3A_353 = arith.constant 0 : i32
      %dma_wait3A_354 = tpu.memref_slice %arg2[%dma_wait3A_352, %dma_wait3A_353] : memref<100000x128xf32, #tpu.memory_space<hbm>> -> memref<80x128xf32, #tpu.memory_space<hbm>>
      tpu.wait_dma2 semaphore(%arg7 : memref<!tpu.dma_semaphore, #tpu.memory_space<semaphore_mem>>) src(%dma_wait3A_354 : memref<80x128xf32, #tpu.memory_space<hbm>>) dst(%dma_wait3A_351 : memref<80x128xf32, #tpu.memory_space<vmem>>)
      %dma_wait3A_355 = arith.constant 0 : i32
      %dma_wait3A_356 = arith.constant 0 : i32
      %dma_wait3A_357 = arith.constant 0 : i32
      %dma_wait3A_358 = tpu.memref_slice %arg6[%dma_wait3A_355, %dma_wait3A_356, %dma_wait3A_357] : memref<2x80x128xf32, #tpu.memory_space<vmem>> -> memref<1x80x128xf32, #tpu.memory_space<vmem>>
      %dma_wait3A_359 = tpu.memref_squeeze %dma_wait3A_358 : memref<1x80x128xf32, #tpu.memory_space<vmem>> -> memref<80x128xf32, #tpu.memory_space<vmem>>
      %dma_wait3A_360 = arith.constant 0 : i32
      %dma_wait3A_361 = arith.constant 0 : i32
      %dma_wait3A_362 = tpu.memref_slice %arg2[%dma_wait3A_360, %dma_wait3A_361] : memref<100000x128xf32, #tpu.memory_space<hbm>> -> memref<80x128xf32, #tpu.memory_space<hbm>>
      %dma_wait3A_363 = arith.constant 0 : i32
      %dma_wait3A_364 = arith.constant 0 : i32
      %dma_wait3A_365 = tpu.memref_slice %arg6[%dma_wait3A_355, %dma_wait3A_363, %dma_wait3A_364] : memref<2x80x128xf32, #tpu.memory_space<vmem>> -> memref<1x80x128xf32, #tpu.memory_space<vmem>>
      %dma_wait3A_366 = tpu.memref_squeeze %dma_wait3A_365 : memref<1x80x128xf32, #tpu.memory_space<vmem>> -> memref<80x128xf32, #tpu.memory_space<vmem>>
      %dma_wait3A_367 = arith.constant 0 : i32
      %dma_wait3A_368 = arith.constant 0 : i32
      %dma_wait3A_369 = tpu.memref_slice %arg2[%dma_wait3A_367, %dma_wait3A_368] : memref<100000x128xf32, #tpu.memory_space<hbm>> -> memref<80x128xf32, #tpu.memory_space<hbm>>
      tpu.wait_dma2 semaphore(%arg7 : memref<!tpu.dma_semaphore, #tpu.memory_space<semaphore_mem>>) src(%dma_wait3A_369 : memref<80x128xf32, #tpu.memory_space<hbm>>) dst(%dma_wait3A_366 : memref<80x128xf32, #tpu.memory_space<vmem>>)
      %dma_wait3A_370 = arith.constant 0 : i32
      %dma_wait3A_371 = arith.constant 0 : i32
      %dma_wait3A_372 = arith.constant 0 : i32
      %dma_wait3A_373 = tpu.memref_slice %arg6[%dma_wait3A_370, %dma_wait3A_371, %dma_wait3A_372] : memref<2x80x128xf32, #tpu.memory_space<vmem>> -> memref<1x80x128xf32, #tpu.memory_space<vmem>>
      %dma_wait3A_374 = tpu.memref_squeeze %dma_wait3A_373 : memref<1x80x128xf32, #tpu.memory_space<vmem>> -> memref<80x128xf32, #tpu.memory_space<vmem>>
      %dma_wait3A_375 = arith.constant 0 : i32
      %dma_wait3A_376 = arith.constant 0 : i32
      %dma_wait3A_377 = tpu.memref_slice %arg2[%dma_wait3A_375, %dma_wait3A_376] : memref<100000x128xf32, #tpu.memory_space<hbm>> -> memref<80x128xf32, #tpu.memory_space<hbm>>
      %dma_wait3A_378 = arith.constant 0 : i32
      %dma_wait3A_379 = arith.constant 0 : i32
      %dma_wait3A_380 = tpu.memref_slice %arg6[%dma_wait3A_370, %dma_wait3A_378, %dma_wait3A_379] : memref<2x80x128xf32, #tpu.memory_space<vmem>> -> memref<1x80x128xf32, #tpu.memory_space<vmem>>
      %dma_wait3A_381 = tpu.memref_squeeze %dma_wait3A_380 : memref<1x80x128xf32, #tpu.memory_space<vmem>> -> memref<80x128xf32, #tpu.memory_space<vmem>>
      %dma_wait3A_382 = arith.constant 0 : i32
      %dma_wait3A_383 = arith.constant 0 : i32
      %dma_wait3A_384 = tpu.memref_slice %arg2[%dma_wait3A_382, %dma_wait3A_383] : memref<100000x128xf32, #tpu.memory_space<hbm>> -> memref<80x128xf32, #tpu.memory_space<hbm>>
      tpu.wait_dma2 semaphore(%arg7 : memref<!tpu.dma_semaphore, #tpu.memory_space<semaphore_mem>>) src(%dma_wait3A_384 : memref<80x128xf32, #tpu.memory_space<hbm>>) dst(%dma_wait3A_381 : memref<80x128xf32, #tpu.memory_space<vmem>>)
      %dma_wait3A_385 = arith.constant 0 : i32
      %dma_wait3A_386 = arith.constant 0 : i32
      %dma_wait3A_387 = arith.constant 0 : i32
      %dma_wait3A_388 = tpu.memref_slice %arg6[%dma_wait3A_385, %dma_wait3A_386, %dma_wait3A_387] : memref<2x80x128xf32, #tpu.memory_space<vmem>> -> memref<1x80x128xf32, #tpu.memory_space<vmem>>
      %dma_wait3A_389 = tpu.memref_squeeze %dma_wait3A_388 : memref<1x80x128xf32, #tpu.memory_space<vmem>> -> memref<80x128xf32, #tpu.memory_space<vmem>>
      %dma_wait3A_390 = arith.constant 0 : i32
      %dma_wait3A_391 = arith.constant 0 : i32
      %dma_wait3A_392 = tpu.memref_slice %arg2[%dma_wait3A_390, %dma_wait3A_391] : memref<100000x128xf32, #tpu.memory_space<hbm>> -> memref<80x128xf32, #tpu.memory_space<hbm>>
      %dma_wait3A_393 = arith.constant 0 : i32
      %dma_wait3A_394 = arith.constant 0 : i32
      %dma_wait3A_395 = tpu.memref_slice %arg6[%dma_wait3A_385, %dma_wait3A_393, %dma_wait3A_394] : memref<2x80x128xf32, #tpu.memory_space<vmem>> -> memref<1x80x128xf32, #tpu.memory_space<vmem>>
      %dma_wait3A_396 = tpu.memref_squeeze %dma_wait3A_395 : memref<1x80x128xf32, #tpu.memory_space<vmem>> -> memref<80x128xf32, #tpu.memory_space<vmem>>
      %dma_wait3A_397 = arith.constant 0 : i32
      %dma_wait3A_398 = arith.constant 0 : i32
      %dma_wait3A_399 = tpu.memref_slice %arg2[%dma_wait3A_397, %dma_wait3A_398] : memref<100000x128xf32, #tpu.memory_space<hbm>> -> memref<80x128xf32, #tpu.memory_space<hbm>>
      tpu.wait_dma2 semaphore(%arg7 : memref<!tpu.dma_semaphore, #tpu.memory_space<semaphore_mem>>) src(%dma_wait3A_399 : memref<80x128xf32, #tpu.memory_space<hbm>>) dst(%dma_wait3A_396 : memref<80x128xf32, #tpu.memory_space<vmem>>)
      %dma_wait3A_400 = arith.constant 0 : i32
      %dma_wait3A_401 = arith.constant 0 : i32
      %dma_wait3A_402 = arith.constant 0 : i32
      %dma_wait3A_403 = tpu.memref_slice %arg6[%dma_wait3A_400, %dma_wait3A_401, %dma_wait3A_402] : memref<2x80x128xf32, #tpu.memory_space<vmem>> -> memref<1x80x128xf32, #tpu.memory_space<vmem>>
      %dma_wait3A_404 = tpu.memref_squeeze %dma_wait3A_403 : memref<1x80x128xf32, #tpu.memory_space<vmem>> -> memref<80x128xf32, #tpu.memory_space<vmem>>
      %dma_wait3A_405 = arith.constant 0 : i32
      %dma_wait3A_406 = arith.constant 0 : i32
      %dma_wait3A_407 = tpu.memref_slice %arg2[%dma_wait3A_405, %dma_wait3A_406] : memref<100000x128xf32, #tpu.memory_space<hbm>> -> memref<80x128xf32, #tpu.memory_space<hbm>>
      %dma_wait3A_408 = arith.constant 0 : i32
      %dma_wait3A_409 = arith.constant 0 : i32
      %dma_wait3A_410 = tpu.memref_slice %arg6[%dma_wait3A_400, %dma_wait3A_408, %dma_wait3A_409] : memref<2x80x128xf32, #tpu.memory_space<vmem>> -> memref<1x80x128xf32, #tpu.memory_space<vmem>>
      %dma_wait3A_411 = tpu.memref_squeeze %dma_wait3A_410 : memref<1x80x128xf32, #tpu.memory_space<vmem>> -> memref<80x128xf32, #tpu.memory_space<vmem>>
      %dma_wait3A_412 = arith.constant 0 : i32
      %dma_wait3A_413 = arith.constant 0 : i32
      %dma_wait3A_414 = tpu.memref_slice %arg2[%dma_wait3A_412, %dma_wait3A_413] : memref<100000x128xf32, #tpu.memory_space<hbm>> -> memref<80x128xf32, #tpu.memory_space<hbm>>
      tpu.wait_dma2 semaphore(%arg7 : memref<!tpu.dma_semaphore, #tpu.memory_space<semaphore_mem>>) src(%dma_wait3A_414 : memref<80x128xf32, #tpu.memory_space<hbm>>) dst(%dma_wait3A_411 : memref<80x128xf32, #tpu.memory_space<vmem>>)
      %dma_wait3A_415 = arith.constant 0 : i32
      %dma_wait3A_416 = arith.constant 0 : i32
      %dma_wait3A_417 = arith.constant 0 : i32
      %dma_wait3A_418 = tpu.memref_slice %arg6[%dma_wait3A_415, %dma_wait3A_416, %dma_wait3A_417] : memref<2x80x128xf32, #tpu.memory_space<vmem>> -> memref<1x80x128xf32, #tpu.memory_space<vmem>>
      %dma_wait3A_419 = tpu.memref_squeeze %dma_wait3A_418 : memref<1x80x128xf32, #tpu.memory_space<vmem>> -> memref<80x128xf32, #tpu.memory_space<vmem>>
      %dma_wait3A_420 = arith.constant 0 : i32
      %dma_wait3A_421 = arith.constant 0 : i32
      %dma_wait3A_422 = tpu.memref_slice %arg2[%dma_wait3A_420, %dma_wait3A_421] : memref<100000x128xf32, #tpu.memory_space<hbm>> -> memref<80x128xf32, #tpu.memory_space<hbm>>
      %dma_wait3A_423 = arith.constant 0 : i32
      %dma_wait3A_424 = arith.constant 0 : i32
      %dma_wait3A_425 = tpu.memref_slice %arg6[%dma_wait3A_415, %dma_wait3A_423, %dma_wait3A_424] : memref<2x80x128xf32, #tpu.memory_space<vmem>> -> memref<1x80x128xf32, #tpu.memory_space<vmem>>
      %dma_wait3A_426 = tpu.memref_squeeze %dma_wait3A_425 : memref<1x80x128xf32, #tpu.memory_space<vmem>> -> memref<80x128xf32, #tpu.memory_space<vmem>>
      %dma_wait3A_427 = arith.constant 0 : i32
      %dma_wait3A_428 = arith.constant 0 : i32
      %dma_wait3A_429 = tpu.memref_slice %arg2[%dma_wait3A_427, %dma_wait3A_428] : memref<100000x128xf32, #tpu.memory_space<hbm>> -> memref<80x128xf32, #tpu.memory_space<hbm>>
      tpu.wait_dma2 semaphore(%arg7 : memref<!tpu.dma_semaphore, #tpu.memory_space<semaphore_mem>>) src(%dma_wait3A_429 : memref<80x128xf32, #tpu.memory_space<hbm>>) dst(%dma_wait3A_426 : memref<80x128xf32, #tpu.memory_space<vmem>>)
      %dma_wait3A_430 = arith.constant 0 : i32
      %dma_wait3A_431 = arith.constant 0 : i32
      %dma_wait3A_432 = arith.constant 0 : i32
      %dma_wait3A_433 = tpu.memref_slice %arg6[%dma_wait3A_430, %dma_wait3A_431, %dma_wait3A_432] : memref<2x80x128xf32, #tpu.memory_space<vmem>> -> memref<1x80x128xf32, #tpu.memory_space<vmem>>
      %dma_wait3A_434 = tpu.memref_squeeze %dma_wait3A_433 : memref<1x80x128xf32, #tpu.memory_space<vmem>> -> memref<80x128xf32, #tpu.memory_space<vmem>>
      %dma_wait3A_435 = arith.constant 0 : i32
      %dma_wait3A_436 = arith.constant 0 : i32
      %dma_wait3A_437 = tpu.memref_slice %arg2[%dma_wait3A_435, %dma_wait3A_436] : memref<100000x128xf32, #tpu.memory_space<hbm>> -> memref<80x128xf32, #tpu.memory_space<hbm>>
      %dma_wait3A_438 = arith.constant 0 : i32
      %dma_wait3A_439 = arith.constant 0 : i32
      %dma_wait3A_440 = tpu.memref_slice %arg6[%dma_wait3A_430, %dma_wait3A_438, %dma_wait3A_439] : memref<2x80x128xf32, #tpu.memory_space<vmem>> -> memref<1x80x128xf32, #tpu.memory_space<vmem>>
      %dma_wait3A_441 = tpu.memref_squeeze %dma_wait3A_440 : memref<1x80x128xf32, #tpu.memory_space<vmem>> -> memref<80x128xf32, #tpu.memory_space<vmem>>
      %dma_wait3A_442 = arith.constant 0 : i32
      %dma_wait3A_443 = arith.constant 0 : i32
      %dma_wait3A_444 = tpu.memref_slice %arg2[%dma_wait3A_442, %dma_wait3A_443] : memref<100000x128xf32, #tpu.memory_space<hbm>> -> memref<80x128xf32, #tpu.memory_space<hbm>>
      tpu.wait_dma2 semaphore(%arg7 : memref<!tpu.dma_semaphore, #tpu.memory_space<semaphore_mem>>) src(%dma_wait3A_444 : memref<80x128xf32, #tpu.memory_space<hbm>>) dst(%dma_wait3A_441 : memref<80x128xf32, #tpu.memory_space<vmem>>)
      %dma_wait3A_445 = arith.constant 0 : i32
      %dma_wait3A_446 = arith.constant 0 : i32
      %dma_wait3A_447 = arith.constant 0 : i32
      %dma_wait3A_448 = tpu.memref_slice %arg6[%dma_wait3A_445, %dma_wait3A_446, %dma_wait3A_447] : memref<2x80x128xf32, #tpu.memory_space<vmem>> -> memref<1x80x128xf32, #tpu.memory_space<vmem>>
      %dma_wait3A_449 = tpu.memref_squeeze %dma_wait3A_448 : memref<1x80x128xf32, #tpu.memory_space<vmem>> -> memref<80x128xf32, #tpu.memory_space<vmem>>
      %dma_wait3A_450 = arith.constant 0 : i32
      %dma_wait3A_451 = arith.constant 0 : i32
      %dma_wait3A_452 = tpu.memref_slice %arg2[%dma_wait3A_450, %dma_wait3A_451] : memref<100000x128xf32, #tpu.memory_space<hbm>> -> memref<80x128xf32, #tpu.memory_space<hbm>>
      %dma_wait3A_453 = arith.constant 0 : i32
      %dma_wait3A_454 = arith.constant 0 : i32
      %dma_wait3A_455 = tpu.memref_slice %arg6[%dma_wait3A_445, %dma_wait3A_453, %dma_wait3A_454] : memref<2x80x128xf32, #tpu.memory_space<vmem>> -> memref<1x80x128xf32, #tpu.memory_space<vmem>>
      %dma_wait3A_456 = tpu.memref_squeeze %dma_wait3A_455 : memref<1x80x128xf32, #tpu.memory_space<vmem>> -> memref<80x128xf32, #tpu.memory_space<vmem>>
      %dma_wait3A_457 = arith.constant 0 : i32
      %dma_wait3A_458 = arith.constant 0 : i32
      %dma_wait3A_459 = tpu.memref_slice %arg2[%dma_wait3A_457, %dma_wait3A_458] : memref<100000x128xf32, #tpu.memory_space<hbm>> -> memref<80x128xf32, #tpu.memory_space<hbm>>
      tpu.wait_dma2 semaphore(%arg7 : memref<!tpu.dma_semaphore, #tpu.memory_space<semaphore_mem>>) src(%dma_wait3A_459 : memref<80x128xf32, #tpu.memory_space<hbm>>) dst(%dma_wait3A_456 : memref<80x128xf32, #tpu.memory_space<vmem>>)
      %scan3A_460 = arith.constant 0 : i32
      %scan3A_461 = arith.constant 0 : i32
      %scan3A_462 = arith.constant 80 : i32
      %scan3A_463 = arith.addi %scan3A_461, %scan3A_462 : i32
      %scan3A_464 = arith.constant 1 : i32
      scf.for %scan3A_635 = %scan3A_461 to %scan3A_463 step %scan3A_464  : i32 {
        %get3A = arith.constant 0 : i32
        %get3A_636 = arith.index_cast %get3A : i32 to index
        %get3A_637 = arith.index_cast %scan3A_635 : i32 to index
        %get3A_638 = arith.constant 0 : index
        %get3A_639 = tpu.vector_load %arg6[%get3A_636, %get3A_637, %get3A_638] {strides = array<i32>} : memref<2x80x128xf32, #tpu.memory_space<vmem>>, vector<1x1x16xf32>,
        %get3A_640 = vector.shape_cast %get3A_639 : vector<1x1x16xf32> to vector<16xf32>
        %mul3A_641 = arith.constant 1.000000e-01 : f32
        %mul3A_642 = vector.broadcast %mul3A_641 : f32 to vector<16xf32>
        %mul3A_643 = arith.mulf %get3A_640, %mul3A_642 : vector<16xf32>
        %swap3A = arith.constant 0 : i32
        %swap3A_644 = arith.index_cast %swap3A : i32 to index
        %swap3A_645 = arith.index_cast %scan3A_635 : i32 to index
        %swap3A_646 = arith.constant 0 : index
        %swap3A_647 = tpu.vector_load %arg6[%swap3A_644, %swap3A_645, %swap3A_646] {strides = array<i32>} : memref<2x80x128xf32, #tpu.memory_space<vmem>>, vector<1x1x16xf32>,
        %swap3A_648 = vector.shape_cast %swap3A_647 : vector<1x1x16xf32> to vector<16xf32>
        %swap3A_649 = vector.shape_cast %mul3A_643 : vector<16xf32> to vector<1x1x16xf32>
        tpu.vector_store %arg6[%swap3A_644, %swap3A_645, %swap3A_646], %swap3A_649 {strides = array<i32>} : memref<2x80x128xf32, #tpu.memory_space<vmem>>, vector<1x1x16xf32>,
        %get3A_650 = arith.constant 0 : i32
        %get3A_651 = arith.index_cast %get3A_650 : i32 to index
        %get3A_652 = arith.index_cast %scan3A_635 : i32 to index
        %get3A_653 = arith.constant 16 : index
        %get3A_654 = tpu.vector_load %arg6[%get3A_651, %get3A_652, %get3A_653] {strides = array<i32>} : memref<2x80x128xf32, #tpu.memory_space<vmem>>, vector<1x1x16xf32>,
        %get3A_655 = vector.shape_cast %get3A_654 : vector<1x1x16xf32> to vector<16xf32>
        %mul3A_656 = arith.constant 1.000000e-01 : f32
        %mul3A_657 = vector.broadcast %mul3A_656 : f32 to vector<16xf32>
        %mul3A_658 = arith.mulf %get3A_655, %mul3A_657 : vector<16xf32>
        %swap3A_659 = arith.constant 0 : i32
        %swap3A_660 = arith.index_cast %swap3A_659 : i32 to index
        %swap3A_661 = arith.index_cast %scan3A_635 : i32 to index
        %swap3A_662 = arith.constant 16 : index
        %swap3A_663 = tpu.vector_load %arg6[%swap3A_660, %swap3A_661, %swap3A_662] {strides = array<i32>} : memref<2x80x128xf32, #tpu.memory_space<vmem>>, vector<1x1x16xf32>,
        %swap3A_664 = vector.shape_cast %swap3A_663 : vector<1x1x16xf32> to vector<16xf32>
        %swap3A_665 = vector.shape_cast %mul3A_658 : vector<16xf32> to vector<1x1x16xf32>
        tpu.vector_store %arg6[%swap3A_660, %swap3A_661, %swap3A_662], %swap3A_665 {strides = array<i32>} : memref<2x80x128xf32, #tpu.memory_space<vmem>>, vector<1x1x16xf32>,
        %get3A_666 = arith.constant 0 : i32
        %get3A_667 = arith.index_cast %get3A_666 : i32 to index
        %get3A_668 = arith.index_cast %scan3A_635 : i32 to index
        %get3A_669 = arith.constant 32 : index
        %get3A_670 = tpu.vector_load %arg6[%get3A_667, %get3A_668, %get3A_669] {strides = array<i32>} : memref<2x80x128xf32, #tpu.memory_space<vmem>>, vector<1x1x16xf32>,
        %get3A_671 = vector.shape_cast %get3A_670 : vector<1x1x16xf32> to vector<16xf32>
        %mul3A_672 = arith.constant 1.000000e-01 : f32
        %mul3A_673 = vector.broadcast %mul3A_672 : f32 to vector<16xf32>
        %mul3A_674 = arith.mulf %get3A_671, %mul3A_673 : vector<16xf32>
        %swap3A_675 = arith.constant 0 : i32
        %swap3A_676 = arith.index_cast %swap3A_675 : i32 to index
        %swap3A_677 = arith.index_cast %scan3A_635 : i32 to index
        %swap3A_678 = arith.constant 32 : index
        %swap3A_679 = tpu.vector_load %arg6[%swap3A_676, %swap3A_677, %swap3A_678] {strides = array<i32>} : memref<2x80x128xf32, #tpu.memory_space<vmem>>, vector<1x1x16xf32>,
        %swap3A_680 = vector.shape_cast %swap3A_679 : vector<1x1x16xf32> to vector<16xf32>
        %swap3A_681 = vector.shape_cast %mul3A_674 : vector<16xf32> to vector<1x1x16xf32>
        tpu.vector_store %arg6[%swap3A_676, %swap3A_677, %swap3A_678], %swap3A_681 {strides = array<i32>} : memref<2x80x128xf32, #tpu.memory_space<vmem>>, vector<1x1x16xf32>,
        %get3A_682 = arith.constant 0 : i32
        %get3A_683 = arith.index_cast %get3A_682 : i32 to index
        %get3A_684 = arith.index_cast %scan3A_635 : i32 to index
        %get3A_685 = arith.constant 48 : index
        %get3A_686 = tpu.vector_load %arg6[%get3A_683, %get3A_684, %get3A_685] {strides = array<i32>} : memref<2x80x128xf32, #tpu.memory_space<vmem>>, vector<1x1x16xf32>,
        %get3A_687 = vector.shape_cast %get3A_686 : vector<1x1x16xf32> to vector<16xf32>
        %mul3A_688 = arith.constant 1.000000e-01 : f32
        %mul3A_689 = vector.broadcast %mul3A_688 : f32 to vector<16xf32>
        %mul3A_690 = arith.mulf %get3A_687, %mul3A_689 : vector<16xf32>
        %swap3A_691 = arith.constant 0 : i32
        %swap3A_692 = arith.index_cast %swap3A_691 : i32 to index
        %swap3A_693 = arith.index_cast %scan3A_635 : i32 to index
        %swap3A_694 = arith.constant 48 : index
        %swap3A_695 = tpu.vector_load %arg6[%swap3A_692, %swap3A_693, %swap3A_694] {strides = array<i32>} : memref<2x80x128xf32, #tpu.memory_space<vmem>>, vector<1x1x16xf32>,
        %swap3A_696 = vector.shape_cast %swap3A_695 : vector<1x1x16xf32> to vector<16xf32>
        %swap3A_697 = vector.shape_cast %mul3A_690 : vector<16xf32> to vector<1x1x16xf32>
        tpu.vector_store %arg6[%swap3A_692, %swap3A_693, %swap3A_694], %swap3A_697 {strides = array<i32>} : memref<2x80x128xf32, #tpu.memory_space<vmem>>, vector<1x1x16xf32>,
        %get3A_698 = arith.constant 0 : i32
        %get3A_699 = arith.index_cast %get3A_698 : i32 to index
        %get3A_700 = arith.index_cast %scan3A_635 : i32 to index
        %get3A_701 = arith.constant 64 : index
        %get3A_702 = tpu.vector_load %arg6[%get3A_699, %get3A_700, %get3A_701] {strides = array<i32>} : memref<2x80x128xf32, #tpu.memory_space<vmem>>, vector<1x1x16xf32>,
        %get3A_703 = vector.shape_cast %get3A_702 : vector<1x1x16xf32> to vector<16xf32>
        %mul3A_704 = arith.constant 1.000000e-01 : f32
        %mul3A_705 = vector.broadcast %mul3A_704 : f32 to vector<16xf32>
        %mul3A_706 = arith.mulf %get3A_703, %mul3A_705 : vector<16xf32>
        %swap3A_707 = arith.constant 0 : i32
        %swap3A_708 = arith.index_cast %swap3A_707 : i32 to index
        %swap3A_709 = arith.index_cast %scan3A_635 : i32 to index
        %swap3A_710 = arith.constant 64 : index
        %swap3A_711 = tpu.vector_load %arg6[%swap3A_708, %swap3A_709, %swap3A_710] {strides = array<i32>} : memref<2x80x128xf32, #tpu.memory_space<vmem>>, vector<1x1x16xf32>,
        %swap3A_712 = vector.shape_cast %swap3A_711 : vector<1x1x16xf32> to vector<16xf32>
        %swap3A_713 = vector.shape_cast %mul3A_706 : vector<16xf32> to vector<1x1x16xf32>
        tpu.vector_store %arg6[%swap3A_708, %swap3A_709, %swap3A_710], %swap3A_713 {strides = array<i32>} : memref<2x80x128xf32, #tpu.memory_space<vmem>>, vector<1x1x16xf32>,
        %get3A_714 = arith.constant 0 : i32
        %get3A_715 = arith.index_cast %get3A_714 : i32 to index
        %get3A_716 = arith.index_cast %scan3A_635 : i32 to index
        %get3A_717 = arith.constant 80 : index
        %get3A_718 = tpu.vector_load %arg6[%get3A_715, %get3A_716, %get3A_717] {strides = array<i32>} : memref<2x80x128xf32, #tpu.memory_space<vmem>>, vector<1x1x16xf32>,
        %get3A_719 = vector.shape_cast %get3A_718 : vector<1x1x16xf32> to vector<16xf32>
        %mul3A_720 = arith.constant 1.000000e-01 : f32
        %mul3A_721 = vector.broadcast %mul3A_720 : f32 to vector<16xf32>
        %mul3A_722 = arith.mulf %get3A_719, %mul3A_721 : vector<16xf32>
        %swap3A_723 = arith.constant 0 : i32
        %swap3A_724 = arith.index_cast %swap3A_723 : i32 to index
        %swap3A_725 = arith.index_cast %scan3A_635 : i32 to index
        %swap3A_726 = arith.constant 80 : index
        %swap3A_727 = tpu.vector_load %arg6[%swap3A_724, %swap3A_725, %swap3A_726] {strides = array<i32>} : memref<2x80x128xf32, #tpu.memory_space<vmem>>, vector<1x1x16xf32>,
        %swap3A_728 = vector.shape_cast %swap3A_727 : vector<1x1x16xf32> to vector<16xf32>
        %swap3A_729 = vector.shape_cast %mul3A_722 : vector<16xf32> to vector<1x1x16xf32>
        tpu.vector_store %arg6[%swap3A_724, %swap3A_725, %swap3A_726], %swap3A_729 {strides = array<i32>} : memref<2x80x128xf32, #tpu.memory_space<vmem>>, vector<1x1x16xf32>,
        %get3A_730 = arith.constant 0 : i32
        %get3A_731 = arith.index_cast %get3A_730 : i32 to index
        %get3A_732 = arith.index_cast %scan3A_635 : i32 to index
        %get3A_733 = arith.constant 96 : index
        %get3A_734 = tpu.vector_load %arg6[%get3A_731, %get3A_732, %get3A_733] {strides = array<i32>} : memref<2x80x128xf32, #tpu.memory_space<vmem>>, vector<1x1x16xf32>,
        %get3A_735 = vector.shape_cast %get3A_734 : vector<1x1x16xf32> to vector<16xf32>
        %mul3A_736 = arith.constant 1.000000e-01 : f32
        %mul3A_737 = vector.broadcast %mul3A_736 : f32 to vector<16xf32>
        %mul3A_738 = arith.mulf %get3A_735, %mul3A_737 : vector<16xf32>
        %swap3A_739 = arith.constant 0 : i32
        %swap3A_740 = arith.index_cast %swap3A_739 : i32 to index
        %swap3A_741 = arith.index_cast %scan3A_635 : i32 to index
        %swap3A_742 = arith.constant 96 : index
        %swap3A_743 = tpu.vector_load %arg6[%swap3A_740, %swap3A_741, %swap3A_742] {strides = array<i32>} : memref<2x80x128xf32, #tpu.memory_space<vmem>>, vector<1x1x16xf32>,
        %swap3A_744 = vector.shape_cast %swap3A_743 : vector<1x1x16xf32> to vector<16xf32>
        %swap3A_745 = vector.shape_cast %mul3A_738 : vector<16xf32> to vector<1x1x16xf32>
        tpu.vector_store %arg6[%swap3A_740, %swap3A_741, %swap3A_742], %swap3A_745 {strides = array<i32>} : memref<2x80x128xf32, #tpu.memory_space<vmem>>, vector<1x1x16xf32>,
        %get3A_746 = arith.constant 0 : i32
        %get3A_747 = arith.index_cast %get3A_746 : i32 to index
        %get3A_748 = arith.index_cast %scan3A_635 : i32 to index
        %get3A_749 = arith.constant 112 : index
        %get3A_750 = tpu.vector_load %arg6[%get3A_747, %get3A_748, %get3A_749] {strides = array<i32>} : memref<2x80x128xf32, #tpu.memory_space<vmem>>, vector<1x1x16xf32>,
        %get3A_751 = vector.shape_cast %get3A_750 : vector<1x1x16xf32> to vector<16xf32>
        %mul3A_752 = arith.constant 1.000000e-01 : f32
        %mul3A_753 = vector.broadcast %mul3A_752 : f32 to vector<16xf32>
        %mul3A_754 = arith.mulf %get3A_751, %mul3A_753 : vector<16xf32>
        %swap3A_755 = arith.constant 0 : i32
        %swap3A_756 = arith.index_cast %swap3A_755 : i32 to index
        %swap3A_757 = arith.index_cast %scan3A_635 : i32 to index
        %swap3A_758 = arith.constant 112 : index
        %swap3A_759 = tpu.vector_load %arg6[%swap3A_756, %swap3A_757, %swap3A_758] {strides = array<i32>} : memref<2x80x128xf32, #tpu.memory_space<vmem>>, vector<1x1x16xf32>,
        %swap3A_760 = vector.shape_cast %swap3A_759 : vector<1x1x16xf32> to vector<16xf32>
        %swap3A_761 = vector.shape_cast %mul3A_754 : vector<16xf32> to vector<1x1x16xf32>
        tpu.vector_store %arg6[%swap3A_756, %swap3A_757, %swap3A_758], %swap3A_761 {strides = array<i32>} : memref<2x80x128xf32, #tpu.memory_space<vmem>>, vector<1x1x16xf32>,
      }
      %scan3A_465 = arith.constant 80 : i32
      %mul3A_466 = arith.constant 80 : i32
      %mul3A_467 = arith.muli %mul3A_162, %mul3A_466 : i32
      %add3A_468 = arith.addi %mul3A_12, %mul3A_467 : i32
      %run_scoped3A = arith.constant 0 : i32
      "tpu.region"() ({
        %run_scoped3A_635 = tpu.sem_alloc : memref<!tpu.dma_semaphore, #tpu.memory_space<semaphore_mem>>
        %dma_start3A_636 = arith.constant 0 : i32
        %dma_start3A_637 = arith.constant 0 : i32
        %dma_start3A_638 = tpu.memref_slice %arg6[%run_scoped3A, %dma_start3A_636, %dma_start3A_637] : memref<2x80x128xf32, #tpu.memory_space<vmem>> -> memref<1x80x128xf32, #tpu.memory_space<vmem>>
        %dma_start3A_639 = tpu.memref_squeeze %dma_start3A_638 : memref<1x80x128xf32, #tpu.memory_space<vmem>> -> memref<80x128xf32, #tpu.memory_space<vmem>>
        %dma_start3A_640 = arith.constant 0 : i32
        %dma_start3A_641 = tpu.memref_slice %arg4[%add3A_468, %dma_start3A_640] : memref<100000x128xf32, #tpu.memory_space<hbm>> -> memref<80x128xf32, #tpu.memory_space<hbm>>
        %dma_start3A_642 = arith.constant 0 : i32
        %dma_start3A_643 = tpu.memref_slice %arg4[%add3A_468, %dma_start3A_642] : memref<100000x128xf32, #tpu.memory_space<hbm>> -> memref<80x128xf32, #tpu.memory_space<hbm>>
        %dma_start3A_644 = arith.constant 0 : i32
        %dma_start3A_645 = arith.constant 0 : i32
        %dma_start3A_646 = tpu.memref_slice %arg6[%run_scoped3A, %dma_start3A_644, %dma_start3A_645] : memref<2x80x128xf32, #tpu.memory_space<vmem>> -> memref<1x80x128xf32, #tpu.memory_space<vmem>>
        %dma_start3A_647 = tpu.memref_squeeze %dma_start3A_646 : memref<1x80x128xf32, #tpu.memory_space<vmem>> -> memref<80x128xf32, #tpu.memory_space<vmem>>
        tpu.enqueue_dma source(%dma_start3A_647 : memref<80x128xf32, #tpu.memory_space<vmem>>) target(%dma_start3A_643 : memref<80x128xf32, #tpu.memory_space<hbm>>) target_semaphore(%run_scoped3A_635 : memref<!tpu.dma_semaphore, #tpu.memory_space<semaphore_mem>>)
        %dma_wait3A_648 = arith.constant 0 : i32
        %dma_wait3A_649 = arith.constant 0 : i32
        %dma_wait3A_650 = tpu.memref_slice %arg6[%run_scoped3A, %dma_wait3A_648, %dma_wait3A_649] : memref<2x80x128xf32, #tpu.memory_space<vmem>> -> memref<1x80x128xf32, #tpu.memory_space<vmem>>
        %dma_wait3A_651 = tpu.memref_squeeze %dma_wait3A_650 : memref<1x80x128xf32, #tpu.memory_space<vmem>> -> memref<80x128xf32, #tpu.memory_space<vmem>>
        %dma_wait3A_652 = arith.constant 0 : i32
        %dma_wait3A_653 = tpu.memref_slice %arg4[%add3A_468, %dma_wait3A_652] : memref<100000x128xf32, #tpu.memory_space<hbm>> -> memref<80x128xf32, #tpu.memory_space<hbm>>
        %dma_wait3A_654 = arith.constant 0 : i32
        %dma_wait3A_655 = tpu.memref_slice %arg4[%add3A_468, %dma_wait3A_654] : memref<100000x128xf32, #tpu.memory_space<hbm>> -> memref<80x128xf32, #tpu.memory_space<hbm>>
        %dma_wait3A_656 = arith.constant 0 : i32
        %dma_wait3A_657 = arith.constant 0 : i32
        %dma_wait3A_658 = tpu.memref_slice %arg6[%run_scoped3A, %dma_wait3A_656, %dma_wait3A_657] : memref<2x80x128xf32, #tpu.memory_space<vmem>> -> memref<1x80x128xf32, #tpu.memory_space<vmem>>
        %dma_wait3A_659 = tpu.memref_squeeze %dma_wait3A_658 : memref<1x80x128xf32, #tpu.memory_space<vmem>> -> memref<80x128xf32, #tpu.memory_space<vmem>>
        tpu.wait_dma2 semaphore(%run_scoped3A_635 : memref<!tpu.dma_semaphore, #tpu.memory_space<semaphore_mem>>) src(%dma_wait3A_659 : memref<80x128xf32, #tpu.memory_space<vmem>>) dst(%dma_wait3A_655 : memref<80x128xf32, #tpu.memory_space<hbm>>)
        tpu.yield
      }) : () -> ()
      %sub3A_469 = arith.constant 1 : i32
      %sub3A_470 = arith.subi %select_n3A, %sub3A_469 : i32
      %lt3A_471 = arith.cmpi slt, %while3A_160, %sub3A_470 : i32
      %convert_element_type3A = arith.extui %lt3A_471 : i1 to i32
      %cond3A = arith.constant 0 : i32
      %cond3A_472 = arith.cmpi ne, %convert_element_type3A, %cond3A : i32
      scf.if %cond3A_472 {
        %scan3A_635 = arith.constant 0 : i32
        %scan3A_636 = arith.constant 0 : i32
        %scan3A_637 = arith.constant 80 : i32
        %scan3A_638 = arith.addi %scan3A_636, %scan3A_637 : i32
        %scan3A_639 = arith.constant 1 : i32
        scf.for %scan3A_783 = %scan3A_636 to %scan3A_638 step %scan3A_639  : i32 {
          %broadcast_in_dim3A = arith.constant 0.000000e+00 : f32
          %broadcast_in_dim3A_784 = vector.broadcast %broadcast_in_dim3A : f32 to vector<16xf32>
          %swap3A = arith.constant 0 : i32
          %swap3A_785 = arith.index_cast %swap3A : i32 to index
          %swap3A_786 = arith.index_cast %scan3A_783 : i32 to index
          %swap3A_787 = arith.constant 0 : index
          %swap3A_788 = tpu.vector_load %arg6[%swap3A_785, %swap3A_786, %swap3A_787] {strides = array<i32>} : memref<2x80x128xf32, #tpu.memory_space<vmem>>, vector<1x1x16xf32>,
          %swap3A_789 = vector.shape_cast %swap3A_788 : vector<1x1x16xf32> to vector<16xf32>
          %swap3A_790 = vector.shape_cast %broadcast_in_dim3A_784 : vector<16xf32> to vector<1x1x16xf32>
          tpu.vector_store %arg6[%swap3A_785, %swap3A_786, %swap3A_787], %swap3A_790 {strides = array<i32>} : memref<2x80x128xf32, #tpu.memory_space<vmem>>, vector<1x1x16xf32>,
          %broadcast_in_dim3A_791 = arith.constant 0.000000e+00 : f32
          %broadcast_in_dim3A_792 = vector.broadcast %broadcast_in_dim3A_791 : f32 to vector<16xf32>
          %swap3A_793 = arith.constant 0 : i32
          %swap3A_794 = arith.index_cast %swap3A_793 : i32 to index
          %swap3A_795 = arith.index_cast %scan3A_783 : i32 to index
          %swap3A_796 = arith.constant 16 : index
          %swap3A_797 = tpu.vector_load %arg6[%swap3A_794, %swap3A_795, %swap3A_796] {strides = array<i32>} : memref<2x80x128xf32, #tpu.memory_space<vmem>>, vector<1x1x16xf32>,
          %swap3A_798 = vector.shape_cast %swap3A_797 : vector<1x1x16xf32> to vector<16xf32>
          %swap3A_799 = vector.shape_cast %broadcast_in_dim3A_792 : vector<16xf32> to vector<1x1x16xf32>
          tpu.vector_store %arg6[%swap3A_794, %swap3A_795, %swap3A_796], %swap3A_799 {strides = array<i32>} : memref<2x80x128xf32, #tpu.memory_space<vmem>>, vector<1x1x16xf32>,
          %broadcast_in_dim3A_800 = arith.constant 0.000000e+00 : f32
          %broadcast_in_dim3A_801 = vector.broadcast %broadcast_in_dim3A_800 : f32 to vector<16xf32>
          %swap3A_802 = arith.constant 0 : i32
          %swap3A_803 = arith.index_cast %swap3A_802 : i32 to index
          %swap3A_804 = arith.index_cast %scan3A_783 : i32 to index
          %swap3A_805 = arith.constant 32 : index
          %swap3A_806 = tpu.vector_load %arg6[%swap3A_803, %swap3A_804, %swap3A_805] {strides = array<i32>} : memref<2x80x128xf32, #tpu.memory_space<vmem>>, vector<1x1x16xf32>,
          %swap3A_807 = vector.shape_cast %swap3A_806 : vector<1x1x16xf32> to vector<16xf32>
          %swap3A_808 = vector.shape_cast %broadcast_in_dim3A_801 : vector<16xf32> to vector<1x1x16xf32>
          tpu.vector_store %arg6[%swap3A_803, %swap3A_804, %swap3A_805], %swap3A_808 {strides = array<i32>} : memref<2x80x128xf32, #tpu.memory_space<vmem>>, vector<1x1x16xf32>,
          %broadcast_in_dim3A_809 = arith.constant 0.000000e+00 : f32
          %broadcast_in_dim3A_810 = vector.broadcast %broadcast_in_dim3A_809 : f32 to vector<16xf32>
          %swap3A_811 = arith.constant 0 : i32
          %swap3A_812 = arith.index_cast %swap3A_811 : i32 to index
          %swap3A_813 = arith.index_cast %scan3A_783 : i32 to index
          %swap3A_814 = arith.constant 48 : index
          %swap3A_815 = tpu.vector_load %arg6[%swap3A_812, %swap3A_813, %swap3A_814] {strides = array<i32>} : memref<2x80x128xf32, #tpu.memory_space<vmem>>, vector<1x1x16xf32>,
          %swap3A_816 = vector.shape_cast %swap3A_815 : vector<1x1x16xf32> to vector<16xf32>
          %swap3A_817 = vector.shape_cast %broadcast_in_dim3A_810 : vector<16xf32> to vector<1x1x16xf32>
          tpu.vector_store %arg6[%swap3A_812, %swap3A_813, %swap3A_814], %swap3A_817 {strides = array<i32>} : memref<2x80x128xf32, #tpu.memory_space<vmem>>, vector<1x1x16xf32>,
          %broadcast_in_dim3A_818 = arith.constant 0.000000e+00 : f32
          %broadcast_in_dim3A_819 = vector.broadcast %broadcast_in_dim3A_818 : f32 to vector<16xf32>
          %swap3A_820 = arith.constant 0 : i32
          %swap3A_821 = arith.index_cast %swap3A_820 : i32 to index
          %swap3A_822 = arith.index_cast %scan3A_783 : i32 to index
          %swap3A_823 = arith.constant 64 : index
          %swap3A_824 = tpu.vector_load %arg6[%swap3A_821, %swap3A_822, %swap3A_823] {strides = array<i32>} : memref<2x80x128xf32, #tpu.memory_space<vmem>>, vector<1x1x16xf32>,
          %swap3A_825 = vector.shape_cast %swap3A_824 : vector<1x1x16xf32> to vector<16xf32>
          %swap3A_826 = vector.shape_cast %broadcast_in_dim3A_819 : vector<16xf32> to vector<1x1x16xf32>
          tpu.vector_store %arg6[%swap3A_821, %swap3A_822, %swap3A_823], %swap3A_826 {strides = array<i32>} : memref<2x80x128xf32, #tpu.memory_space<vmem>>, vector<1x1x16xf32>,
          %broadcast_in_dim3A_827 = arith.constant 0.000000e+00 : f32
          %broadcast_in_dim3A_828 = vector.broadcast %broadcast_in_dim3A_827 : f32 to vector<16xf32>
          %swap3A_829 = arith.constant 0 : i32
          %swap3A_830 = arith.index_cast %swap3A_829 : i32 to index
          %swap3A_831 = arith.index_cast %scan3A_783 : i32 to index
          %swap3A_832 = arith.constant 80 : index
          %swap3A_833 = tpu.vector_load %arg6[%swap3A_830, %swap3A_831, %swap3A_832] {strides = array<i32>} : memref<2x80x128xf32, #tpu.memory_space<vmem>>, vector<1x1x16xf32>,
          %swap3A_834 = vector.shape_cast %swap3A_833 : vector<1x1x16xf32> to vector<16xf32>
          %swap3A_835 = vector.shape_cast %broadcast_in_dim3A_828 : vector<16xf32> to vector<1x1x16xf32>
          tpu.vector_store %arg6[%swap3A_830, %swap3A_831, %swap3A_832], %swap3A_835 {strides = array<i32>} : memref<2x80x128xf32, #tpu.memory_space<vmem>>, vector<1x1x16xf32>,
          %broadcast_in_dim3A_836 = arith.constant 0.000000e+00 : f32
          %broadcast_in_dim3A_837 = vector.broadcast %broadcast_in_dim3A_836 : f32 to vector<16xf32>
          %swap3A_838 = arith.constant 0 : i32
          %swap3A_839 = arith.index_cast %swap3A_838 : i32 to index
          %swap3A_840 = arith.index_cast %scan3A_783 : i32 to index
          %swap3A_841 = arith.constant 96 : index
          %swap3A_842 = tpu.vector_load %arg6[%swap3A_839, %swap3A_840, %swap3A_841] {strides = array<i32>} : memref<2x80x128xf32, #tpu.memory_space<vmem>>, vector<1x1x16xf32>,
          %swap3A_843 = vector.shape_cast %swap3A_842 : vector<1x1x16xf32> to vector<16xf32>
          %swap3A_844 = vector.shape_cast %broadcast_in_dim3A_837 : vector<16xf32> to vector<1x1x16xf32>
          tpu.vector_store %arg6[%swap3A_839, %swap3A_840, %swap3A_841], %swap3A_844 {strides = array<i32>} : memref<2x80x128xf32, #tpu.memory_space<vmem>>, vector<1x1x16xf32>,
          %broadcast_in_dim3A_845 = arith.constant 0.000000e+00 : f32
          %broadcast_in_dim3A_846 = vector.broadcast %broadcast_in_dim3A_845 : f32 to vector<16xf32>
          %swap3A_847 = arith.constant 0 : i32
          %swap3A_848 = arith.index_cast %swap3A_847 : i32 to index
          %swap3A_849 = arith.index_cast %scan3A_783 : i32 to index
          %swap3A_850 = arith.constant 112 : index
          %swap3A_851 = tpu.vector_load %arg6[%swap3A_848, %swap3A_849, %swap3A_850] {strides = array<i32>} : memref<2x80x128xf32, #tpu.memory_space<vmem>>, vector<1x1x16xf32>,
          %swap3A_852 = vector.shape_cast %swap3A_851 : vector<1x1x16xf32> to vector<16xf32>
          %swap3A_853 = vector.shape_cast %broadcast_in_dim3A_846 : vector<16xf32> to vector<1x1x16xf32>
          tpu.vector_store %arg6[%swap3A_848, %swap3A_849, %swap3A_850], %swap3A_853 {strides = array<i32>} : memref<2x80x128xf32, #tpu.memory_space<vmem>>, vector<1x1x16xf32>,
        }
        %scan3A_640 = arith.constant 80 : i32
        %add3A_641 = arith.constant 2 : i32
        %add3A_642 = arith.addi %mul3A_162, %add3A_641 : i32
        %mul3A_643 = arith.constant 0 : i32
        %mul3A_644 = arith.muli %mul3A_643, %mul3A_14 : i32
        %mul3A_645 = arith.constant 80 : i32
        %mul3A_646 = arith.muli %add3A_642, %mul3A_645 : i32
        %add3A_647 = arith.addi %mul3A_644, %mul3A_646 : i32
        %dma_start3A_648 = arith.constant 0 : i32
        %dma_start3A_649 = arith.constant 0 : i32
        %dma_start3A_650 = arith.constant 0 : i32
        %dma_start3A_651 = tpu.memref_slice %arg6[%dma_start3A_648, %dma_start3A_649, %dma_start3A_650] : memref<2x80x128xf32, #tpu.memory_space<vmem>> -> memref<1x80x128xf32, #tpu.memory_space<vmem>>
        %dma_start3A_652 = tpu.memref_squeeze %dma_start3A_651 : memref<1x80x128xf32, #tpu.memory_space<vmem>> -> memref<80x128xf32, #tpu.memory_space<vmem>>
        %dma_start3A_653 = tpu.memref_slice %arg5[%add3A_647] : memref<32000xi32, #tpu.memory_space<vmem>> -> memref<80xi32, #tpu.memory_space<vmem>>
        %dma_start3A_654 = arith.constant 0 : i32
        %dma_start3A_655 = arith.constant 0 : i32
        %dma_start3A_656 = tpu.memref_slice %arg2[%dma_start3A_654, %dma_start3A_655] : memref<100000x128xf32, #tpu.memory_space<hbm>> -> memref<100000x128xf32, #tpu.memory_space<hbm>>
        tpu.enqueue_indirect_dma source(%dma_start3A_656 : memref<100000x128xf32, #tpu.memory_space<hbm>>) target(%dma_start3A_652 : memref<80x128xf32, #tpu.memory_space<vmem>>) offsets(%dma_start3A_653 : memref<80xi32, #tpu.memory_space<vmem>>) semaphore(%arg7 : memref<!tpu.dma_semaphore, #tpu.memory_space<semaphore_mem>>) {add = true}
        %mul3A_657 = arith.constant 1 : i32
        %mul3A_658 = arith.muli %mul3A_657, %mul3A_14 : i32
        %mul3A_659 = arith.constant 80 : i32
        %mul3A_660 = arith.muli %add3A_642, %mul3A_659 : i32
        %add3A_661 = arith.addi %mul3A_658, %mul3A_660 : i32
        %dma_start3A_662 = arith.constant 0 : i32
        %dma_start3A_663 = arith.constant 0 : i32
        %dma_start3A_664 = arith.constant 0 : i32
        %dma_start3A_665 = tpu.memref_slice %arg6[%dma_start3A_662, %dma_start3A_663, %dma_start3A_664] : memref<2x80x128xf32, #tpu.memory_space<vmem>> -> memref<1x80x128xf32, #tpu.memory_space<vmem>>
        %dma_start3A_666 = tpu.memref_squeeze %dma_start3A_665 : memref<1x80x128xf32, #tpu.memory_space<vmem>> -> memref<80x128xf32, #tpu.memory_space<vmem>>
        %dma_start3A_667 = tpu.memref_slice %arg5[%add3A_661] : memref<32000xi32, #tpu.memory_space<vmem>> -> memref<80xi32, #tpu.memory_space<vmem>>
        %dma_start3A_668 = arith.constant 0 : i32
        %dma_start3A_669 = arith.constant 0 : i32
        %dma_start3A_670 = tpu.memref_slice %arg2[%dma_start3A_668, %dma_start3A_669] : memref<100000x128xf32, #tpu.memory_space<hbm>> -> memref<100000x128xf32, #tpu.memory_space<hbm>>
        tpu.enqueue_indirect_dma source(%dma_start3A_670 : memref<100000x128xf32, #tpu.memory_space<hbm>>) target(%dma_start3A_666 : memref<80x128xf32, #tpu.memory_space<vmem>>) offsets(%dma_start3A_667 : memref<80xi32, #tpu.memory_space<vmem>>) semaphore(%arg7 : memref<!tpu.dma_semaphore, #tpu.memory_space<semaphore_mem>>) {add = true}
        %mul3A_671 = arith.constant 2 : i32
        %mul3A_672 = arith.muli %mul3A_671, %mul3A_14 : i32
        %mul3A_673 = arith.constant 80 : i32
        %mul3A_674 = arith.muli %add3A_642, %mul3A_673 : i32
        %add3A_675 = arith.addi %mul3A_672, %mul3A_674 : i32
        %dma_start3A_676 = arith.constant 0 : i32
        %dma_start3A_677 = arith.constant 0 : i32
        %dma_start3A_678 = arith.constant 0 : i32
        %dma_start3A_679 = tpu.memref_slice %arg6[%dma_start3A_676, %dma_start3A_677, %dma_start3A_678] : memref<2x80x128xf32, #tpu.memory_space<vmem>> -> memref<1x80x128xf32, #tpu.memory_space<vmem>>
        %dma_start3A_680 = tpu.memref_squeeze %dma_start3A_679 : memref<1x80x128xf32, #tpu.memory_space<vmem>> -> memref<80x128xf32, #tpu.memory_space<vmem>>
        %dma_start3A_681 = tpu.memref_slice %arg5[%add3A_675] : memref<32000xi32, #tpu.memory_space<vmem>> -> memref<80xi32, #tpu.memory_space<vmem>>
        %dma_start3A_682 = arith.constant 0 : i32
        %dma_start3A_683 = arith.constant 0 : i32
        %dma_start3A_684 = tpu.memref_slice %arg2[%dma_start3A_682, %dma_start3A_683] : memref<100000x128xf32, #tpu.memory_space<hbm>> -> memref<100000x128xf32, #tpu.memory_space<hbm>>
        tpu.enqueue_indirect_dma source(%dma_start3A_684 : memref<100000x128xf32, #tpu.memory_space<hbm>>) target(%dma_start3A_680 : memref<80x128xf32, #tpu.memory_space<vmem>>) offsets(%dma_start3A_681 : memref<80xi32, #tpu.memory_space<vmem>>) semaphore(%arg7 : memref<!tpu.dma_semaphore, #tpu.memory_space<semaphore_mem>>) {add = true}
        %mul3A_685 = arith.constant 3 : i32
        %mul3A_686 = arith.muli %mul3A_685, %mul3A_14 : i32
        %mul3A_687 = arith.constant 80 : i32
        %mul3A_688 = arith.muli %add3A_642, %mul3A_687 : i32
        %add3A_689 = arith.addi %mul3A_686, %mul3A_688 : i32
        %dma_start3A_690 = arith.constant 0 : i32
        %dma_start3A_691 = arith.constant 0 : i32
        %dma_start3A_692 = arith.constant 0 : i32
        %dma_start3A_693 = tpu.memref_slice %arg6[%dma_start3A_690, %dma_start3A_691, %dma_start3A_692] : memref<2x80x128xf32, #tpu.memory_space<vmem>> -> memref<1x80x128xf32, #tpu.memory_space<vmem>>
        %dma_start3A_694 = tpu.memref_squeeze %dma_start3A_693 : memref<1x80x128xf32, #tpu.memory_space<vmem>> -> memref<80x128xf32, #tpu.memory_space<vmem>>
        %dma_start3A_695 = tpu.memref_slice %arg5[%add3A_689] : memref<32000xi32, #tpu.memory_space<vmem>> -> memref<80xi32, #tpu.memory_space<vmem>>
        %dma_start3A_696 = arith.constant 0 : i32
        %dma_start3A_697 = arith.constant 0 : i32
        %dma_start3A_698 = tpu.memref_slice %arg2[%dma_start3A_696, %dma_start3A_697] : memref<100000x128xf32, #tpu.memory_space<hbm>> -> memref<100000x128xf32, #tpu.memory_space<hbm>>
        tpu.enqueue_indirect_dma source(%dma_start3A_698 : memref<100000x128xf32, #tpu.memory_space<hbm>>) target(%dma_start3A_694 : memref<80x128xf32, #tpu.memory_space<vmem>>) offsets(%dma_start3A_695 : memref<80xi32, #tpu.memory_space<vmem>>) semaphore(%arg7 : memref<!tpu.dma_semaphore, #tpu.memory_space<semaphore_mem>>) {add = true}
        %mul3A_699 = arith.constant 4 : i32
        %mul3A_700 = arith.muli %mul3A_699, %mul3A_14 : i32
        %mul3A_701 = arith.constant 80 : i32
        %mul3A_702 = arith.muli %add3A_642, %mul3A_701 : i32
        %add3A_703 = arith.addi %mul3A_700, %mul3A_702 : i32
        %dma_start3A_704 = arith.constant 0 : i32
        %dma_start3A_705 = arith.constant 0 : i32
        %dma_start3A_706 = arith.constant 0 : i32
        %dma_start3A_707 = tpu.memref_slice %arg6[%dma_start3A_704, %dma_start3A_705, %dma_start3A_706] : memref<2x80x128xf32, #tpu.memory_space<vmem>> -> memref<1x80x128xf32, #tpu.memory_space<vmem>>
        %dma_start3A_708 = tpu.memref_squeeze %dma_start3A_707 : memref<1x80x128xf32, #tpu.memory_space<vmem>> -> memref<80x128xf32, #tpu.memory_space<vmem>>
        %dma_start3A_709 = tpu.memref_slice %arg5[%add3A_703] : memref<32000xi32, #tpu.memory_space<vmem>> -> memref<80xi32, #tpu.memory_space<vmem>>
        %dma_start3A_710 = arith.constant 0 : i32
        %dma_start3A_711 = arith.constant 0 : i32
        %dma_start3A_712 = tpu.memref_slice %arg2[%dma_start3A_710, %dma_start3A_711] : memref<100000x128xf32, #tpu.memory_space<hbm>> -> memref<100000x128xf32, #tpu.memory_space<hbm>>
        tpu.enqueue_indirect_dma source(%dma_start3A_712 : memref<100000x128xf32, #tpu.memory_space<hbm>>) target(%dma_start3A_708 : memref<80x128xf32, #tpu.memory_space<vmem>>) offsets(%dma_start3A_709 : memref<80xi32, #tpu.memory_space<vmem>>) semaphore(%arg7 : memref<!tpu.dma_semaphore, #tpu.memory_space<semaphore_mem>>) {add = true}
        %mul3A_713 = arith.constant 5 : i32
        %mul3A_714 = arith.muli %mul3A_713, %mul3A_14 : i32
        %mul3A_715 = arith.constant 80 : i32
        %mul3A_716 = arith.muli %add3A_642, %mul3A_715 : i32
        %add3A_717 = arith.addi %mul3A_714, %mul3A_716 : i32
        %dma_start3A_718 = arith.constant 0 : i32
        %dma_start3A_719 = arith.constant 0 : i32
        %dma_start3A_720 = arith.constant 0 : i32
        %dma_start3A_721 = tpu.memref_slice %arg6[%dma_start3A_718, %dma_start3A_719, %dma_start3A_720] : memref<2x80x128xf32, #tpu.memory_space<vmem>> -> memref<1x80x128xf32, #tpu.memory_space<vmem>>
        %dma_start3A_722 = tpu.memref_squeeze %dma_start3A_721 : memref<1x80x128xf32, #tpu.memory_space<vmem>> -> memref<80x128xf32, #tpu.memory_space<vmem>>
        %dma_start3A_723 = tpu.memref_slice %arg5[%add3A_717] : memref<32000xi32, #tpu.memory_space<vmem>> -> memref<80xi32, #tpu.memory_space<vmem>>
        %dma_start3A_724 = arith.constant 0 : i32
        %dma_start3A_725 = arith.constant 0 : i32
        %dma_start3A_726 = tpu.memref_slice %arg2[%dma_start3A_724, %dma_start3A_725] : memref<100000x128xf32, #tpu.memory_space<hbm>> -> memref<100000x128xf32, #tpu.memory_space<hbm>>
        tpu.enqueue_indirect_dma source(%dma_start3A_726 : memref<100000x128xf32, #tpu.memory_space<hbm>>) target(%dma_start3A_722 : memref<80x128xf32, #tpu.memory_space<vmem>>) offsets(%dma_start3A_723 : memref<80xi32, #tpu.memory_space<vmem>>) semaphore(%arg7 : memref<!tpu.dma_semaphore, #tpu.memory_space<semaphore_mem>>) {add = true}
        %mul3A_727 = arith.constant 6 : i32
        %mul3A_728 = arith.muli %mul3A_727, %mul3A_14 : i32
        %mul3A_729 = arith.constant 80 : i32
        %mul3A_730 = arith.muli %add3A_642, %mul3A_729 : i32
        %add3A_731 = arith.addi %mul3A_728, %mul3A_730 : i32
        %dma_start3A_732 = arith.constant 0 : i32
        %dma_start3A_733 = arith.constant 0 : i32
        %dma_start3A_734 = arith.constant 0 : i32
        %dma_start3A_735 = tpu.memref_slice %arg6[%dma_start3A_732, %dma_start3A_733, %dma_start3A_734] : memref<2x80x128xf32, #tpu.memory_space<vmem>> -> memref<1x80x128xf32, #tpu.memory_space<vmem>>
        %dma_start3A_736 = tpu.memref_squeeze %dma_start3A_735 : memref<1x80x128xf32, #tpu.memory_space<vmem>> -> memref<80x128xf32, #tpu.memory_space<vmem>>
        %dma_start3A_737 = tpu.memref_slice %arg5[%add3A_731] : memref<32000xi32, #tpu.memory_space<vmem>> -> memref<80xi32, #tpu.memory_space<vmem>>
        %dma_start3A_738 = arith.constant 0 : i32
        %dma_start3A_739 = arith.constant 0 : i32
        %dma_start3A_740 = tpu.memref_slice %arg2[%dma_start3A_738, %dma_start3A_739] : memref<100000x128xf32, #tpu.memory_space<hbm>> -> memref<100000x128xf32, #tpu.memory_space<hbm>>
        tpu.enqueue_indirect_dma source(%dma_start3A_740 : memref<100000x128xf32, #tpu.memory_space<hbm>>) target(%dma_start3A_736 : memref<80x128xf32, #tpu.memory_space<vmem>>) offsets(%dma_start3A_737 : memref<80xi32, #tpu.memory_space<vmem>>) semaphore(%arg7 : memref<!tpu.dma_semaphore, #tpu.memory_space<semaphore_mem>>) {add = true}
        %mul3A_741 = arith.constant 7 : i32
        %mul3A_742 = arith.muli %mul3A_741, %mul3A_14 : i32
        %mul3A_743 = arith.constant 80 : i32
        %mul3A_744 = arith.muli %add3A_642, %mul3A_743 : i32
        %add3A_745 = arith.addi %mul3A_742, %mul3A_744 : i32
        %dma_start3A_746 = arith.constant 0 : i32
        %dma_start3A_747 = arith.constant 0 : i32
        %dma_start3A_748 = arith.constant 0 : i32
        %dma_start3A_749 = tpu.memref_slice %arg6[%dma_start3A_746, %dma_start3A_747, %dma_start3A_748] : memref<2x80x128xf32, #tpu.memory_space<vmem>> -> memref<1x80x128xf32, #tpu.memory_space<vmem>>
        %dma_start3A_750 = tpu.memref_squeeze %dma_start3A_749 : memref<1x80x128xf32, #tpu.memory_space<vmem>> -> memref<80x128xf32, #tpu.memory_space<vmem>>
        %dma_start3A_751 = tpu.memref_slice %arg5[%add3A_745] : memref<32000xi32, #tpu.memory_space<vmem>> -> memref<80xi32, #tpu.memory_space<vmem>>
        %dma_start3A_752 = arith.constant 0 : i32
        %dma_start3A_753 = arith.constant 0 : i32
        %dma_start3A_754 = tpu.memref_slice %arg2[%dma_start3A_752, %dma_start3A_753] : memref<100000x128xf32, #tpu.memory_space<hbm>> -> memref<100000x128xf32, #tpu.memory_space<hbm>>
        tpu.enqueue_indirect_dma source(%dma_start3A_754 : memref<100000x128xf32, #tpu.memory_space<hbm>>) target(%dma_start3A_750 : memref<80x128xf32, #tpu.memory_space<vmem>>) offsets(%dma_start3A_751 : memref<80xi32, #tpu.memory_space<vmem>>) semaphore(%arg7 : memref<!tpu.dma_semaphore, #tpu.memory_space<semaphore_mem>>) {add = true}
        %mul3A_755 = arith.constant 8 : i32
        %mul3A_756 = arith.muli %mul3A_755, %mul3A_14 : i32
        %mul3A_757 = arith.constant 80 : i32
        %mul3A_758 = arith.muli %add3A_642, %mul3A_757 : i32
        %add3A_759 = arith.addi %mul3A_756, %mul3A_758 : i32
        %dma_start3A_760 = arith.constant 0 : i32
        %dma_start3A_761 = arith.constant 0 : i32
        %dma_start3A_762 = arith.constant 0 : i32
        %dma_start3A_763 = tpu.memref_slice %arg6[%dma_start3A_760, %dma_start3A_761, %dma_start3A_762] : memref<2x80x128xf32, #tpu.memory_space<vmem>> -> memref<1x80x128xf32, #tpu.memory_space<vmem>>
        %dma_start3A_764 = tpu.memref_squeeze %dma_start3A_763 : memref<1x80x128xf32, #tpu.memory_space<vmem>> -> memref<80x128xf32, #tpu.memory_space<vmem>>
        %dma_start3A_765 = tpu.memref_slice %arg5[%add3A_759] : memref<32000xi32, #tpu.memory_space<vmem>> -> memref<80xi32, #tpu.memory_space<vmem>>
        %dma_start3A_766 = arith.constant 0 : i32
        %dma_start3A_767 = arith.constant 0 : i32
        %dma_start3A_768 = tpu.memref_slice %arg2[%dma_start3A_766, %dma_start3A_767] : memref<100000x128xf32, #tpu.memory_space<hbm>> -> memref<100000x128xf32, #tpu.memory_space<hbm>>
        tpu.enqueue_indirect_dma source(%dma_start3A_768 : memref<100000x128xf32, #tpu.memory_space<hbm>>) target(%dma_start3A_764 : memref<80x128xf32, #tpu.memory_space<vmem>>) offsets(%dma_start3A_765 : memref<80xi32, #tpu.memory_space<vmem>>) semaphore(%arg7 : memref<!tpu.dma_semaphore, #tpu.memory_space<semaphore_mem>>) {add = true}
        %mul3A_769 = arith.constant 9 : i32
        %mul3A_770 = arith.muli %mul3A_769, %mul3A_14 : i32
        %mul3A_771 = arith.constant 80 : i32
        %mul3A_772 = arith.muli %add3A_642, %mul3A_771 : i32
        %add3A_773 = arith.addi %mul3A_770, %mul3A_772 : i32
        %dma_start3A_774 = arith.constant 0 : i32
        %dma_start3A_775 = arith.constant 0 : i32
        %dma_start3A_776 = arith.constant 0 : i32
        %dma_start3A_777 = tpu.memref_slice %arg6[%dma_start3A_774, %dma_start3A_775, %dma_start3A_776] : memref<2x80x128xf32, #tpu.memory_space<vmem>> -> memref<1x80x128xf32, #tpu.memory_space<vmem>>
        %dma_start3A_778 = tpu.memref_squeeze %dma_start3A_777 : memref<1x80x128xf32, #tpu.memory_space<vmem>> -> memref<80x128xf32, #tpu.memory_space<vmem>>
        %dma_start3A_779 = tpu.memref_slice %arg5[%add3A_773] : memref<32000xi32, #tpu.memory_space<vmem>> -> memref<80xi32, #tpu.memory_space<vmem>>
        %dma_start3A_780 = arith.constant 0 : i32
        %dma_start3A_781 = arith.constant 0 : i32
        %dma_start3A_782 = tpu.memref_slice %arg2[%dma_start3A_780, %dma_start3A_781] : memref<100000x128xf32, #tpu.memory_space<hbm>> -> memref<100000x128xf32, #tpu.memory_space<hbm>>
        tpu.enqueue_indirect_dma source(%dma_start3A_782 : memref<100000x128xf32, #tpu.memory_space<hbm>>) target(%dma_start3A_778 : memref<80x128xf32, #tpu.memory_space<vmem>>) offsets(%dma_start3A_779 : memref<80xi32, #tpu.memory_space<vmem>>) semaphore(%arg7 : memref<!tpu.dma_semaphore, #tpu.memory_space<semaphore_mem>>) {add = true}
      } else {
      }
      %dma_wait3A_473 = arith.constant 1 : i32
      %dma_wait3A_474 = arith.constant 0 : i32
      %dma_wait3A_475 = arith.constant 0 : i32
      %dma_wait3A_476 = tpu.memref_slice %arg6[%dma_wait3A_473, %dma_wait3A_474, %dma_wait3A_475] : memref<2x80x128xf32, #tpu.memory_space<vmem>> -> memref<1x80x128xf32, #tpu.memory_space<vmem>>
      %dma_wait3A_477 = tpu.memref_squeeze %dma_wait3A_476 : memref<1x80x128xf32, #tpu.memory_space<vmem>> -> memref<80x128xf32, #tpu.memory_space<vmem>>
      %dma_wait3A_478 = arith.constant 0 : i32
      %dma_wait3A_479 = arith.constant 0 : i32
      %dma_wait3A_480 = tpu.memref_slice %arg2[%dma_wait3A_478, %dma_wait3A_479] : memref<100000x128xf32, #tpu.memory_space<hbm>> -> memref<80x128xf32, #tpu.memory_space<hbm>>
      %dma_wait3A_481 = arith.constant 0 : i32
      %dma_wait3A_482 = arith.constant 0 : i32
      %dma_wait3A_483 = tpu.memref_slice %arg6[%dma_wait3A_473, %dma_wait3A_481, %dma_wait3A_482] : memref<2x80x128xf32, #tpu.memory_space<vmem>> -> memref<1x80x128xf32, #tpu.memory_space<vmem>>
      %dma_wait3A_484 = tpu.memref_squeeze %dma_wait3A_483 : memref<1x80x128xf32, #tpu.memory_space<vmem>> -> memref<80x128xf32, #tpu.memory_space<vmem>>
      %dma_wait3A_485 = arith.constant 0 : i32
      %dma_wait3A_486 = arith.constant 0 : i32
      %dma_wait3A_487 = tpu.memref_slice %arg2[%dma_wait3A_485, %dma_wait3A_486] : memref<100000x128xf32, #tpu.memory_space<hbm>> -> memref<80x128xf32, #tpu.memory_space<hbm>>
      tpu.wait_dma2 semaphore(%arg8 : memref<!tpu.dma_semaphore, #tpu.memory_space<semaphore_mem>>) src(%dma_wait3A_487 : memref<80x128xf32, #tpu.memory_space<hbm>>) dst(%dma_wait3A_484 : memref<80x128xf32, #tpu.memory_space<vmem>>)
      %dma_wait3A_488 = arith.constant 1 : i32
      %dma_wait3A_489 = arith.constant 0 : i32
      %dma_wait3A_490 = arith.constant 0 : i32
      %dma_wait3A_491 = tpu.memref_slice %arg6[%dma_wait3A_488, %dma_wait3A_489, %dma_wait3A_490] : memref<2x80x128xf32, #tpu.memory_space<vmem>> -> memref<1x80x128xf32, #tpu.memory_space<vmem>>
      %dma_wait3A_492 = tpu.memref_squeeze %dma_wait3A_491 : memref<1x80x128xf32, #tpu.memory_space<vmem>> -> memref<80x128xf32, #tpu.memory_space<vmem>>
      %dma_wait3A_493 = arith.constant 0 : i32
      %dma_wait3A_494 = arith.constant 0 : i32
      %dma_wait3A_495 = tpu.memref_slice %arg2[%dma_wait3A_493, %dma_wait3A_494] : memref<100000x128xf32, #tpu.memory_space<hbm>> -> memref<80x128xf32, #tpu.memory_space<hbm>>
      %dma_wait3A_496 = arith.constant 0 : i32
      %dma_wait3A_497 = arith.constant 0 : i32
      %dma_wait3A_498 = tpu.memref_slice %arg6[%dma_wait3A_488, %dma_wait3A_496, %dma_wait3A_497] : memref<2x80x128xf32, #tpu.memory_space<vmem>> -> memref<1x80x128xf32, #tpu.memory_space<vmem>>
      %dma_wait3A_499 = tpu.memref_squeeze %dma_wait3A_498 : memref<1x80x128xf32, #tpu.memory_space<vmem>> -> memref<80x128xf32, #tpu.memory_space<vmem>>
      %dma_wait3A_500 = arith.constant 0 : i32
      %dma_wait3A_501 = arith.constant 0 : i32
      %dma_wait3A_502 = tpu.memref_slice %arg2[%dma_wait3A_500, %dma_wait3A_501] : memref<100000x128xf32, #tpu.memory_space<hbm>> -> memref<80x128xf32, #tpu.memory_space<hbm>>
      tpu.wait_dma2 semaphore(%arg8 : memref<!tpu.dma_semaphore, #tpu.memory_space<semaphore_mem>>) src(%dma_wait3A_502 : memref<80x128xf32, #tpu.memory_space<hbm>>) dst(%dma_wait3A_499 : memref<80x128xf32, #tpu.memory_space<vmem>>)
      %dma_wait3A_503 = arith.constant 1 : i32
      %dma_wait3A_504 = arith.constant 0 : i32
      %dma_wait3A_505 = arith.constant 0 : i32
      %dma_wait3A_506 = tpu.memref_slice %arg6[%dma_wait3A_503, %dma_wait3A_504, %dma_wait3A_505] : memref<2x80x128xf32, #tpu.memory_space<vmem>> -> memref<1x80x128xf32, #tpu.memory_space<vmem>>
      %dma_wait3A_507 = tpu.memref_squeeze %dma_wait3A_506 : memref<1x80x128xf32, #tpu.memory_space<vmem>> -> memref<80x128xf32, #tpu.memory_space<vmem>>
      %dma_wait3A_508 = arith.constant 0 : i32
      %dma_wait3A_509 = arith.constant 0 : i32
      %dma_wait3A_510 = tpu.memref_slice %arg2[%dma_wait3A_508, %dma_wait3A_509] : memref<100000x128xf32, #tpu.memory_space<hbm>> -> memref<80x128xf32, #tpu.memory_space<hbm>>
      %dma_wait3A_511 = arith.constant 0 : i32
      %dma_wait3A_512 = arith.constant 0 : i32
      %dma_wait3A_513 = tpu.memref_slice %arg6[%dma_wait3A_503, %dma_wait3A_511, %dma_wait3A_512] : memref<2x80x128xf32, #tpu.memory_space<vmem>> -> memref<1x80x128xf32, #tpu.memory_space<vmem>>
      %dma_wait3A_514 = tpu.memref_squeeze %dma_wait3A_513 : memref<1x80x128xf32, #tpu.memory_space<vmem>> -> memref<80x128xf32, #tpu.memory_space<vmem>>
      %dma_wait3A_515 = arith.constant 0 : i32
      %dma_wait3A_516 = arith.constant 0 : i32
      %dma_wait3A_517 = tpu.memref_slice %arg2[%dma_wait3A_515, %dma_wait3A_516] : memref<100000x128xf32, #tpu.memory_space<hbm>> -> memref<80x128xf32, #tpu.memory_space<hbm>>
      tpu.wait_dma2 semaphore(%arg8 : memref<!tpu.dma_semaphore, #tpu.memory_space<semaphore_mem>>) src(%dma_wait3A_517 : memref<80x128xf32, #tpu.memory_space<hbm>>) dst(%dma_wait3A_514 : memref<80x128xf32, #tpu.memory_space<vmem>>)
      %dma_wait3A_518 = arith.constant 1 : i32
      %dma_wait3A_519 = arith.constant 0 : i32
      %dma_wait3A_520 = arith.constant 0 : i32
      %dma_wait3A_521 = tpu.memref_slice %arg6[%dma_wait3A_518, %dma_wait3A_519, %dma_wait3A_520] : memref<2x80x128xf32, #tpu.memory_space<vmem>> -> memref<1x80x128xf32, #tpu.memory_space<vmem>>
      %dma_wait3A_522 = tpu.memref_squeeze %dma_wait3A_521 : memref<1x80x128xf32, #tpu.memory_space<vmem>> -> memref<80x128xf32, #tpu.memory_space<vmem>>
      %dma_wait3A_523 = arith.constant 0 : i32
      %dma_wait3A_524 = arith.constant 0 : i32
      %dma_wait3A_525 = tpu.memref_slice %arg2[%dma_wait3A_523, %dma_wait3A_524] : memref<100000x128xf32, #tpu.memory_space<hbm>> -> memref<80x128xf32, #tpu.memory_space<hbm>>
      %dma_wait3A_526 = arith.constant 0 : i32
      %dma_wait3A_527 = arith.constant 0 : i32
      %dma_wait3A_528 = tpu.memref_slice %arg6[%dma_wait3A_518, %dma_wait3A_526, %dma_wait3A_527] : memref<2x80x128xf32, #tpu.memory_space<vmem>> -> memref<1x80x128xf32, #tpu.memory_space<vmem>>
      %dma_wait3A_529 = tpu.memref_squeeze %dma_wait3A_528 : memref<1x80x128xf32, #tpu.memory_space<vmem>> -> memref<80x128xf32, #tpu.memory_space<vmem>>
      %dma_wait3A_530 = arith.constant 0 : i32
      %dma_wait3A_531 = arith.constant 0 : i32
      %dma_wait3A_532 = tpu.memref_slice %arg2[%dma_wait3A_530, %dma_wait3A_531] : memref<100000x128xf32, #tpu.memory_space<hbm>> -> memref<80x128xf32, #tpu.memory_space<hbm>>
      tpu.wait_dma2 semaphore(%arg8 : memref<!tpu.dma_semaphore, #tpu.memory_space<semaphore_mem>>) src(%dma_wait3A_532 : memref<80x128xf32, #tpu.memory_space<hbm>>) dst(%dma_wait3A_529 : memref<80x128xf32, #tpu.memory_space<vmem>>)
      %dma_wait3A_533 = arith.constant 1 : i32
      %dma_wait3A_534 = arith.constant 0 : i32
      %dma_wait3A_535 = arith.constant 0 : i32
      %dma_wait3A_536 = tpu.memref_slice %arg6[%dma_wait3A_533, %dma_wait3A_534, %dma_wait3A_535] : memref<2x80x128xf32, #tpu.memory_space<vmem>> -> memref<1x80x128xf32, #tpu.memory_space<vmem>>
      %dma_wait3A_537 = tpu.memref_squeeze %dma_wait3A_536 : memref<1x80x128xf32, #tpu.memory_space<vmem>> -> memref<80x128xf32, #tpu.memory_space<vmem>>
      %dma_wait3A_538 = arith.constant 0 : i32
      %dma_wait3A_539 = arith.constant 0 : i32
      %dma_wait3A_540 = tpu.memref_slice %arg2[%dma_wait3A_538, %dma_wait3A_539] : memref<100000x128xf32, #tpu.memory_space<hbm>> -> memref<80x128xf32, #tpu.memory_space<hbm>>
      %dma_wait3A_541 = arith.constant 0 : i32
      %dma_wait3A_542 = arith.constant 0 : i32
      %dma_wait3A_543 = tpu.memref_slice %arg6[%dma_wait3A_533, %dma_wait3A_541, %dma_wait3A_542] : memref<2x80x128xf32, #tpu.memory_space<vmem>> -> memref<1x80x128xf32, #tpu.memory_space<vmem>>
      %dma_wait3A_544 = tpu.memref_squeeze %dma_wait3A_543 : memref<1x80x128xf32, #tpu.memory_space<vmem>> -> memref<80x128xf32, #tpu.memory_space<vmem>>
      %dma_wait3A_545 = arith.constant 0 : i32
      %dma_wait3A_546 = arith.constant 0 : i32
      %dma_wait3A_547 = tpu.memref_slice %arg2[%dma_wait3A_545, %dma_wait3A_546] : memref<100000x128xf32, #tpu.memory_space<hbm>> -> memref<80x128xf32, #tpu.memory_space<hbm>>
      tpu.wait_dma2 semaphore(%arg8 : memref<!tpu.dma_semaphore, #tpu.memory_space<semaphore_mem>>) src(%dma_wait3A_547 : memref<80x128xf32, #tpu.memory_space<hbm>>) dst(%dma_wait3A_544 : memref<80x128xf32, #tpu.memory_space<vmem>>)
      %dma_wait3A_548 = arith.constant 1 : i32
      %dma_wait3A_549 = arith.constant 0 : i32
      %dma_wait3A_550 = arith.constant 0 : i32
      %dma_wait3A_551 = tpu.memref_slice %arg6[%dma_wait3A_548, %dma_wait3A_549, %dma_wait3A_550] : memref<2x80x128xf32, #tpu.memory_space<vmem>> -> memref<1x80x128xf32, #tpu.memory_space<vmem>>
      %dma_wait3A_552 = tpu.memref_squeeze %dma_wait3A_551 : memref<1x80x128xf32, #tpu.memory_space<vmem>> -> memref<80x128xf32, #tpu.memory_space<vmem>>
      %dma_wait3A_553 = arith.constant 0 : i32
      %dma_wait3A_554 = arith.constant 0 : i32
      %dma_wait3A_555 = tpu.memref_slice %arg2[%dma_wait3A_553, %dma_wait3A_554] : memref<100000x128xf32, #tpu.memory_space<hbm>> -> memref<80x128xf32, #tpu.memory_space<hbm>>
      %dma_wait3A_556 = arith.constant 0 : i32
      %dma_wait3A_557 = arith.constant 0 : i32
      %dma_wait3A_558 = tpu.memref_slice %arg6[%dma_wait3A_548, %dma_wait3A_556, %dma_wait3A_557] : memref<2x80x128xf32, #tpu.memory_space<vmem>> -> memref<1x80x128xf32, #tpu.memory_space<vmem>>
      %dma_wait3A_559 = tpu.memref_squeeze %dma_wait3A_558 : memref<1x80x128xf32, #tpu.memory_space<vmem>> -> memref<80x128xf32, #tpu.memory_space<vmem>>
      %dma_wait3A_560 = arith.constant 0 : i32
      %dma_wait3A_561 = arith.constant 0 : i32
      %dma_wait3A_562 = tpu.memref_slice %arg2[%dma_wait3A_560, %dma_wait3A_561] : memref<100000x128xf32, #tpu.memory_space<hbm>> -> memref<80x128xf32, #tpu.memory_space<hbm>>
      tpu.wait_dma2 semaphore(%arg8 : memref<!tpu.dma_semaphore, #tpu.memory_space<semaphore_mem>>) src(%dma_wait3A_562 : memref<80x128xf32, #tpu.memory_space<hbm>>) dst(%dma_wait3A_559 : memref<80x128xf32, #tpu.memory_space<vmem>>)
      %dma_wait3A_563 = arith.constant 1 : i32
      %dma_wait3A_564 = arith.constant 0 : i32
      %dma_wait3A_565 = arith.constant 0 : i32
      %dma_wait3A_566 = tpu.memref_slice %arg6[%dma_wait3A_563, %dma_wait3A_564, %dma_wait3A_565] : memref<2x80x128xf32, #tpu.memory_space<vmem>> -> memref<1x80x128xf32, #tpu.memory_space<vmem>>
      %dma_wait3A_567 = tpu.memref_squeeze %dma_wait3A_566 : memref<1x80x128xf32, #tpu.memory_space<vmem>> -> memref<80x128xf32, #tpu.memory_space<vmem>>
      %dma_wait3A_568 = arith.constant 0 : i32
      %dma_wait3A_569 = arith.constant 0 : i32
      %dma_wait3A_570 = tpu.memref_slice %arg2[%dma_wait3A_568, %dma_wait3A_569] : memref<100000x128xf32, #tpu.memory_space<hbm>> -> memref<80x128xf32, #tpu.memory_space<hbm>>
      %dma_wait3A_571 = arith.constant 0 : i32
      %dma_wait3A_572 = arith.constant 0 : i32
      %dma_wait3A_573 = tpu.memref_slice %arg6[%dma_wait3A_563, %dma_wait3A_571, %dma_wait3A_572] : memref<2x80x128xf32, #tpu.memory_space<vmem>> -> memref<1x80x128xf32, #tpu.memory_space<vmem>>
      %dma_wait3A_574 = tpu.memref_squeeze %dma_wait3A_573 : memref<1x80x128xf32, #tpu.memory_space<vmem>> -> memref<80x128xf32, #tpu.memory_space<vmem>>
      %dma_wait3A_575 = arith.constant 0 : i32
      %dma_wait3A_576 = arith.constant 0 : i32
      %dma_wait3A_577 = tpu.memref_slice %arg2[%dma_wait3A_575, %dma_wait3A_576] : memref<100000x128xf32, #tpu.memory_space<hbm>> -> memref<80x128xf32, #tpu.memory_space<hbm>>
      tpu.wait_dma2 semaphore(%arg8 : memref<!tpu.dma_semaphore, #tpu.memory_space<semaphore_mem>>) src(%dma_wait3A_577 : memref<80x128xf32, #tpu.memory_space<hbm>>) dst(%dma_wait3A_574 : memref<80x128xf32, #tpu.memory_space<vmem>>)
      %dma_wait3A_578 = arith.constant 1 : i32
      %dma_wait3A_579 = arith.constant 0 : i32
      %dma_wait3A_580 = arith.constant 0 : i32
      %dma_wait3A_581 = tpu.memref_slice %arg6[%dma_wait3A_578, %dma_wait3A_579, %dma_wait3A_580] : memref<2x80x128xf32, #tpu.memory_space<vmem>> -> memref<1x80x128xf32, #tpu.memory_space<vmem>>
      %dma_wait3A_582 = tpu.memref_squeeze %dma_wait3A_581 : memref<1x80x128xf32, #tpu.memory_space<vmem>> -> memref<80x128xf32, #tpu.memory_space<vmem>>
      %dma_wait3A_583 = arith.constant 0 : i32
      %dma_wait3A_584 = arith.constant 0 : i32
      %dma_wait3A_585 = tpu.memref_slice %arg2[%dma_wait3A_583, %dma_wait3A_584] : memref<100000x128xf32, #tpu.memory_space<hbm>> -> memref<80x128xf32, #tpu.memory_space<hbm>>
      %dma_wait3A_586 = arith.constant 0 : i32
      %dma_wait3A_587 = arith.constant 0 : i32
      %dma_wait3A_588 = tpu.memref_slice %arg6[%dma_wait3A_578, %dma_wait3A_586, %dma_wait3A_587] : memref<2x80x128xf32, #tpu.memory_space<vmem>> -> memref<1x80x128xf32, #tpu.memory_space<vmem>>
      %dma_wait3A_589 = tpu.memref_squeeze %dma_wait3A_588 : memref<1x80x128xf32, #tpu.memory_space<vmem>> -> memref<80x128xf32, #tpu.memory_space<vmem>>
      %dma_wait3A_590 = arith.constant 0 : i32
      %dma_wait3A_591 = arith.constant 0 : i32
      %dma_wait3A_592 = tpu.memref_slice %arg2[%dma_wait3A_590, %dma_wait3A_591] : memref<100000x128xf32, #tpu.memory_space<hbm>> -> memref<80x128xf32, #tpu.memory_space<hbm>>
      tpu.wait_dma2 semaphore(%arg8 : memref<!tpu.dma_semaphore, #tpu.memory_space<semaphore_mem>>) src(%dma_wait3A_592 : memref<80x128xf32, #tpu.memory_space<hbm>>) dst(%dma_wait3A_589 : memref<80x128xf32, #tpu.memory_space<vmem>>)
      %dma_wait3A_593 = arith.constant 1 : i32
      %dma_wait3A_594 = arith.constant 0 : i32
      %dma_wait3A_595 = arith.constant 0 : i32
      %dma_wait3A_596 = tpu.memref_slice %arg6[%dma_wait3A_593, %dma_wait3A_594, %dma_wait3A_595] : memref<2x80x128xf32, #tpu.memory_space<vmem>> -> memref<1x80x128xf32, #tpu.memory_space<vmem>>
      %dma_wait3A_597 = tpu.memref_squeeze %dma_wait3A_596 : memref<1x80x128xf32, #tpu.memory_space<vmem>> -> memref<80x128xf32, #tpu.memory_space<vmem>>
      %dma_wait3A_598 = arith.constant 0 : i32
      %dma_wait3A_599 = arith.constant 0 : i32
      %dma_wait3A_600 = tpu.memref_slice %arg2[%dma_wait3A_598, %dma_wait3A_599] : memref<100000x128xf32, #tpu.memory_space<hbm>> -> memref<80x128xf32, #tpu.memory_space<hbm>>
      %dma_wait3A_601 = arith.constant 0 : i32
      %dma_wait3A_602 = arith.constant 0 : i32
      %dma_wait3A_603 = tpu.memref_slice %arg6[%dma_wait3A_593, %dma_wait3A_601, %dma_wait3A_602] : memref<2x80x128xf32, #tpu.memory_space<vmem>> -> memref<1x80x128xf32, #tpu.memory_space<vmem>>
      %dma_wait3A_604 = tpu.memref_squeeze %dma_wait3A_603 : memref<1x80x128xf32, #tpu.memory_space<vmem>> -> memref<80x128xf32, #tpu.memory_space<vmem>>
      %dma_wait3A_605 = arith.constant 0 : i32
      %dma_wait3A_606 = arith.constant 0 : i32
      %dma_wait3A_607 = tpu.memref_slice %arg2[%dma_wait3A_605, %dma_wait3A_606] : memref<100000x128xf32, #tpu.memory_space<hbm>> -> memref<80x128xf32, #tpu.memory_space<hbm>>
      tpu.wait_dma2 semaphore(%arg8 : memref<!tpu.dma_semaphore, #tpu.memory_space<semaphore_mem>>) src(%dma_wait3A_607 : memref<80x128xf32, #tpu.memory_space<hbm>>) dst(%dma_wait3A_604 : memref<80x128xf32, #tpu.memory_space<vmem>>)
      %dma_wait3A_608 = arith.constant 1 : i32
      %dma_wait3A_609 = arith.constant 0 : i32
      %dma_wait3A_610 = arith.constant 0 : i32
      %dma_wait3A_611 = tpu.memref_slice %arg6[%dma_wait3A_608, %dma_wait3A_609, %dma_wait3A_610] : memref<2x80x128xf32, #tpu.memory_space<vmem>> -> memref<1x80x128xf32, #tpu.memory_space<vmem>>
      %dma_wait3A_612 = tpu.memref_squeeze %dma_wait3A_611 : memref<1x80x128xf32, #tpu.memory_space<vmem>> -> memref<80x128xf32, #tpu.memory_space<vmem>>
      %dma_wait3A_613 = arith.constant 0 : i32
      %dma_wait3A_614 = arith.constant 0 : i32
      %dma_wait3A_615 = tpu.memref_slice %arg2[%dma_wait3A_613, %dma_wait3A_614] : memref<100000x128xf32, #tpu.memory_space<hbm>> -> memref<80x128xf32, #tpu.memory_space<hbm>>
      %dma_wait3A_616 = arith.constant 0 : i32
      %dma_wait3A_617 = arith.constant 0 : i32
      %dma_wait3A_618 = tpu.memref_slice %arg6[%dma_wait3A_608, %dma_wait3A_616, %dma_wait3A_617] : memref<2x80x128xf32, #tpu.memory_space<vmem>> -> memref<1x80x128xf32, #tpu.memory_space<vmem>>
      %dma_wait3A_619 = tpu.memref_squeeze %dma_wait3A_618 : memref<1x80x128xf32, #tpu.memory_space<vmem>> -> memref<80x128xf32, #tpu.memory_space<vmem>>
      %dma_wait3A_620 = arith.constant 0 : i32
      %dma_wait3A_621 = arith.constant 0 : i32
      %dma_wait3A_622 = tpu.memref_slice %arg2[%dma_wait3A_620, %dma_wait3A_621] : memref<100000x128xf32, #tpu.memory_space<hbm>> -> memref<80x128xf32, #tpu.memory_space<hbm>>
      tpu.wait_dma2 semaphore(%arg8 : memref<!tpu.dma_semaphore, #tpu.memory_space<semaphore_mem>>) src(%dma_wait3A_622 : memref<80x128xf32, #tpu.memory_space<hbm>>) dst(%dma_wait3A_619 : memref<80x128xf32, #tpu.memory_space<vmem>>)
      %add3A_623 = arith.constant 1 : i32
      %add3A_624 = arith.addi %mul3A_162, %add3A_623 : i32
      %scan3A_625 = arith.constant 0 : i32
      %scan3A_626 = arith.constant 0 : i32
      %scan3A_627 = arith.constant 80 : i32
      %scan3A_628 = arith.addi %scan3A_626, %scan3A_627 : i32
      %scan3A_629 = arith.constant 1 : i32
      scf.for %scan3A_635 = %scan3A_626 to %scan3A_628 step %scan3A_629  : i32 {
        %get3A = arith.constant 1 : i32
        %get3A_636 = arith.index_cast %get3A : i32 to index
        %get3A_637 = arith.index_cast %scan3A_635 : i32 to index
        %get3A_638 = arith.constant 0 : index
        %get3A_639 = tpu.vector_load %arg6[%get3A_636, %get3A_637, %get3A_638] {strides = array<i32>} : memref<2x80x128xf32, #tpu.memory_space<vmem>>, vector<1x1x16xf32>,
        %get3A_640 = vector.shape_cast %get3A_639 : vector<1x1x16xf32> to vector<16xf32>
        %mul3A_641 = arith.constant 1.000000e-01 : f32
        %mul3A_642 = vector.broadcast %mul3A_641 : f32 to vector<16xf32>
        %mul3A_643 = arith.mulf %get3A_640, %mul3A_642 : vector<16xf32>
        %swap3A = arith.constant 1 : i32
        %swap3A_644 = arith.index_cast %swap3A : i32 to index
        %swap3A_645 = arith.index_cast %scan3A_635 : i32 to index
        %swap3A_646 = arith.constant 0 : index
        %swap3A_647 = tpu.vector_load %arg6[%swap3A_644, %swap3A_645, %swap3A_646] {strides = array<i32>} : memref<2x80x128xf32, #tpu.memory_space<vmem>>, vector<1x1x16xf32>,
        %swap3A_648 = vector.shape_cast %swap3A_647 : vector<1x1x16xf32> to vector<16xf32>
        %swap3A_649 = vector.shape_cast %mul3A_643 : vector<16xf32> to vector<1x1x16xf32>
        tpu.vector_store %arg6[%swap3A_644, %swap3A_645, %swap3A_646], %swap3A_649 {strides = array<i32>} : memref<2x80x128xf32, #tpu.memory_space<vmem>>, vector<1x1x16xf32>,
        %get3A_650 = arith.constant 1 : i32
        %get3A_651 = arith.index_cast %get3A_650 : i32 to index
        %get3A_652 = arith.index_cast %scan3A_635 : i32 to index
        %get3A_653 = arith.constant 16 : index
        %get3A_654 = tpu.vector_load %arg6[%get3A_651, %get3A_652, %get3A_653] {strides = array<i32>} : memref<2x80x128xf32, #tpu.memory_space<vmem>>, vector<1x1x16xf32>,
        %get3A_655 = vector.shape_cast %get3A_654 : vector<1x1x16xf32> to vector<16xf32>
        %mul3A_656 = arith.constant 1.000000e-01 : f32
        %mul3A_657 = vector.broadcast %mul3A_656 : f32 to vector<16xf32>
        %mul3A_658 = arith.mulf %get3A_655, %mul3A_657 : vector<16xf32>
        %swap3A_659 = arith.constant 1 : i32
        %swap3A_660 = arith.index_cast %swap3A_659 : i32 to index
        %swap3A_661 = arith.index_cast %scan3A_635 : i32 to index
        %swap3A_662 = arith.constant 16 : index
        %swap3A_663 = tpu.vector_load %arg6[%swap3A_660, %swap3A_661, %swap3A_662] {strides = array<i32>} : memref<2x80x128xf32, #tpu.memory_space<vmem>>, vector<1x1x16xf32>,
        %swap3A_664 = vector.shape_cast %swap3A_663 : vector<1x1x16xf32> to vector<16xf32>
        %swap3A_665 = vector.shape_cast %mul3A_658 : vector<16xf32> to vector<1x1x16xf32>
        tpu.vector_store %arg6[%swap3A_660, %swap3A_661, %swap3A_662], %swap3A_665 {strides = array<i32>} : memref<2x80x128xf32, #tpu.memory_space<vmem>>, vector<1x1x16xf32>,
        %get3A_666 = arith.constant 1 : i32
        %get3A_667 = arith.index_cast %get3A_666 : i32 to index
        %get3A_668 = arith.index_cast %scan3A_635 : i32 to index
        %get3A_669 = arith.constant 32 : index
        %get3A_670 = tpu.vector_load %arg6[%get3A_667, %get3A_668, %get3A_669] {strides = array<i32>} : memref<2x80x128xf32, #tpu.memory_space<vmem>>, vector<1x1x16xf32>,
        %get3A_671 = vector.shape_cast %get3A_670 : vector<1x1x16xf32> to vector<16xf32>
        %mul3A_672 = arith.constant 1.000000e-01 : f32
        %mul3A_673 = vector.broadcast %mul3A_672 : f32 to vector<16xf32>
        %mul3A_674 = arith.mulf %get3A_671, %mul3A_673 : vector<16xf32>
        %swap3A_675 = arith.constant 1 : i32
        %swap3A_676 = arith.index_cast %swap3A_675 : i32 to index
        %swap3A_677 = arith.index_cast %scan3A_635 : i32 to index
        %swap3A_678 = arith.constant 32 : index
        %swap3A_679 = tpu.vector_load %arg6[%swap3A_676, %swap3A_677, %swap3A_678] {strides = array<i32>} : memref<2x80x128xf32, #tpu.memory_space<vmem>>, vector<1x1x16xf32>,
        %swap3A_680 = vector.shape_cast %swap3A_679 : vector<1x1x16xf32> to vector<16xf32>
        %swap3A_681 = vector.shape_cast %mul3A_674 : vector<16xf32> to vector<1x1x16xf32>
        tpu.vector_store %arg6[%swap3A_676, %swap3A_677, %swap3A_678], %swap3A_681 {strides = array<i32>} : memref<2x80x128xf32, #tpu.memory_space<vmem>>, vector<1x1x16xf32>,
        %get3A_682 = arith.constant 1 : i32
        %get3A_683 = arith.index_cast %get3A_682 : i32 to index
        %get3A_684 = arith.index_cast %scan3A_635 : i32 to index
        %get3A_685 = arith.constant 48 : index
        %get3A_686 = tpu.vector_load %arg6[%get3A_683, %get3A_684, %get3A_685] {strides = array<i32>} : memref<2x80x128xf32, #tpu.memory_space<vmem>>, vector<1x1x16xf32>,
        %get3A_687 = vector.shape_cast %get3A_686 : vector<1x1x16xf32> to vector<16xf32>
        %mul3A_688 = arith.constant 1.000000e-01 : f32
        %mul3A_689 = vector.broadcast %mul3A_688 : f32 to vector<16xf32>
        %mul3A_690 = arith.mulf %get3A_687, %mul3A_689 : vector<16xf32>
        %swap3A_691 = arith.constant 1 : i32
        %swap3A_692 = arith.index_cast %swap3A_691 : i32 to index
        %swap3A_693 = arith.index_cast %scan3A_635 : i32 to index
        %swap3A_694 = arith.constant 48 : index
        %swap3A_695 = tpu.vector_load %arg6[%swap3A_692, %swap3A_693, %swap3A_694] {strides = array<i32>} : memref<2x80x128xf32, #tpu.memory_space<vmem>>, vector<1x1x16xf32>,
        %swap3A_696 = vector.shape_cast %swap3A_695 : vector<1x1x16xf32> to vector<16xf32>
        %swap3A_697 = vector.shape_cast %mul3A_690 : vector<16xf32> to vector<1x1x16xf32>
        tpu.vector_store %arg6[%swap3A_692, %swap3A_693, %swap3A_694], %swap3A_697 {strides = array<i32>} : memref<2x80x128xf32, #tpu.memory_space<vmem>>, vector<1x1x16xf32>,
        %get3A_698 = arith.constant 1 : i32
        %get3A_699 = arith.index_cast %get3A_698 : i32 to index
        %get3A_700 = arith.index_cast %scan3A_635 : i32 to index
        %get3A_701 = arith.constant 64 : index
        %get3A_702 = tpu.vector_load %arg6[%get3A_699, %get3A_700, %get3A_701] {strides = array<i32>} : memref<2x80x128xf32, #tpu.memory_space<vmem>>, vector<1x1x16xf32>,
        %get3A_703 = vector.shape_cast %get3A_702 : vector<1x1x16xf32> to vector<16xf32>
        %mul3A_704 = arith.constant 1.000000e-01 : f32
        %mul3A_705 = vector.broadcast %mul3A_704 : f32 to vector<16xf32>
        %mul3A_706 = arith.mulf %get3A_703, %mul3A_705 : vector<16xf32>
        %swap3A_707 = arith.constant 1 : i32
        %swap3A_708 = arith.index_cast %swap3A_707 : i32 to index
        %swap3A_709 = arith.index_cast %scan3A_635 : i32 to index
        %swap3A_710 = arith.constant 64 : index
        %swap3A_711 = tpu.vector_load %arg6[%swap3A_708, %swap3A_709, %swap3A_710] {strides = array<i32>} : memref<2x80x128xf32, #tpu.memory_space<vmem>>, vector<1x1x16xf32>,
        %swap3A_712 = vector.shape_cast %swap3A_711 : vector<1x1x16xf32> to vector<16xf32>
        %swap3A_713 = vector.shape_cast %mul3A_706 : vector<16xf32> to vector<1x1x16xf32>
        tpu.vector_store %arg6[%swap3A_708, %swap3A_709, %swap3A_710], %swap3A_713 {strides = array<i32>} : memref<2x80x128xf32, #tpu.memory_space<vmem>>, vector<1x1x16xf32>,
        %get3A_714 = arith.constant 1 : i32
        %get3A_715 = arith.index_cast %get3A_714 : i32 to index
        %get3A_716 = arith.index_cast %scan3A_635 : i32 to index
        %get3A_717 = arith.constant 80 : index
        %get3A_718 = tpu.vector_load %arg6[%get3A_715, %get3A_716, %get3A_717] {strides = array<i32>} : memref<2x80x128xf32, #tpu.memory_space<vmem>>, vector<1x1x16xf32>,
        %get3A_719 = vector.shape_cast %get3A_718 : vector<1x1x16xf32> to vector<16xf32>
        %mul3A_720 = arith.constant 1.000000e-01 : f32
        %mul3A_721 = vector.broadcast %mul3A_720 : f32 to vector<16xf32>
        %mul3A_722 = arith.mulf %get3A_719, %mul3A_721 : vector<16xf32>
        %swap3A_723 = arith.constant 1 : i32
        %swap3A_724 = arith.index_cast %swap3A_723 : i32 to index
        %swap3A_725 = arith.index_cast %scan3A_635 : i32 to index
        %swap3A_726 = arith.constant 80 : index
        %swap3A_727 = tpu.vector_load %arg6[%swap3A_724, %swap3A_725, %swap3A_726] {strides = array<i32>} : memref<2x80x128xf32, #tpu.memory_space<vmem>>, vector<1x1x16xf32>,
        %swap3A_728 = vector.shape_cast %swap3A_727 : vector<1x1x16xf32> to vector<16xf32>
        %swap3A_729 = vector.shape_cast %mul3A_722 : vector<16xf32> to vector<1x1x16xf32>
        tpu.vector_store %arg6[%swap3A_724, %swap3A_725, %swap3A_726], %swap3A_729 {strides = array<i32>} : memref<2x80x128xf32, #tpu.memory_space<vmem>>, vector<1x1x16xf32>,
        %get3A_730 = arith.constant 1 : i32
        %get3A_731 = arith.index_cast %get3A_730 : i32 to index
        %get3A_732 = arith.index_cast %scan3A_635 : i32 to index
        %get3A_733 = arith.constant 96 : index
        %get3A_734 = tpu.vector_load %arg6[%get3A_731, %get3A_732, %get3A_733] {strides = array<i32>} : memref<2x80x128xf32, #tpu.memory_space<vmem>>, vector<1x1x16xf32>,
        %get3A_735 = vector.shape_cast %get3A_734 : vector<1x1x16xf32> to vector<16xf32>
        %mul3A_736 = arith.constant 1.000000e-01 : f32
        %mul3A_737 = vector.broadcast %mul3A_736 : f32 to vector<16xf32>
        %mul3A_738 = arith.mulf %get3A_735, %mul3A_737 : vector<16xf32>
        %swap3A_739 = arith.constant 1 : i32
        %swap3A_740 = arith.index_cast %swap3A_739 : i32 to index
        %swap3A_741 = arith.index_cast %scan3A_635 : i32 to index
        %swap3A_742 = arith.constant 96 : index
        %swap3A_743 = tpu.vector_load %arg6[%swap3A_740, %swap3A_741, %swap3A_742] {strides = array<i32>} : memref<2x80x128xf32, #tpu.memory_space<vmem>>, vector<1x1x16xf32>,
        %swap3A_744 = vector.shape_cast %swap3A_743 : vector<1x1x16xf32> to vector<16xf32>
        %swap3A_745 = vector.shape_cast %mul3A_738 : vector<16xf32> to vector<1x1x16xf32>
        tpu.vector_store %arg6[%swap3A_740, %swap3A_741, %swap3A_742], %swap3A_745 {strides = array<i32>} : memref<2x80x128xf32, #tpu.memory_space<vmem>>, vector<1x1x16xf32>,
        %get3A_746 = arith.constant 1 : i32
        %get3A_747 = arith.index_cast %get3A_746 : i32 to index
        %get3A_748 = arith.index_cast %scan3A_635 : i32 to index
        %get3A_749 = arith.constant 112 : index
        %get3A_750 = tpu.vector_load %arg6[%get3A_747, %get3A_748, %get3A_749] {strides = array<i32>} : memref<2x80x128xf32, #tpu.memory_space<vmem>>, vector<1x1x16xf32>,
        %get3A_751 = vector.shape_cast %get3A_750 : vector<1x1x16xf32> to vector<16xf32>
        %mul3A_752 = arith.constant 1.000000e-01 : f32
        %mul3A_753 = vector.broadcast %mul3A_752 : f32 to vector<16xf32>
        %mul3A_754 = arith.mulf %get3A_751, %mul3A_753 : vector<16xf32>
        %swap3A_755 = arith.constant 1 : i32
        %swap3A_756 = arith.index_cast %swap3A_755 : i32 to index
        %swap3A_757 = arith.index_cast %scan3A_635 : i32 to index
        %swap3A_758 = arith.constant 112 : index
        %swap3A_759 = tpu.vector_load %arg6[%swap3A_756, %swap3A_757, %swap3A_758] {strides = array<i32>} : memref<2x80x128xf32, #tpu.memory_space<vmem>>, vector<1x1x16xf32>,
        %swap3A_760 = vector.shape_cast %swap3A_759 : vector<1x1x16xf32> to vector<16xf32>
        %swap3A_761 = vector.shape_cast %mul3A_754 : vector<16xf32> to vector<1x1x16xf32>
        tpu.vector_store %arg6[%swap3A_756, %swap3A_757, %swap3A_758], %swap3A_761 {strides = array<i32>} : memref<2x80x128xf32, #tpu.memory_space<vmem>>, vector<1x1x16xf32>,
      }
      %scan3A_630 = arith.constant 80 : i32
      %mul3A_631 = arith.constant 80 : i32
      %mul3A_632 = arith.muli %add3A_624, %mul3A_631 : i32
      %add3A_633 = arith.addi %mul3A_12, %mul3A_632 : i32
      %run_scoped3A_634 = arith.constant 1 : i32
      "tpu.region"() ({
        %run_scoped3A_635 = tpu.sem_alloc : memref<!tpu.dma_semaphore, #tpu.memory_space<semaphore_mem>>
        %dma_start3A_636 = arith.constant 0 : i32
        %dma_start3A_637 = arith.constant 0 : i32
        %dma_start3A_638 = tpu.memref_slice %arg6[%run_scoped3A_634, %dma_start3A_636, %dma_start3A_637] : memref<2x80x128xf32, #tpu.memory_space<vmem>> -> memref<1x80x128xf32, #tpu.memory_space<vmem>>
        %dma_start3A_639 = tpu.memref_squeeze %dma_start3A_638 : memref<1x80x128xf32, #tpu.memory_space<vmem>> -> memref<80x128xf32, #tpu.memory_space<vmem>>
        %dma_start3A_640 = arith.constant 0 : i32
        %dma_start3A_641 = tpu.memref_slice %arg4[%add3A_633, %dma_start3A_640] : memref<100000x128xf32, #tpu.memory_space<hbm>> -> memref<80x128xf32, #tpu.memory_space<hbm>>
        %dma_start3A_642 = arith.constant 0 : i32
        %dma_start3A_643 = tpu.memref_slice %arg4[%add3A_633, %dma_start3A_642] : memref<100000x128xf32, #tpu.memory_space<hbm>> -> memref<80x128xf32, #tpu.memory_space<hbm>>
        %dma_start3A_644 = arith.constant 0 : i32
        %dma_start3A_645 = arith.constant 0 : i32
        %dma_start3A_646 = tpu.memref_slice %arg6[%run_scoped3A_634, %dma_start3A_644, %dma_start3A_645] : memref<2x80x128xf32, #tpu.memory_space<vmem>> -> memref<1x80x128xf32, #tpu.memory_space<vmem>>
        %dma_start3A_647 = tpu.memref_squeeze %dma_start3A_646 : memref<1x80x128xf32, #tpu.memory_space<vmem>> -> memref<80x128xf32, #tpu.memory_space<vmem>>
        tpu.enqueue_dma source(%dma_start3A_647 : memref<80x128xf32, #tpu.memory_space<vmem>>) target(%dma_start3A_643 : memref<80x128xf32, #tpu.memory_space<hbm>>) target_semaphore(%run_scoped3A_635 : memref<!tpu.dma_semaphore, #tpu.memory_space<semaphore_mem>>)
        %dma_wait3A_648 = arith.constant 0 : i32
        %dma_wait3A_649 = arith.constant 0 : i32
        %dma_wait3A_650 = tpu.memref_slice %arg6[%run_scoped3A_634, %dma_wait3A_648, %dma_wait3A_649] : memref<2x80x128xf32, #tpu.memory_space<vmem>> -> memref<1x80x128xf32, #tpu.memory_space<vmem>>
        %dma_wait3A_651 = tpu.memref_squeeze %dma_wait3A_650 : memref<1x80x128xf32, #tpu.memory_space<vmem>> -> memref<80x128xf32, #tpu.memory_space<vmem>>
        %dma_wait3A_652 = arith.constant 0 : i32
        %dma_wait3A_653 = tpu.memref_slice %arg4[%add3A_633, %dma_wait3A_652] : memref<100000x128xf32, #tpu.memory_space<hbm>> -> memref<80x128xf32, #tpu.memory_space<hbm>>
        %dma_wait3A_654 = arith.constant 0 : i32
        %dma_wait3A_655 = tpu.memref_slice %arg4[%add3A_633, %dma_wait3A_654] : memref<100000x128xf32, #tpu.memory_space<hbm>> -> memref<80x128xf32, #tpu.memory_space<hbm>>
        %dma_wait3A_656 = arith.constant 0 : i32
        %dma_wait3A_657 = arith.constant 0 : i32
        %dma_wait3A_658 = tpu.memref_slice %arg6[%run_scoped3A_634, %dma_wait3A_656, %dma_wait3A_657] : memref<2x80x128xf32, #tpu.memory_space<vmem>> -> memref<1x80x128xf32, #tpu.memory_space<vmem>>
        %dma_wait3A_659 = tpu.memref_squeeze %dma_wait3A_658 : memref<1x80x128xf32, #tpu.memory_space<vmem>> -> memref<80x128xf32, #tpu.memory_space<vmem>>
        tpu.wait_dma2 semaphore(%run_scoped3A_635 : memref<!tpu.dma_semaphore, #tpu.memory_space<semaphore_mem>>) src(%dma_wait3A_659 : memref<80x128xf32, #tpu.memory_space<vmem>>) dst(%dma_wait3A_655 : memref<80x128xf32, #tpu.memory_space<hbm>>)
        tpu.yield
      }) : () -> ()
    }
    return
  }
}

</mosaic_0001>

<sc_bundles>
// kernel: kernel.3.cloned.1.call-start
scs
__scs_entry_jumppad:
0x0: {  	(pc) =	sbr.rel $0x88, $3  }
0x1: {  	(tag) =	ssettag $0x0;
	lr =	simm.s32 $0x1  }
0x2: {  	[smem:$0x3F9F] =	sst lr;
	_ =	strace $0xD0000000  }
0x3: {  	_ = 	snop  }
0x4: {  	_ = 	snop  }
0x5: {  	_ = 	snop  }
0x6: {  	_ = 	snop  }
0x7: {  	_ = 	snop  }
__scs_overlays_trampoline_lowered:
0x8: {  	[smem:$0x3FAE] =	sst s0  }
0x9: {  	[smem:$0x3FAF] =	sst s1  }
0xa: {  	[smem:$0x3FB0] =	sst s2  }
0xb: {  	[smem:$0x3FB1] =	sst s3  }
0xc: {  	[smem:$0x3FB2] =	sst s4  }
0xd: {  	[smem:$0x3FB3] =	sst s5  }
0xe: {  	[smem:$0x3FB4] =	sst s6  }
0xf: {  	[smem:$0x3FB5] =	sst s7  }
0x10: {  	[smem:$0x3FB6] =	sst s8  }
0x11: {  	[smem:$0x3FB7] =	sst s9;
	s0 =	simm.s32 @!p0 $0x0  }
0x12: {  	s1 =	sld [smem:$0x3F9D];
	s0 =	simm.s32 @p0 $0x1  }
0x13: {  	[smem:$0x3FB8] =	sst s0;
	s0 =	simm.s32 @!p1 $0x0  }
0x14: {  	s2 =	sld [smem:$0x3F9C];
	s0 =	simm.s32 @p1 $0x1  }
0x15: {  	[smem:$0x3FB9] =	sst s0;
	s0 =	simm.s32 @!p2 $0x0  }
0x16: {  	s3 =	sld [smem:$0x3FDB];
	s0 =	simm.s32 @p2 $0x1  }
0x17: {  	s4 =	simm.s32 $0x1BF5;
	[smem:$0x3FBB] =	sst s0  }
0x18: {  	s0 =	sld [smem:$0x3F9E];
	_ =	swait.ge [sflag:s4], $0x0  }
0x19: {  	s7 =	sld [smem:$0x3F9F]  }
0x1a: {  	s8 =	sadd.s32 $0xFFFFE003, lr  }
0x1b: {  	s9 =	sadd.s32 $0xFFFFFEF7, lr;
	s5 =	simm.s32 $0xFFFFFFFF;
	p2 =	slt.u32 s8, $0xFFFFF086  }
0x1c: {  	p1 =	slt.u32 s9, $0xF7A;
	s5 =	simm.s32 @!p2 $0x0  }
0x1d: {  	s5 =	simm.s32 @p1 $0x1;
	p0 =	seq.s32 s7, s2  }
0x1e: {  	s7 =	smul.u32 @!p0 $0xF7A, s2;
	p2 =	seq.s32 @!p0 s5, $0x0  }
0x1f: {  	s9 =	smul.u32 $0xF7A, s1;
	s8 =	simm.s32 @!p0 $0x1BF5;
	p2 =	por !p2, p0  }
0x20: {  	[sflag:s8] =	ssyncset.s32 @!p0 $0xFFFFF086;
	s6 =	sadd.s32 @!p0 s3, s7;
	s7 =	simm.s32 @!p0 $0x108  }
0x21: {  	s3 =	sadd.s32 s3, s9;
	s6 =	sadd.s32 @!p0 $0x88, s6;
	s7 =	simm.s32 @p2 $0x1082  }
0x22: {  	[simem:s7], [sflag:s8] =	dma.local @!p0 [hbm:s6], $0xF7A  }
0x23: {  	s9 =	sor.u32 $0xD0000000, s2;
	s6 =	simm.s32 $0x108;
	_ =	swait.ge @!p0 [sflag:s8], $0x0  }
0x24: {  	s3 =	sadd.s32 $0x88, s3;
	s6 =	simm.s32 @!p1 $0x1082;
	[sflag:s4] =	ssyncset.s32 $0xFFFFF086  }
0x25: {  	[simem:s6], [sflag:s4] =	dma.local [hbm:s3], $0xF7A  }
0x26: {  	[smem:$0x3F9F] =	sst s1;
	(tag) =	ssettag s2;
	_ =	strace s9  }
0x27: {  	s1 =	sld [smem:$0x3FAF]  }
0x28: {  	s2 =	sld [smem:$0x3FB0]  }
0x29: {  	s4 =	sld [smem:$0x3FB2]  }
0x2a: {  	p0 =	seq.s32 s5, $0x0;
	s5 =	sld [smem:$0x3FB3]  }
0x2b: {  	s6 =	sld [smem:$0x3FB4]  }
0x2c: {  	s7 =	sld [smem:$0x3FB5]  }
0x2d: {  	s3 =	simm.s32 $0x108;
	s8 =	sld [smem:$0x3FB6]  }
0x2e: {  	s3 =	simm.s32 @!p0 $0x1082;
	s9 =	sld [smem:$0x3FB7]  }
0x2f: {  	lr =	sadd.s32 s0, s3;
	s0 =	sld [smem:$0x3FAE]  }
0x30: {  	s3 =	sld [smem:$0x3FB1]  }
0x31: {  	[smem:$0x3FBA] =	sst s10  }
0x32: {  	s10 =	sld [smem:$0x3FB8];
	_ =	sdelay $0x3  }
0x33: {  	p0 =	seq.s32 s10, $0x1;
	s10 =	sld [smem:$0x3FBA];
	_ =	sdelay $0x3  }
0x34: {  	[smem:$0x3FBA] =	sst s10  }
0x35: {  	s10 =	sld [smem:$0x3FB9];
	_ =	sdelay $0x3  }
0x36: {  	p1 =	seq.s32 s10, $0x1;
	s10 =	sld [smem:$0x3FBA];
	_ =	sdelay $0x3  }
0x37: {  	[smem:$0x3FBA] =	sst s10  }
0x38: {  	s10 =	sld [smem:$0x3FBB]  }
0x39: {  	_ = 	snop;
	(pc) =	sbr.ind lr, $3  }
0x3a: {  	_ = 	snop  }
0x3b: {  	_ = 	snop  }
0x3c: {  	p2 =	seq.s32 s10, $0x1;
	s10 =	sld [smem:$0x3FBA]  }
0x3d: {  	_ =	shalt  }
0x3e: {  	_ =	shalt  }
0x3f: {  	_ =	shalt  }
0x40: {  	_ =	shalt  }
0x41: {  	_ =	shalt  }
0x42: {  	_ =	shalt  }
0x43: {  	_ =	shalt  }
0x44: {  	_ =	shalt  }
0x45: {  	_ =	shalt  }
0x46: {  	_ =	shalt  }
0x47: {  	_ =	shalt  }
0x48: {  	_ =	shalt  }
0x49: {  	_ =	shalt  }
0x4a: {  	_ =	shalt  }
0x4b: {  	_ =	shalt  }
0x4c: {  	_ =	shalt  }
0x4d: {  	_ =	shalt  }
0x4e: {  	_ =	shalt  }
0x4f: {  	_ =	shalt  }
0x50: {  	_ =	shalt  }
0x51: {  	_ =	shalt  }
0x52: {  	_ =	shalt  }
0x53: {  	_ =	shalt  }
0x54: {  	_ =	shalt  }
0x55: {  	_ =	shalt  }
0x56: {  	_ =	shalt  }
0x57: {  	_ =	shalt  }
0x58: {  	_ =	shalt  }
0x59: {  	_ =	shalt  }
0x5a: {  	_ =	shalt  }
0x5b: {  	_ =	shalt  }
0x5c: {  	_ =	shalt  }
0x5d: {  	_ =	shalt  }
0x5e: {  	_ =	shalt  }
0x5f: {  	_ =	shalt  }
0x60: {  	_ =	shalt  }
0x61: {  	_ =	shalt  }
0x62: {  	_ =	shalt  }
0x63: {  	_ =	shalt  }
0x64: {  	_ =	shalt  }
0x65: {  	_ =	shalt  }
0x66: {  	_ =	shalt  }
0x67: {  	_ =	shalt  }
0x68: {  	_ =	shalt  }
0x69: {  	_ =	shalt  }
0x6a: {  	_ =	shalt  }
0x6b: {  	_ =	shalt  }
0x6c: {  	_ =	shalt  }
0x6d: {  	_ =	shalt  }
0x6e: {  	_ =	shalt  }
0x6f: {  	_ =	shalt  }
0x70: {  	_ =	shalt  }
0x71: {  	_ =	shalt  }
0x72: {  	_ =	shalt  }
0x73: {  	_ =	shalt  }
0x74: {  	_ =	shalt  }
0x75: {  	_ =	shalt  }
0x76: {  	_ =	shalt  }
0x77: {  	_ =	shalt  }
0x78: {  	_ =	shalt  }
0x79: {  	_ =	shalt  }
0x7a: {  	_ =	shalt  }
0x7b: {  	_ =	shalt  }
0x7c: {  	_ =	shalt  }
0x7d: {  	_ =	shalt  }
0x7e: {  	_ =	shalt  }
0x7f: {  	_ =	shalt  }
0x80: {  	_ =	shalt  }
0x81: {  	_ =	shalt  }
0x82: {  	_ =	shalt  }
0x83: {  	_ =	shalt  }
0x84: {  	_ =	shalt  }
0x85: {  	_ =	shalt  }
0x86: {  	_ =	shalt  }
0x87: {  	_ =	shalt  }
.Lfunc_end0:
.L_simem_size_0:
called_computation_lowered:
.L_overlay_start_0:
0x88: {  	s2 =	sld [smem:$0x3FD9]  }
0x89: {  	s3 =	sld [smem:$0x3FFE];
	_ =	sdelay $0x1  }
0x8a: {  	s1 =	srdreg.scid  }
0x8b: {  	s0 =	sand.u32 $0x1, s1  }
0x8c: {  	s17 =	sshll.u32 s0, $0xA;
	s2 =	sadd.s32 s3, s2  }
0x8d: {  	s2 =	sadd.s32 s2, s17  }
0x8e: {  	[smem:$0x3FC6] =	sst s2  }
0x8f: {  	_ = 	snop  }
0x90: {  	s2 =	sld [smem:$0x3FC8]  }
0x91: {  	s18 =	sld [smem:$0x3FD0];
	(tm) =	ssettm $0x1  }
0x92: {  	s4 =	sld [smem:$0x3FFB];
	_ =	sdelay $0x3  }
0x93: {  	_ =	strace s4  }
0x94: {  	s4 =	sld [smem:$0x3FFC];
	_ =	sdelay $0x3  }
0x95: {  	_ =	strace s4  }
0x96: {  	s4 =	sld [smem:$0x3FFD];
	_ =	sdelay $0x3  }
0x97: {  	_ =	strace s4  }
0x98: {  	_ =	strace $0x8FFFFFFF  }
0x99: {  	s19 =	sld [smem:$0x3FDB];
	_ =	sdelay $0x1  }
0x9a: {  	s5 =	simm.s32 $_scs_section_size  }
0x9b: {  	s6 =	simm.s32 $_size__tile_overlayer_lowered;
	s7 =	simm.s32 $_tile_overlayer_lowered  }
0x9c: {  	s22 =	simm.s32 $0x1BFF;
	s21 =	sshll.u32 s7, $0x1;
	s4 =	sadd.s32 s5, s19  }
0x9d: {  	s8 =	simm.s32 $0x0;
	s20 =	sshll.u32 s6, $0x1;
	s6 =	sadd.s32 s21, s4  }
0x9e: {  	[timem:s8], [sflag:s22] =	dma.local [hbm:s6], s20  }
0x9f: {  	_ =	swait.ge [sflag:s22], s20  }
0xa0: {  	s5 =	ssub.s32 $0x0, s20;
	[sflag:s22] =	ssyncset.done $0x0  }
0xa1: {  	[sflag:s22] =	ssyncadd.s32 s5;
	_ =	sdelay $0x1  }
0xa2: {  	s23 =	simm.s32 $0x1B8B  }
0xa3: {  	_ =	swait.ge [sflag:s23], $0x1  }
0xa4: {  	[sflag:s23] =	ssyncset.done $0x0  }
0xa5: {  	s25 =	simm.s32 $0x1B8E;
	s24 =	sld [smem:$0x3FFE];
	[sflag:s23] =	ssyncadd.s32 $0xFFFFFFFF  }
0xa6: {  	s26 =	simm.s32 $execute0_lowered;
	[smem:$0x3FD2] =	sst s25  }
0xa7: {  	s6 =	sshll.u32 s26, $0x1;
	_ =	strace $0x80000046;
	[dreg:$0x1] =	wrdreg $0xFFFFFFFF  }
0xa8: {  	s28 =	simm.s32 $_size_execute0_lowered;
	s4 =	sadd.s32 s4, s6;
	[dreg:$0x0] =	wrdreg $0x0  }
0xa9: {  	s6 =	sshll.u32 s28, $0x1;
	[dreg:$0x2] =	wrdreg s4  }
0xaa: {  	[dreg:$0x3] =	wrdreg s6  }
0xab: {  	[dreg:$0x4] =	wrdreg $0xC0  }
0xac: {  	_ =	task [dreg:s8], $0x5FFFF  }
0xad: {  	[dreg:$0x1] =	wrdreg $0xFFFFFFFF  }
0xae: {  	[dreg:$0x0] =	wrdreg $0x60  }
0xaf: {  	[dreg:$0x2] =	wrdreg s2  }
0xb0: {  	[dreg:$0x3] =	wrdreg s24  }
0xb1: {  	[dreg:$0x4] =	wrdreg s18  }
0xb2: {  	[dreg:$0x5] =	wrdreg $0x9  }
0xb3: {  	_ =	task.clear_ibuf [dreg:s8], $0x6FFFF;
	_ =	strace $0x90000046  }
0xb4: {  	s29 =	simm.s32 $0x9;
	_ =	strace $0x80000048  }
0xb5: {  	_ =	swait.ge [sflag:s29], $0x1  }
0xb6: {  	[sflag:s29] =	ssyncadd.s32 $0xFFFFFFFF  }
0xb7: {  	_ =	strace $0x90000048  }
0xb8: {  	_ =	sfence  }
0xb9: {  	s30 =	sld [smem:$0x0];
	_ =	sdelay $0x2  }
0xba: {  	s31 =	sshll.u32 s1, $0xD;
	s1 =	sshrl.u32 s1, $0x2  }
0xbb: {  	s3 =	sand.u32 $0x4000, s31;
	s1 =	sadd.s32 s1, s30  }
0xbc: {  	s0 =	sor.u32 s3, s0;
	s1 =	sshll.u32 s1, $0x11  }
0xbd: {  	s0 =	sor.u32 s1, s0  }
0xbe: {  	s0 =	sadd.s32 $0x8F2B, s0  }
0xbf: {  	[sflag:s0] =	ssyncadd.remote.s32 $0x1  }
0xc0: {  	_ =	sfence.sel $0xFFFF  }
0xc1: {  	[dreg:$0x0] =	wrdreg $0xFFFFFFFF;
	(pc) =	sbr.abs _section_cstart, $3  }
0xc2: {  	[dreg:$0x1] =	wrdreg $0xFFFFFFFF  }
0xc3: {  	_ =	task.clear_ibuf [dreg:s8], $0x2FFFF;
	_ =	strace $0x9FFFFFFF  }
0xc4: {  	(tm) =	ssettm $0x7FFFFFFF  }
0xc5: {  	_ =	shalt  }
tec
execute0_lowered:
.L_overlay_start_1:
0x0: {  	(tag) =	ssettag $0x1  }
0x1: {  	s1 =	srdreg.scid;
	s0 =	stileid.u32  }
0x2: {  	s4 =	sand.u32 $0x1, s1;
	s30 =	sshll.u32 s0, $0x1  }
0x3: {  	s1 =	sor.u32 s4, s30  }
0x4: {  	s2 =	smul.u32 $0x13, s1  }
0x5: {  	s3 =	smul.u32 $0x14, s1  }
0x6: {  	p0 =	slt.u32 s1, $0x11;
	s1 =	sadd.s32 $0x11, s2  }
0x7: {  	s1 =	smov.u32 @p0 s3  }
0x8: {  	s2 =	simm.s32 $0x14;
	s8 =	smul.u32 $0xC8, s1  }
0x9: {  	s5 =	rddreg [dreg:$0x0];
	s2 =	simm.s32 @!p0 $0x13;
	s3 =	smul.u32 $0xA0, s1  }
0xa: {  	s10 =	rddreg [dreg:$0x1];
	s9 =	smul.u32 $0x280, s2  }
0xb: {  	s6 =	rddreg [dreg:$0x2];
	s11 =	smul.u32 $0x500, s2  }
0xc: {  	s7 =	simm.s32 $0x0;
	s20 =	simm.s32 $0x3;
	s12 =	smul.u32 $0x780, s2  }
0xd: {  	s21 =	simm.s32 $0x50;
	s22 =	simm.s32 $0x7D00;
	s13 =	smul.u32 $0xA00, s2  }
0xe: {  	s23 =	simm.s32 $0xA500;
	s24 =	simm.s32 $0x1;
	s14 =	smul.u32 $0xC80, s2  }
0xf: {  	s25 =	simm.s32 $0x2;
	s4 =	ssub.s32 $0x2, s4;
	s16 =	smul.u32 $0xF00, s2  }
0x10: {  	s26 =	simm.s32 $0x0;
	s15 =	sshrl.u32 s4, $0x1;
	s31 =	smul.u32 $0x1180, s2  }
0x11: {  	[smem:$0x7FF] =	sst s7;
	s4 =	ssub.s32 s4, s15;
	s17 =	smul.u32 $0x1400, s2  }
0x12: {  	_ =	strace $0x80000047;
	s19 =	smax.u32 s4, $0x1;
	s18 =	smul.u32 $0x1680, s2  }
0x13: {  	s8 =	sadd.s32 s8, s10;
	s9 =	sshrl.u32 s9, $0x2;
	s10 =	sshrl.u32 s11, $0x2  }
0x14: {  	s11 =	sshrl.u32 s12, $0x2;
	s12 =	sshrl.u32 s13, $0x2;
	s13 =	sshrl.u32 s14, $0x2  }
0x15: {  	s14 =	sshrl.u32 s16, $0x2;
	s15 =	sshrl.u32 s31, $0x2;
	s16 =	sshrl.u32 s17, $0x2  }
0x16: {  	v0 =	vimm.f32 $0.0e+00;
	s17 =	sshrl.u32 s18, $0x2;
	s18 =	sadd.s32 $0xFFFFFFFF, s2;
	s8 =	sadd.s32 $0xC00, s8  }
.LBB2_1:
0x17: {  	[tilespmem:s7], [sflag:$0x3] =	stream.linear.gather [hbm4b:s8+s7], $0x7D00, $0x38;
	[tilespmem:$0xCD00] =	vst v63  }
0x18: {  	_ =	swait.ge [sflag:s20], $0x7D00  }
0x19: {  	[sflag:s20] =	ssyncset.done $0x0  }
0x1a: {  	s4 =	simm.s32 $0x0;
	s28 =	simm.s32 $0x200;
	[sflag:s20] =	ssyncadd.s32 $0xFFFF8300  }
.LBB2_2:
0x1b: {  	p0 =	sne.s32 s28, $0x9E00;
	[tilespmem:s4+$0x7D70] =	vst v0  }
0x1c: {  	[tilespmem:s4+$0x7D00] =	vst v0  }
0x1d: {  	[tilespmem:s4+$0x7D10] =	vst v0  }
.Ltmp0:
0x1e: {  	[tilespmem:s4+$0x7D20] =	vst v0;
	(pc) =	sbr.rel @p0 .LBB2_2-.Ltmp0, $4  }
0x1f: {  	[tilespmem:s4+$0x7D30] =	vst v0  }
0x20: {  	[tilespmem:s4+$0x7D40] =	vst v0  }
0x21: {  	[tilespmem:s4+$0x7D50] =	vst v0  }
0x22: {  	[tilespmem:s4+$0x7D60] =	vst v0;
	s4 =	sshra.s32 s28, $0x2;
	s28 =	sadd.s32 $0x200, s28  }
0x23: {  	[tilespmem:s4+$0x7D70] =	vst v0  }
0x24: {  	[tilespmem:s4+$0x7D00] =	vst v0  }
0x25: {  	[tilespmem:s4+$0x7D10] =	vst v0  }
0x26: {  	[tilespmem:s4+$0x7D20] =	vst v0  }
0x27: {  	[tilespmem:s4+$0x7D30] =	vst v0  }
0x28: {  	[tilespmem:s4+$0x7D40] =	vst v0  }
0x29: {  	[tilespmem:s4+$0x7D50] =	vst v0  }
0x2a: {  	[tilespmem:s4+$0x7D60] =	vst v0;
	s28 =	simm.s32 $0x0  }
0x2b: {  	[tilespmem:s22], [sflag:$0x1] =	stream.indirect.gather.add.f32 [hbm:s5], $0x80, s28, s21, $0xb8;
	[tilespmem:$0xCD00] =	vst v63  }
0x2c: {  	_ = 	snop  }
0x2d: {  	[tilespmem:s22], [sflag:$0x1] =	stream.indirect.gather.add.f32 [hbm:s5], $0x80, s9, s21, $0xb8;
	[tilespmem:$0xCD00] =	vst v63  }
0x2e: {  	_ = 	snop  }
0x2f: {  	[tilespmem:s22], [sflag:$0x1] =	stream.indirect.gather.add.f32 [hbm:s5], $0x80, s10, s21, $0xb8;
	[tilespmem:$0xCD00] =	vst v63  }
0x30: {  	_ = 	snop  }
0x31: {  	[tilespmem:s22], [sflag:$0x1] =	stream.indirect.gather.add.f32 [hbm:s5], $0x80, s11, s21, $0xb8;
	[tilespmem:$0xCD00] =	vst v63  }
0x32: {  	_ = 	snop  }
0x33: {  	[tilespmem:s22], [sflag:$0x1] =	stream.indirect.gather.add.f32 [hbm:s5], $0x80, s12, s21, $0xb8;
	[tilespmem:$0xCD00] =	vst v63  }
0x34: {  	_ = 	snop  }
0x35: {  	[tilespmem:s22], [sflag:$0x1] =	stream.indirect.gather.add.f32 [hbm:s5], $0x80, s13, s21, $0xb8;
	[tilespmem:$0xCD00] =	vst v63  }
0x36: {  	_ = 	snop  }
0x37: {  	[tilespmem:s22], [sflag:$0x1] =	stream.indirect.gather.add.f32 [hbm:s5], $0x80, s14, s21, $0xb8;
	[tilespmem:$0xCD00] =	vst v63  }
0x38: {  	_ = 	snop  }
0x39: {  	[tilespmem:s22], [sflag:$0x1] =	stream.indirect.gather.add.f32 [hbm:s5], $0x80, s15, s21, $0xb8;
	[tilespmem:$0xCD00] =	vst v63  }
0x3a: {  	_ = 	snop  }
0x3b: {  	[tilespmem:s22], [sflag:$0x1] =	stream.indirect.gather.add.f32 [hbm:s5], $0x80, s16, s21, $0xb8;
	[tilespmem:$0xCD00] =	vst v63  }
0x3c: {  	_ = 	snop  }
0x3d: {  	[tilespmem:s22], [sflag:$0x1] =	stream.indirect.gather.add.f32 [hbm:s5], $0x80, s17, s21, $0xb8;
	[tilespmem:$0xCD00] =	vst v63  }
.LBB2_4:
0x3e: {  	s4 =	simm.s32 $0x0;
	s29 =	simm.s32 $0x200  }
.LBB2_5:
0x3f: {  	p0 =	sne.s32 s29, $0x9E00;
	[tilespmem:s4+$0xA570] =	vst v0  }
0x40: {  	[tilespmem:s4+$0xA500] =	vst v0  }
0x41: {  	[tilespmem:s4+$0xA510] =	vst v0  }
.Ltmp1:
0x42: {  	[tilespmem:s4+$0xA520] =	vst v0;
	(pc) =	sbr.rel @p0 .LBB2_5-.Ltmp1, $4  }
0x43: {  	[tilespmem:s4+$0xA530] =	vst v0  }
0x44: {  	[tilespmem:s4+$0xA540] =	vst v0  }
0x45: {  	[tilespmem:s4+$0xA550] =	vst v0  }
0x46: {  	[tilespmem:s4+$0xA560] =	vst v0;
	s4 =	sshra.s32 s29, $0x2;
	s29 =	sadd.s32 $0x200, s29  }
0x47: {  	[tilespmem:s4+$0xA570] =	vst v0  }
0x48: {  	[tilespmem:s4+$0xA500] =	vst v0  }
0x49: {  	[tilespmem:s4+$0xA510] =	vst v0  }
0x4a: {  	[tilespmem:s4+$0xA520] =	vst v0  }
0x4b: {  	[tilespmem:s4+$0xA530] =	vst v0  }
0x4c: {  	[tilespmem:s4+$0xA540] =	vst v0;
	s30 =	smul.u32 $0xA0, s28  }
0x4d: {  	[tilespmem:s4+$0xA550] =	vst v0  }
0x4e: {  	[tilespmem:s4+$0xA560] =	vst v0;
	s29 =	sadd.s32 $0x50, s30  }
0x4f: {  	[tilespmem:s23], [sflag:$0x2] =	stream.indirect.gather.add.f32 [hbm:s5], $0x80, s29, s21, $0xb8;
	[tilespmem:$0xCD00] =	vst v63  }
0x50: {  	s0 =	sadd.s32 s29, s9  }
0x51: {  	[tilespmem:s23], [sflag:$0x2] =	stream.indirect.gather.add.f32 [hbm:s5], $0x80, s0, s21, $0xb8;
	[tilespmem:$0xCD00] =	vst v63  }
0x52: {  	s0 =	sadd.s32 s29, s10  }
0x53: {  	[tilespmem:s23], [sflag:$0x2] =	stream.indirect.gather.add.f32 [hbm:s5], $0x80, s0, s21, $0xb8;
	[tilespmem:$0xCD00] =	vst v63  }
0x54: {  	s0 =	sadd.s32 s29, s11  }
0x55: {  	[tilespmem:s23], [sflag:$0x2] =	stream.indirect.gather.add.f32 [hbm:s5], $0x80, s0, s21, $0xb8;
	[tilespmem:$0xCD00] =	vst v63  }
0x56: {  	s0 =	sadd.s32 s29, s12  }
0x57: {  	[tilespmem:s23], [sflag:$0x2] =	stream.indirect.gather.add.f32 [hbm:s5], $0x80, s0, s21, $0xb8;
	[tilespmem:$0xCD00] =	vst v63  }
0x58: {  	s0 =	sadd.s32 s29, s13  }
0x59: {  	[tilespmem:s23], [sflag:$0x2] =	stream.indirect.gather.add.f32 [hbm:s5], $0x80, s0, s21, $0xb8;
	[tilespmem:$0xCD00] =	vst v63  }
0x5a: {  	s0 =	sadd.s32 s29, s14  }
0x5b: {  	[tilespmem:s23], [sflag:$0x2] =	stream.indirect.gather.add.f32 [hbm:s5], $0x80, s0, s21, $0xb8;
	[tilespmem:$0xCD00] =	vst v63  }
0x5c: {  	s0 =	sadd.s32 s29, s15  }
0x5d: {  	[tilespmem:s23], [sflag:$0x2] =	stream.indirect.gather.add.f32 [hbm:s5], $0x80, s0, s21, $0xb8;
	[tilespmem:$0xCD00] =	vst v63  }
0x5e: {  	s0 =	sadd.s32 s29, s16  }
0x5f: {  	[tilespmem:s23], [sflag:$0x2] =	stream.indirect.gather.add.f32 [hbm:s5], $0x80, s0, s21, $0xb8;
	[tilespmem:$0xCD00] =	vst v63  }
0x60: {  	s0 =	sadd.s32 s29, s17  }
0x61: {  	[tilespmem:s23], [sflag:$0x2] =	stream.indirect.gather.add.f32 [hbm:s5], $0x80, s0, s21, $0xb8;
	[tilespmem:$0xCD00] =	vst v63  }
0x62: {  	_ =	swait.ge [sflag:s24], $0x2800  }
0x63: {  	[sflag:s24] =	ssyncset.done $0x0  }
0x64: {  	[sflag:s24] =	ssyncadd.s32 $0xFFFFD800  }
0x65: {  	_ =	swait.ge [sflag:s24], $0x2800  }
0x66: {  	[sflag:s24] =	ssyncset.done $0x0  }
0x67: {  	[sflag:s24] =	ssyncadd.s32 $0xFFFFD800  }
0x68: {  	_ =	swait.ge [sflag:s24], $0x2800  }
0x69: {  	[sflag:s24] =	ssyncset.done $0x0  }
0x6a: {  	[sflag:s24] =	ssyncadd.s32 $0xFFFFD800  }
0x6b: {  	_ =	swait.ge [sflag:s24], $0x2800  }
0x6c: {  	[sflag:s24] =	ssyncset.done $0x0  }
0x6d: {  	[sflag:s24] =	ssyncadd.s32 $0xFFFFD800  }
0x6e: {  	_ =	swait.ge [sflag:s24], $0x2800  }
0x6f: {  	[sflag:s24] =	ssyncset.done $0x0  }
0x70: {  	[sflag:s24] =	ssyncadd.s32 $0xFFFFD800  }
0x71: {  	_ =	swait.ge [sflag:s24], $0x2800  }
0x72: {  	[sflag:s24] =	ssyncset.done $0x0  }
0x73: {  	[sflag:s24] =	ssyncadd.s32 $0xFFFFD800  }
0x74: {  	_ =	swait.ge [sflag:s24], $0x2800  }
0x75: {  	[sflag:s24] =	ssyncset.done $0x0  }
0x76: {  	[sflag:s24] =	ssyncadd.s32 $0xFFFFD800  }
0x77: {  	_ =	swait.ge [sflag:s24], $0x2800  }
0x78: {  	[sflag:s24] =	ssyncset.done $0x0  }
0x79: {  	[sflag:s24] =	ssyncadd.s32 $0xFFFFD800  }
0x7a: {  	_ =	swait.ge [sflag:s24], $0x2800  }
0x7b: {  	[sflag:s24] =	ssyncset.done $0x0  }
0x7c: {  	[sflag:s24] =	ssyncadd.s32 $0xFFFFD800  }
0x7d: {  	_ =	swait.ge [sflag:s24], $0x2800  }
0x7e: {  	[sflag:s24] =	ssyncset.done $0x0  }
0x7f: {  	s31 =	simm.s32 $0x0;
	[sflag:s24] =	ssyncadd.s32 $0xFFFFD800  }
0x80: {  	v4 =	vld [tilespmem:s31+$0x7D00]  }
0x81: {  	v6 =	vld [tilespmem:s31+$0x7D10]  }
0x82: {  	v5 =	vld [tilespmem:s31+$0x7D20]  }
0x83: {  	v3 =	vld [tilespmem:s31+$0x7D30]  }
0x84: {  	v1 =	vld [tilespmem:s31+$0x7D40]  }
0x85: {  	v2 =	vld [tilespmem:s31+$0x7D50];
	v7 =	vmul.f32 $1.000000010e-01, v4  }
0x86: {  	s4 =	simm.s32 $0x200;
	v6 =	vmul.f32 $1.000000010e-01, v6;
	v4 =	vld [tilespmem:s31+$0x7D60]  }
.LBB2_7:
0x87: {  	s0 =	sshra.s32 s4, $0x2;
	p0 =	sne.s32 s4, $0x9E00;
	[tilespmem:s31+$0x7D00] =	vst v7;
	v5 =	vmul.f32 $1.000000010e-01, v5;
	v7 =	vld [tilespmem:s31+$0x7D70]  }
0x88: {  	v8 =	vld [tilespmem:s0+$0x7D00];
	[tilespmem:s31+$0x7D10] =	vst v6;
	v3 =	vmul.f32 $1.000000010e-01, v3  }
0x89: {  	v6 =	vld [tilespmem:s0+$0x7D10];
	[tilespmem:s31+$0x7D20] =	vst v5;
	v1 =	vmul.f32 $1.000000010e-01, v1  }
.Ltmp2:
0x8a: {  	v5 =	vld [tilespmem:s0+$0x7D20];
	[tilespmem:s31+$0x7D30] =	vst v3;
	v2 =	vmul.f32 $1.000000010e-01, v2;
	(pc) =	sbr.rel @p0 .LBB2_7-.Ltmp2, $4  }
0x8b: {  	v3 =	vld [tilespmem:s0+$0x7D30];
	[tilespmem:s31+$0x7D40] =	vst v1;
	v4 =	vmul.f32 $1.000000010e-01, v4  }
0x8c: {  	v1 =	vld [tilespmem:s0+$0x7D40];
	[tilespmem:s31+$0x7D50] =	vst v2;
	v9 =	vmul.f32 $1.000000010e-01, v7  }
0x8d: {  	v7 =	vmul.f32 $1.000000010e-01, v8;
	v2 =	vld [tilespmem:s0+$0x7D50];
	[tilespmem:s31+$0x7D60] =	vst v4  }
0x8e: {  	s4 =	sadd.s32 $0x200, s4;
	v6 =	vmul.f32 $1.000000010e-01, v6;
	v4 =	vld [tilespmem:s0+$0x7D60];
	[tilespmem:s31+$0x7D70] =	vst v9;
	s31 =	smov.u32 s0  }
0x8f: {  	[tilespmem:s31+$0x7D00] =	vst v7;
	v5 =	vmul.f32 $1.000000010e-01, v5;
	v63 =	vld [tilespmem:s31+$0x7D70]  }
0x90: {  	[tilespmem:s31+$0x7D10] =	vst v6;
	v3 =	vmul.f32 $1.000000010e-01, v3  }
0x91: {  	[tilespmem:s31+$0x7D20] =	vst v5;
	v1 =	vmul.f32 $1.000000010e-01, v1  }
0x92: {  	[tilespmem:s31+$0x7D30] =	vst v3;
	v2 =	vmul.f32 $1.000000010e-01, v2  }
0x93: {  	s0 =	sadd.s32 s1, s28;
	[tilespmem:s31+$0x7D40] =	vst v1;
	v1 =	vmul.f32 $1.000000010e-01, v4  }
0x94: {  	s0 =	smul.u32 $0xA00, s0;
	[tilespmem:s31+$0x7D50] =	vst v2;
	v2 =	vmul.f32 $1.000000010e-01, v63  }
0x95: {  	p0 =	sge.u32 s28, s18;
	[tilespmem:s31+$0x7D60] =	vst v1  }
.Ltmp3:
0x96: {  	s0 =	sadd.s32 s6, s0;
	[tilespmem:s31+$0x7D70] =	vst v2;
	s31 =	simm.s32 $0x0;
	(pc) =	sbr.rel @p0 .LBB2_12-.Ltmp3, $4  }
0x97: {  	[hbm4b:s0+s31] =	stream.linear.scatter [tilespmem:s22], [sflag:$0x3], $0x2800, $0x38;
	[tilespmem:$0xCD00] =	vst v63  }
0x98: {  	_ =	swait.ge [sflag:s20], $0x2800  }
0x99: {  	[sflag:s20] =	ssyncset.done $0x0  }
0x9a: {  	[sflag:s20] =	ssyncadd.s32 $0xFFFFD800  }
0x9b: {  	s4 =	sshra.s32 s31, $0x2;
	s31 =	sadd.s32 $0x200, s31  }
.LBB2_10:
0x9c: {  	p0 =	sne.s32 s31, $0x9E00;
	[tilespmem:s4+$0x7D70] =	vst v0  }
0x9d: {  	[tilespmem:s4+$0x7D00] =	vst v0  }
0x9e: {  	[tilespmem:s4+$0x7D10] =	vst v0  }
.Ltmp4:
0x9f: {  	[tilespmem:s4+$0x7D20] =	vst v0;
	(pc) =	sbr.rel @p0 .LBB2_10-.Ltmp4, $4  }
0xa0: {  	[tilespmem:s4+$0x7D30] =	vst v0  }
0xa1: {  	[tilespmem:s4+$0x7D40] =	vst v0  }
0xa2: {  	[tilespmem:s4+$0x7D50] =	vst v0  }
0xa3: {  	[tilespmem:s4+$0x7D60] =	vst v0;
	s4 =	sshra.s32 s31, $0x2;
	s31 =	sadd.s32 $0x200, s31  }
0xa4: {  	[tilespmem:s4+$0x7D70] =	vst v0  }
0xa5: {  	[tilespmem:s4+$0x7D00] =	vst v0  }
0xa6: {  	[tilespmem:s4+$0x7D10] =	vst v0  }
0xa7: {  	[tilespmem:s4+$0x7D20] =	vst v0  }
0xa8: {  	[tilespmem:s4+$0x7D30] =	vst v0  }
0xa9: {  	[tilespmem:s4+$0x7D40] =	vst v0  }
0xaa: {  	[tilespmem:s4+$0x7D50] =	vst v0  }
0xab: {  	[tilespmem:s4+$0x7D60] =	vst v0;
	s0 =	sadd.s32 $0xA0, s30  }
0xac: {  	[tilespmem:s22], [sflag:$0x1] =	stream.indirect.gather.add.f32 [hbm:s5], $0x80, s0, s21, $0xb8;
	[tilespmem:$0xCD00] =	vst v63  }
0xad: {  	s30 =	sadd.s32 s0, s9  }
0xae: {  	[tilespmem:s22], [sflag:$0x1] =	stream.indirect.gather.add.f32 [hbm:s5], $0x80, s30, s21, $0xb8;
	[tilespmem:$0xCD00] =	vst v63  }
0xaf: {  	s31 =	sadd.s32 s0, s10  }
0xb0: {  	[tilespmem:s22], [sflag:$0x1] =	stream.indirect.gather.add.f32 [hbm:s5], $0x80, s31, s21, $0xb8;
	[tilespmem:$0xCD00] =	vst v63  }
0xb1: {  	s30 =	sadd.s32 s0, s11  }
0xb2: {  	[tilespmem:s22], [sflag:$0x1] =	stream.indirect.gather.add.f32 [hbm:s5], $0x80, s30, s21, $0xb8;
	[tilespmem:$0xCD00] =	vst v63  }
0xb3: {  	s31 =	sadd.s32 s0, s12  }
0xb4: {  	[tilespmem:s22], [sflag:$0x1] =	stream.indirect.gather.add.f32 [hbm:s5], $0x80, s31, s21, $0xb8;
	[tilespmem:$0xCD00] =	vst v63  }
0xb5: {  	s30 =	sadd.s32 s0, s13  }
0xb6: {  	[tilespmem:s22], [sflag:$0x1] =	stream.indirect.gather.add.f32 [hbm:s5], $0x80, s30, s21, $0xb8;
	[tilespmem:$0xCD00] =	vst v63  }
0xb7: {  	s31 =	sadd.s32 s0, s14  }
0xb8: {  	[tilespmem:s22], [sflag:$0x1] =	stream.indirect.gather.add.f32 [hbm:s5], $0x80, s31, s21, $0xb8;
	[tilespmem:$0xCD00] =	vst v63  }
0xb9: {  	s30 =	sadd.s32 s0, s15  }
0xba: {  	[tilespmem:s22], [sflag:$0x1] =	stream.indirect.gather.add.f32 [hbm:s5], $0x80, s30, s21, $0xb8;
	[tilespmem:$0xCD00] =	vst v63  }
0xbb: {  	s31 =	sadd.s32 s0, s16  }
0xbc: {  	[tilespmem:s22], [sflag:$0x1] =	stream.indirect.gather.add.f32 [hbm:s5], $0x80, s31, s21, $0xb8;
	[tilespmem:$0xCD00] =	vst v63  }
0xbd: {  	s0 =	sadd.s32 s0, s17  }
0xbe: {  	[tilespmem:s22], [sflag:$0x1] =	stream.indirect.gather.add.f32 [hbm:s5], $0x80, s0, s21, $0xb8;
	[tilespmem:$0xCD00] =	vst v63  }
.LBB2_12:
0xbf: {  	_ =	swait.ge [sflag:s25], $0x2800  }
0xc0: {  	[sflag:s25] =	ssyncset.done $0x0  }
0xc1: {  	[sflag:s25] =	ssyncadd.s32 $0xFFFFD800  }
0xc2: {  	_ =	swait.ge [sflag:s25], $0x2800  }
0xc3: {  	[sflag:s25] =	ssyncset.done $0x0  }
0xc4: {  	[sflag:s25] =	ssyncadd.s32 $0xFFFFD800  }
0xc5: {  	_ =	swait.ge [sflag:s25], $0x2800  }
0xc6: {  	[sflag:s25] =	ssyncset.done $0x0  }
0xc7: {  	[sflag:s25] =	ssyncadd.s32 $0xFFFFD800  }
0xc8: {  	_ =	swait.ge [sflag:s25], $0x2800  }
0xc9: {  	[sflag:s25] =	ssyncset.done $0x0  }
0xca: {  	[sflag:s25] =	ssyncadd.s32 $0xFFFFD800  }
0xcb: {  	_ =	swait.ge [sflag:s25], $0x2800  }
0xcc: {  	[sflag:s25] =	ssyncset.done $0x0  }
0xcd: {  	[sflag:s25] =	ssyncadd.s32 $0xFFFFD800  }
0xce: {  	_ =	swait.ge [sflag:s25], $0x2800  }
0xcf: {  	[sflag:s25] =	ssyncset.done $0x0  }
0xd0: {  	[sflag:s25] =	ssyncadd.s32 $0xFFFFD800  }
0xd1: {  	_ =	swait.ge [sflag:s25], $0x2800  }
0xd2: {  	[sflag:s25] =	ssyncset.done $0x0  }
0xd3: {  	[sflag:s25] =	ssyncadd.s32 $0xFFFFD800  }
0xd4: {  	_ =	swait.ge [sflag:s25], $0x2800  }
0xd5: {  	[sflag:s25] =	ssyncset.done $0x0  }
0xd6: {  	[sflag:s25] =	ssyncadd.s32 $0xFFFFD800  }
0xd7: {  	_ =	swait.ge [sflag:s25], $0x2800  }
0xd8: {  	[sflag:s25] =	ssyncset.done $0x0  }
0xd9: {  	[sflag:s25] =	ssyncadd.s32 $0xFFFFD800  }
0xda: {  	_ =	swait.ge [sflag:s25], $0x2800  }
0xdb: {  	[sflag:s25] =	ssyncset.done $0x0  }
0xdc: {  	s30 =	simm.s32 $0x0;
	[sflag:s25] =	ssyncadd.s32 $0xFFFFD800  }
0xdd: {  	v4 =	vld [tilespmem:s30+$0xA500]  }
0xde: {  	v6 =	vld [tilespmem:s30+$0xA510]  }
0xdf: {  	v5 =	vld [tilespmem:s30+$0xA520]  }
0xe0: {  	v3 =	vld [tilespmem:s30+$0xA530]  }
0xe1: {  	v1 =	vld [tilespmem:s30+$0xA540]  }
0xe2: {  	v2 =	vld [tilespmem:s30+$0xA550];
	v7 =	vmul.f32 $1.000000010e-01, v4  }
0xe3: {  	s4 =	simm.s32 $0x200;
	v6 =	vmul.f32 $1.000000010e-01, v6;
	v4 =	vld [tilespmem:s30+$0xA560]  }
.LBB2_13:
0xe4: {  	s0 =	sshra.s32 s4, $0x2;
	p0 =	sne.s32 s4, $0x9E00;
	[tilespmem:s30+$0xA500] =	vst v7;
	v5 =	vmul.f32 $1.000000010e-01, v5;
	v7 =	vld [tilespmem:s30+$0xA570]  }
0xe5: {  	v8 =	vld [tilespmem:s0+$0xA500];
	[tilespmem:s30+$0xA510] =	vst v6;
	v3 =	vmul.f32 $1.000000010e-01, v3  }
0xe6: {  	v6 =	vld [tilespmem:s0+$0xA510];
	[tilespmem:s30+$0xA520] =	vst v5;
	v1 =	vmul.f32 $1.000000010e-01, v1  }
.Ltmp5:
0xe7: {  	v5 =	vld [tilespmem:s0+$0xA520];
	[tilespmem:s30+$0xA530] =	vst v3;
	v2 =	vmul.f32 $1.000000010e-01, v2;
	(pc) =	sbr.rel @p0 .LBB2_13-.Ltmp5, $4  }
0xe8: {  	v3 =	vld [tilespmem:s0+$0xA530];
	[tilespmem:s30+$0xA540] =	vst v1;
	v4 =	vmul.f32 $1.000000010e-01, v4  }
0xe9: {  	v1 =	vld [tilespmem:s0+$0xA540];
	[tilespmem:s30+$0xA550] =	vst v2;
	v9 =	vmul.f32 $1.000000010e-01, v7  }
0xea: {  	v7 =	vmul.f32 $1.000000010e-01, v8;
	v2 =	vld [tilespmem:s0+$0xA550];
	[tilespmem:s30+$0xA560] =	vst v4  }
0xeb: {  	s4 =	sadd.s32 $0x200, s4;
	v6 =	vmul.f32 $1.000000010e-01, v6;
	v4 =	vld [tilespmem:s0+$0xA560];
	[tilespmem:s30+$0xA570] =	vst v9;
	s30 =	smov.u32 s0  }
0xec: {  	[tilespmem:s30+$0xA500] =	vst v7;
	v5 =	vmul.f32 $1.000000010e-01, v5;
	v63 =	vld [tilespmem:s30+$0xA570]  }
0xed: {  	[tilespmem:s30+$0xA510] =	vst v6;
	v3 =	vmul.f32 $1.000000010e-01, v3  }
0xee: {  	[tilespmem:s30+$0xA520] =	vst v5;
	v1 =	vmul.f32 $1.000000010e-01, v1  }
0xef: {  	[tilespmem:s30+$0xA530] =	vst v3;
	v2 =	vmul.f32 $1.000000010e-01, v2  }
0xf0: {  	[tilespmem:s30+$0xA540] =	vst v1;
	v1 =	vmul.f32 $1.000000010e-01, v4  }
0xf1: {  	s0 =	sadd.s32 s3, s29;
	s28 =	sadd.s32 $0x1, s28;
	[tilespmem:s30+$0xA550] =	vst v2;
	v2 =	vmul.f32 $1.000000010e-01, v63  }
0xf2: {  	s0 =	sshll.u32 s0, $0x4;
	p0 =	sne.s32 s28, s2;
	[tilespmem:s30+$0xA560] =	vst v1  }
.Ltmp6:
0xf3: {  	s0 =	sadd.s32 s6, s0;
	[tilespmem:s30+$0xA570] =	vst v2;
	(pc) =	sbr.rel @p0 .LBB2_4-.Ltmp6, $4  }
0xf4: {  	[hbm4b:s0+s7] =	stream.linear.scatter [tilespmem:s23], [sflag:$0x3], $0x2800, $0x38;
	[tilespmem:$0xCD00] =	vst v63  }
0xf5: {  	_ =	swait.ge [sflag:s20], $0x2800  }
0xf6: {  	[sflag:s20] =	ssyncset.done $0x0  }
0xf7: {  	[sflag:s20] =	ssyncadd.s32 $0xFFFFD800  }
0xf8: {  	s26 =	sadd.s32 $0x1, s26  }
0xf9: {  	p0 =	sne.s32 s26, s19  }
.Ltmp7:
0xfa: {  	_ = 	snop;
	(pc) =	sbr.rel @p0 .LBB2_1-.Ltmp7, $1  }
0xfb: {  	_ =	sdelay $0x3  }
0xfc: {  	_ =	sfence.sel $0x180000  }
0xfd: {  	[bflag:$0x0] =	sbarrier.arrive $0xFFFF  }
0xfe: {  	_ =	strace $0x90000047  }
0xff: {  	s0 =	stileid.u32;
	[bflag:$0x2] =	sbarrier.arrive $0xFFFF  }
0x100: {  	p0 =	sne.s32 s0, $0x0;
	s0 =	rddreg [dreg:$0x3]  }
0x101: {  	s0 =	sadd.s32 @!p0 $0x100000, s0  }
0x102: {  	[sflag:s0] =	ssyncadd.tile.s32 @!p0 $0x1;
	_ =	shalt  }
.Lfunc_end2:
_tile_overlayer_lowered:
.L_overlay_start_2:
0x103: {  	(tag) =	ssettag $0x2  }
0x104: {  	s0 =	rddreg [dreg:$0x0];
	s2 =	stileid.u32  }
0x105: {  	s1 =	rddreg [dreg:$0x1];
	p0 =	sne.s32 s2, $0x0  }
0x106: {  	s3 =	rddreg [dreg:$0x2];
	[bflag:$0x3] =	sbarrier.arrive $0xFFFF;
	s2 =	simm.s32 @!p0 $0x1C03  }
0x107: {  	[timem:s3], [sflag:s2] =	dma.local @!p0 [hbm:s0], s1  }
0x108: {  	s0 =	simm.s32 @!p0 $0x3  }
0x109: {  	_ =	swait.ge @!p0 [sflag:s0], s1  }
0x10a: {  	s1 =	ssub.s32 @!p0 $0x0, s1;
	[sflag:s0] =	ssyncset.done @!p0 $0x0  }
0x10b: {  	[sflag:s0] =	ssyncadd.s32 @!p0 s1  }
0x10c: {  	[bflag:$0x3] =	sbarrier.arrive $0xFFFF  }
0x10d: {  	_ =	shalt  }

</sc_bundles>
